<compile_context>
chip_gen: v7x
topology: tpu7x:2x2x1
jax: 0.10.2.dev20260603
libtpu: 0.0.44.dev20260713+nightly
codegen_flags: <defaults>
</compile_context>

<pallas_src>
import functools
import jax
import jax.numpy as jnp
from jax import lax
from jax.experimental import pallas as pl
from jax.experimental.pallas import tpu as pltpu
from jax.experimental.pallas import tpu_sc as plsc

_NW = 32
_CH = 32000


def _make_sc_call(n_rows, T):
    nch = T // _CH
    rows_per_w = n_rows // _NW
    n_t = rows_per_w * nch
    mesh = plsc.VectorSubcoreMesh(core_axis_name="c", subcore_axis_name="s")

    @functools.partial(
        pl.kernel,
        mesh=mesh,
        out_type=jax.ShapeDtypeStruct((n_rows, T), jnp.float32),
        scratch_types=[
            pltpu.VMEM((n_rows + 16,), jnp.int32),
            pltpu.VMEM((2, _CH), jnp.float32),
            pltpu.SemaphoreType.DMA,
            pltpu.SemaphoreType.DMA,
            pltpu.SemaphoreType.DMA,
            pltpu.SemaphoreType.DMA,
        ],
    )
    def sc_call(in_hbm, gidx_hbm, out_hbm, gidx_v, buf, rs0, rs1, ws0, ws1):
        wid = lax.axis_index("s") * 2 + lax.axis_index("c")
        pltpu.sync_copy(gidx_hbm, gidx_v)
        r0 = wid * rows_per_w
        rsems = (rs0, rs1)
        wsems = (ws0, ws1)

        def src_row(row):
            return gidx_v[pl.ds(row, 16)][0]

        def read(t, slot):
            row = r0 + t // nch
            c = t % nch
            return pltpu.make_async_copy(
                in_hbm.at[src_row(row), pl.ds(c * _CH, _CH)],
                buf.at[slot],
                rsems[slot],
            )

        def write(t, slot):
            row = r0 + t // nch
            c = t % nch
            return pltpu.make_async_copy(
                buf.at[slot],
                out_hbm.at[row, pl.ds(c * _CH, _CH)],
                wsems[slot],
            )

        read(0, 0).start()
        for t in range(n_t):
            nb = (t + 1) % 2
            cb = t % 2
            if t + 1 < n_t:
                if t + 1 >= 2:
                    write(t - 1, nb).wait()
                read(t + 1, nb).start()
            read(t, cb).wait()
            write(t, cb).start()
        write(n_t - 2, 0 if (n_t - 2) % 2 == 0 else 1).wait()
        write(n_t - 1, 0 if (n_t - 1) % 2 == 0 else 1).wait()

    return sc_call


def kernel(sources):
    S, B, C, T = sources.shape
    n_rows = S * B
    flat = sources.reshape(n_rows, T)

    perm = jnp.argsort(jax.random.uniform(jax.random.key(42), (B,)))
    gidx = jnp.concatenate(
        [perm.astype(jnp.int32), (B + jnp.arange(B)).astype(jnp.int32),
         jnp.zeros((16,), jnp.int32)]
    )

    out = _make_sc_call(n_rows, T)(flat, gidx)
    return out.reshape(S, B, C, T)

# --- scband reference (transcript-rebuilt; emitter-appended) ---
"""Pipeline reference for scband-remix-34076270527165 (READ-ONLY COPY).

The authoritative reference and input builder live on the scoring server;
editing this copy changes nothing except your own understanding.
"""

import jax, jax.numpy as jnp
import numpy as np


def setup_inputs(seed: int = 0) -> dict:
    key = jax.random.key(seed)
    sources = jax.random.normal(key, (2, 64, 1, 160000), dtype=jnp.float32)
    return {"sources": sources}


def reference(sources):
    # sources: [2, bs, C, T] -> (noise, clean)
    noise = sources[0]
    clean = sources[1]
    bs = noise.shape[0]
    # torch.argsort(torch.rand(bs)) == random permutation of batch indices
    pkey = jax.random.key(42)
    perm = jnp.argsort(jax.random.uniform(pkey, (bs,)))
    return jnp.stack([jnp.take(noise, perm, axis=0), clean])

if __name__ == "__main__":
    import jax
    _d = setup_inputs()
    print(jax.jit(kernel)(*tuple(_d.values())))

</pallas_src>

<mosaic_0001>
#map = affine_map<(d0, d1) -> (0, 0)>
#map1 = affine_map<(d0, d1) -> (0)>
module attributes {stable_mosaic.version = 14 : i64} {
  func.func @sc_call(%arg0: i32, %arg1: i32, %arg2: memref<128x160000xf32, #tpu.memory_space<hbm>>, %arg3: memref<144xi32, #tpu.memory_space<hbm>>, %arg4: memref<128x160000xf32, #tpu.memory_space<hbm>>, %arg5: memref<144xi32, #tpu.memory_space<vmem>>, %arg6: memref<2x32000xf32, #tpu.memory_space<vmem>>, %arg7: memref<!tpu.dma_semaphore, #tpu.memory_space<semaphore_mem>>, %arg8: memref<!tpu.dma_semaphore, #tpu.memory_space<semaphore_mem>>, %arg9: memref<!tpu.dma_semaphore, #tpu.memory_space<semaphore_mem>>, %arg10: memref<!tpu.dma_semaphore, #tpu.memory_space<semaphore_mem>>) attributes {dimension_semantics = [#tpu.dimension_semantics<core_parallel>, #tpu.dimension_semantics<subcore_parallel>], iteration_bounds = array<i64: 2, 16>, scalar_prefetch = 0 : i64, scratch_operands = 6 : i64, tpu.core_type = #tpu.core_type<sc_vector_subcore>, window_params = [{transform_indices = #map}, {transform_indices = #map1}, {transform_indices = #map}]} {
    %mul3A = arith.constant 2 : i32
    %mul3A_0 = arith.muli %arg1, %mul3A : i32
    %add3A = arith.addi %mul3A_0, %arg0 : i32
    "tpu.region"() ({
      %run_scoped3A = tpu.sem_alloc : memref<!tpu.dma_semaphore, #tpu.memory_space<semaphore_mem>>
      tpu.enqueue_dma source(%arg3 : memref<144xi32, #tpu.memory_space<hbm>>) target(%arg5 : memref<144xi32, #tpu.memory_space<vmem>>) target_semaphore(%run_scoped3A : memref<!tpu.dma_semaphore, #tpu.memory_space<semaphore_mem>>)
      tpu.wait_dma2 semaphore(%run_scoped3A : memref<!tpu.dma_semaphore, #tpu.memory_space<semaphore_mem>>) src(%arg3 : memref<144xi32, #tpu.memory_space<hbm>>) dst(%arg5 : memref<144xi32, #tpu.memory_space<vmem>>)
      tpu.yield
    }) : () -> ()
    %mul3A_1 = arith.constant 4 : i32
    %mul3A_2 = arith.muli %add3A, %mul3A_1 : i32
    %add3A_3 = arith.constant 0 : i32
    %add3A_4 = arith.addi %mul3A_2, %add3A_3 : i32
    %get3A = arith.index_cast %add3A_4 : i32 to index
    %get3A_5 = tpu.vector_load %arg5[%get3A] {strides = array<i32>} : memref<144xi32, #tpu.memory_space<vmem>>, vector<16xi32>,
    %get3A_6 = vector.shape_cast %get3A_5 : vector<16xi32> to vector<16xi32>
    %slice3A = vector.extract_strided_slice %get3A_6 {offsets = [0], sizes = [1], strides = [1]} : vector<16xi32> to vector<1xi32>
    %squeeze3A = vector.extract %slice3A[0] : i32 from vector<1xi32>
    %dma_start3A = arith.constant 0 : i32
    %dma_start3A_7 = arith.constant 0 : i32
    %dma_start3A_8 = tpu.memref_slice %arg6[%dma_start3A, %dma_start3A_7] : memref<2x32000xf32, #tpu.memory_space<vmem>> -> memref<1x32000xf32, #tpu.memory_space<vmem>>
    %dma_start3A_9 = tpu.memref_squeeze %dma_start3A_8 : memref<1x32000xf32, #tpu.memory_space<vmem>> -> memref<32000xf32, #tpu.memory_space<vmem>>
    %dma_start3A_10 = arith.constant 0 : i32
    %dma_start3A_11 = tpu.memref_slice %arg2[%squeeze3A, %dma_start3A_10] : memref<128x160000xf32, #tpu.memory_space<hbm>> -> memref<1x32000xf32, #tpu.memory_space<hbm>>
    %dma_start3A_12 = tpu.memref_squeeze %dma_start3A_11 : memref<1x32000xf32, #tpu.memory_space<hbm>> -> memref<32000xf32, #tpu.memory_space<hbm>>
    %dma_start3A_13 = arith.constant 0 : i32
    %dma_start3A_14 = tpu.memref_slice %arg6[%dma_start3A, %dma_start3A_13] : memref<2x32000xf32, #tpu.memory_space<vmem>> -> memref<1x32000xf32, #tpu.memory_space<vmem>>
    %dma_start3A_15 = tpu.memref_squeeze %dma_start3A_14 : memref<1x32000xf32, #tpu.memory_space<vmem>> -> memref<32000xf32, #tpu.memory_space<vmem>>
    %dma_start3A_16 = arith.constant 0 : i32
    %dma_start3A_17 = tpu.memref_slice %arg2[%squeeze3A, %dma_start3A_16] : memref<128x160000xf32, #tpu.memory_space<hbm>> -> memref<1x32000xf32, #tpu.memory_space<hbm>>
    %dma_start3A_18 = tpu.memref_squeeze %dma_start3A_17 : memref<1x32000xf32, #tpu.memory_space<hbm>> -> memref<32000xf32, #tpu.memory_space<hbm>>
    tpu.enqueue_dma source(%dma_start3A_18 : memref<32000xf32, #tpu.memory_space<hbm>>) target(%dma_start3A_15 : memref<32000xf32, #tpu.memory_space<vmem>>) target_semaphore(%arg7 : memref<!tpu.dma_semaphore, #tpu.memory_space<semaphore_mem>>)
    %add3A_19 = arith.constant 0 : i32
    %add3A_20 = arith.addi %mul3A_2, %add3A_19 : i32
    %get3A_21 = arith.index_cast %add3A_20 : i32 to index
    %get3A_22 = tpu.vector_load %arg5[%get3A_21] {strides = array<i32>} : memref<144xi32, #tpu.memory_space<vmem>>, vector<16xi32>,
    %get3A_23 = vector.shape_cast %get3A_22 : vector<16xi32> to vector<16xi32>
    %slice3A_24 = vector.extract_strided_slice %get3A_23 {offsets = [0], sizes = [1], strides = [1]} : vector<16xi32> to vector<1xi32>
    %squeeze3A_25 = vector.extract %slice3A_24[0] : i32 from vector<1xi32>
    %dma_start3A_26 = arith.constant 1 : i32
    %dma_start3A_27 = arith.constant 0 : i32
    %dma_start3A_28 = tpu.memref_slice %arg6[%dma_start3A_26, %dma_start3A_27] : memref<2x32000xf32, #tpu.memory_space<vmem>> -> memref<1x32000xf32, #tpu.memory_space<vmem>>
    %dma_start3A_29 = tpu.memref_squeeze %dma_start3A_28 : memref<1x32000xf32, #tpu.memory_space<vmem>> -> memref<32000xf32, #tpu.memory_space<vmem>>
    %dma_start3A_30 = arith.constant 32000 : i32
    %dma_start3A_31 = tpu.memref_slice %arg2[%squeeze3A_25, %dma_start3A_30] : memref<128x160000xf32, #tpu.memory_space<hbm>> -> memref<1x32000xf32, #tpu.memory_space<hbm>>
    %dma_start3A_32 = tpu.memref_squeeze %dma_start3A_31 : memref<1x32000xf32, #tpu.memory_space<hbm>> -> memref<32000xf32, #tpu.memory_space<hbm>>
    %dma_start3A_33 = arith.constant 0 : i32
    %dma_start3A_34 = tpu.memref_slice %arg6[%dma_start3A_26, %dma_start3A_33] : memref<2x32000xf32, #tpu.memory_space<vmem>> -> memref<1x32000xf32, #tpu.memory_space<vmem>>
    %dma_start3A_35 = tpu.memref_squeeze %dma_start3A_34 : memref<1x32000xf32, #tpu.memory_space<vmem>> -> memref<32000xf32, #tpu.memory_space<vmem>>
    %dma_start3A_36 = arith.constant 32000 : i32
    %dma_start3A_37 = tpu.memref_slice %arg2[%squeeze3A_25, %dma_start3A_36] : memref<128x160000xf32, #tpu.memory_space<hbm>> -> memref<1x32000xf32, #tpu.memory_space<hbm>>
    %dma_start3A_38 = tpu.memref_squeeze %dma_start3A_37 : memref<1x32000xf32, #tpu.memory_space<hbm>> -> memref<32000xf32, #tpu.memory_space<hbm>>
    tpu.enqueue_dma source(%dma_start3A_38 : memref<32000xf32, #tpu.memory_space<hbm>>) target(%dma_start3A_35 : memref<32000xf32, #tpu.memory_space<vmem>>) target_semaphore(%arg8 : memref<!tpu.dma_semaphore, #tpu.memory_space<semaphore_mem>>)
    %add3A_39 = arith.constant 0 : i32
    %add3A_40 = arith.addi %mul3A_2, %add3A_39 : i32
    %get3A_41 = arith.index_cast %add3A_40 : i32 to index
    %get3A_42 = tpu.vector_load %arg5[%get3A_41] {strides = array<i32>} : memref<144xi32, #tpu.memory_space<vmem>>, vector<16xi32>,
    %get3A_43 = vector.shape_cast %get3A_42 : vector<16xi32> to vector<16xi32>
    %slice3A_44 = vector.extract_strided_slice %get3A_43 {offsets = [0], sizes = [1], strides = [1]} : vector<16xi32> to vector<1xi32>
    %squeeze3A_45 = vector.extract %slice3A_44[0] : i32 from vector<1xi32>
    %dma_wait3A = arith.constant 0 : i32
    %dma_wait3A_46 = arith.constant 0 : i32
    %dma_wait3A_47 = tpu.memref_slice %arg6[%dma_wait3A, %dma_wait3A_46] : memref<2x32000xf32, #tpu.memory_space<vmem>> -> memref<1x32000xf32, #tpu.memory_space<vmem>>
    %dma_wait3A_48 = tpu.memref_squeeze %dma_wait3A_47 : memref<1x32000xf32, #tpu.memory_space<vmem>> -> memref<32000xf32, #tpu.memory_space<vmem>>
    %dma_wait3A_49 = arith.constant 0 : i32
    %dma_wait3A_50 = tpu.memref_slice %arg2[%squeeze3A_45, %dma_wait3A_49] : memref<128x160000xf32, #tpu.memory_space<hbm>> -> memref<1x32000xf32, #tpu.memory_space<hbm>>
    %dma_wait3A_51 = tpu.memref_squeeze %dma_wait3A_50 : memref<1x32000xf32, #tpu.memory_space<hbm>> -> memref<32000xf32, #tpu.memory_space<hbm>>
    %dma_wait3A_52 = arith.constant 0 : i32
    %dma_wait3A_53 = tpu.memref_slice %arg6[%dma_wait3A, %dma_wait3A_52] : memref<2x32000xf32, #tpu.memory_space<vmem>> -> memref<1x32000xf32, #tpu.memory_space<vmem>>
    %dma_wait3A_54 = tpu.memref_squeeze %dma_wait3A_53 : memref<1x32000xf32, #tpu.memory_space<vmem>> -> memref<32000xf32, #tpu.memory_space<vmem>>
    %dma_wait3A_55 = arith.constant 0 : i32
    %dma_wait3A_56 = tpu.memref_slice %arg2[%squeeze3A_45, %dma_wait3A_55] : memref<128x160000xf32, #tpu.memory_space<hbm>> -> memref<1x32000xf32, #tpu.memory_space<hbm>>
    %dma_wait3A_57 = tpu.memref_squeeze %dma_wait3A_56 : memref<1x32000xf32, #tpu.memory_space<hbm>> -> memref<32000xf32, #tpu.memory_space<hbm>>
    tpu.wait_dma2 semaphore(%arg7 : memref<!tpu.dma_semaphore, #tpu.memory_space<semaphore_mem>>) src(%dma_wait3A_57 : memref<32000xf32, #tpu.memory_space<hbm>>) dst(%dma_wait3A_54 : memref<32000xf32, #tpu.memory_space<vmem>>)
    %add3A_58 = arith.constant 0 : i32
    %add3A_59 = arith.addi %mul3A_2, %add3A_58 : i32
    %dma_start3A_60 = arith.constant 0 : i32
    %dma_start3A_61 = arith.constant 0 : i32
    %dma_start3A_62 = tpu.memref_slice %arg6[%dma_start3A_60, %dma_start3A_61] : memref<2x32000xf32, #tpu.memory_space<vmem>> -> memref<1x32000xf32, #tpu.memory_space<vmem>>
    %dma_start3A_63 = tpu.memref_squeeze %dma_start3A_62 : memref<1x32000xf32, #tpu.memory_space<vmem>> -> memref<32000xf32, #tpu.memory_space<vmem>>
    %dma_start3A_64 = arith.constant 0 : i32
    %dma_start3A_65 = tpu.memref_slice %arg4[%add3A_59, %dma_start3A_64] : memref<128x160000xf32, #tpu.memory_space<hbm>> -> memref<1x32000xf32, #tpu.memory_space<hbm>>
    %dma_start3A_66 = tpu.memref_squeeze %dma_start3A_65 : memref<1x32000xf32, #tpu.memory_space<hbm>> -> memref<32000xf32, #tpu.memory_space<hbm>>
    %dma_start3A_67 = arith.constant 0 : i32
    %dma_start3A_68 = tpu.memref_slice %arg4[%add3A_59, %dma_start3A_67] : memref<128x160000xf32, #tpu.memory_space<hbm>> -> memref<1x32000xf32, #tpu.memory_space<hbm>>
    %dma_start3A_69 = tpu.memref_squeeze %dma_start3A_68 : memref<1x32000xf32, #tpu.memory_space<hbm>> -> memref<32000xf32, #tpu.memory_space<hbm>>
    %dma_start3A_70 = arith.constant 0 : i32
    %dma_start3A_71 = tpu.memref_slice %arg6[%dma_start3A_60, %dma_start3A_70] : memref<2x32000xf32, #tpu.memory_space<vmem>> -> memref<1x32000xf32, #tpu.memory_space<vmem>>
    %dma_start3A_72 = tpu.memref_squeeze %dma_start3A_71 : memref<1x32000xf32, #tpu.memory_space<vmem>> -> memref<32000xf32, #tpu.memory_space<vmem>>
    tpu.enqueue_dma source(%dma_start3A_72 : memref<32000xf32, #tpu.memory_space<vmem>>) target(%dma_start3A_69 : memref<32000xf32, #tpu.memory_space<hbm>>) target_semaphore(%arg9 : memref<!tpu.dma_semaphore, #tpu.memory_space<semaphore_mem>>)
    %add3A_73 = arith.constant 0 : i32
    %add3A_74 = arith.addi %mul3A_2, %add3A_73 : i32
    %dma_wait3A_75 = arith.constant 0 : i32
    %dma_wait3A_76 = arith.constant 0 : i32
    %dma_wait3A_77 = tpu.memref_slice %arg6[%dma_wait3A_75, %dma_wait3A_76] : memref<2x32000xf32, #tpu.memory_space<vmem>> -> memref<1x32000xf32, #tpu.memory_space<vmem>>
    %dma_wait3A_78 = tpu.memref_squeeze %dma_wait3A_77 : memref<1x32000xf32, #tpu.memory_space<vmem>> -> memref<32000xf32, #tpu.memory_space<vmem>>
    %dma_wait3A_79 = arith.constant 0 : i32
    %dma_wait3A_80 = tpu.memref_slice %arg4[%add3A_74, %dma_wait3A_79] : memref<128x160000xf32, #tpu.memory_space<hbm>> -> memref<1x32000xf32, #tpu.memory_space<hbm>>
    %dma_wait3A_81 = tpu.memref_squeeze %dma_wait3A_80 : memref<1x32000xf32, #tpu.memory_space<hbm>> -> memref<32000xf32, #tpu.memory_space<hbm>>
    %dma_wait3A_82 = arith.constant 0 : i32
    %dma_wait3A_83 = tpu.memref_slice %arg4[%add3A_74, %dma_wait3A_82] : memref<128x160000xf32, #tpu.memory_space<hbm>> -> memref<1x32000xf32, #tpu.memory_space<hbm>>
    %dma_wait3A_84 = tpu.memref_squeeze %dma_wait3A_83 : memref<1x32000xf32, #tpu.memory_space<hbm>> -> memref<32000xf32, #tpu.memory_space<hbm>>
    %dma_wait3A_85 = arith.constant 0 : i32
    %dma_wait3A_86 = tpu.memref_slice %arg6[%dma_wait3A_75, %dma_wait3A_85] : memref<2x32000xf32, #tpu.memory_space<vmem>> -> memref<1x32000xf32, #tpu.memory_space<vmem>>
    %dma_wait3A_87 = tpu.memref_squeeze %dma_wait3A_86 : memref<1x32000xf32, #tpu.memory_space<vmem>> -> memref<32000xf32, #tpu.memory_space<vmem>>
    tpu.wait_dma2 semaphore(%arg9 : memref<!tpu.dma_semaphore, #tpu.memory_space<semaphore_mem>>) src(%dma_wait3A_87 : memref<32000xf32, #tpu.memory_space<vmem>>) dst(%dma_wait3A_84 : memref<32000xf32, #tpu.memory_space<hbm>>)
    %add3A_88 = arith.constant 0 : i32
    %add3A_89 = arith.addi %mul3A_2, %add3A_88 : i32
    %get3A_90 = arith.index_cast %add3A_89 : i32 to index
    %get3A_91 = tpu.vector_load %arg5[%get3A_90] {strides = array<i32>} : memref<144xi32, #tpu.memory_space<vmem>>, vector<16xi32>,
    %get3A_92 = vector.shape_cast %get3A_91 : vector<16xi32> to vector<16xi32>
    %slice3A_93 = vector.extract_strided_slice %get3A_92 {offsets = [0], sizes = [1], strides = [1]} : vector<16xi32> to vector<1xi32>
    %squeeze3A_94 = vector.extract %slice3A_93[0] : i32 from vector<1xi32>
    %dma_start3A_95 = arith.constant 0 : i32
    %dma_start3A_96 = arith.constant 0 : i32
    %dma_start3A_97 = tpu.memref_slice %arg6[%dma_start3A_95, %dma_start3A_96] : memref<2x32000xf32, #tpu.memory_space<vmem>> -> memref<1x32000xf32, #tpu.memory_space<vmem>>
    %dma_start3A_98 = tpu.memref_squeeze %dma_start3A_97 : memref<1x32000xf32, #tpu.memory_space<vmem>> -> memref<32000xf32, #tpu.memory_space<vmem>>
    %dma_start3A_99 = arith.constant 64000 : i32
    %dma_start3A_100 = tpu.memref_slice %arg2[%squeeze3A_94, %dma_start3A_99] : memref<128x160000xf32, #tpu.memory_space<hbm>> -> memref<1x32000xf32, #tpu.memory_space<hbm>>
    %dma_start3A_101 = tpu.memref_squeeze %dma_start3A_100 : memref<1x32000xf32, #tpu.memory_space<hbm>> -> memref<32000xf32, #tpu.memory_space<hbm>>
    %dma_start3A_102 = arith.constant 0 : i32
    %dma_start3A_103 = tpu.memref_slice %arg6[%dma_start3A_95, %dma_start3A_102] : memref<2x32000xf32, #tpu.memory_space<vmem>> -> memref<1x32000xf32, #tpu.memory_space<vmem>>
    %dma_start3A_104 = tpu.memref_squeeze %dma_start3A_103 : memref<1x32000xf32, #tpu.memory_space<vmem>> -> memref<32000xf32, #tpu.memory_space<vmem>>
    %dma_start3A_105 = arith.constant 64000 : i32
    %dma_start3A_106 = tpu.memref_slice %arg2[%squeeze3A_94, %dma_start3A_105] : memref<128x160000xf32, #tpu.memory_space<hbm>> -> memref<1x32000xf32, #tpu.memory_space<hbm>>
    %dma_start3A_107 = tpu.memref_squeeze %dma_start3A_106 : memref<1x32000xf32, #tpu.memory_space<hbm>> -> memref<32000xf32, #tpu.memory_space<hbm>>
    tpu.enqueue_dma source(%dma_start3A_107 : memref<32000xf32, #tpu.memory_space<hbm>>) target(%dma_start3A_104 : memref<32000xf32, #tpu.memory_space<vmem>>) target_semaphore(%arg7 : memref<!tpu.dma_semaphore, #tpu.memory_space<semaphore_mem>>)
    %add3A_108 = arith.constant 0 : i32
    %add3A_109 = arith.addi %mul3A_2, %add3A_108 : i32
    %get3A_110 = arith.index_cast %add3A_109 : i32 to index
    %get3A_111 = tpu.vector_load %arg5[%get3A_110] {strides = array<i32>} : memref<144xi32, #tpu.memory_space<vmem>>, vector<16xi32>,
    %get3A_112 = vector.shape_cast %get3A_111 : vector<16xi32> to vector<16xi32>
    %slice3A_113 = vector.extract_strided_slice %get3A_112 {offsets = [0], sizes = [1], strides = [1]} : vector<16xi32> to vector<1xi32>
    %squeeze3A_114 = vector.extract %slice3A_113[0] : i32 from vector<1xi32>
    %dma_wait3A_115 = arith.constant 1 : i32
    %dma_wait3A_116 = arith.constant 0 : i32
    %dma_wait3A_117 = tpu.memref_slice %arg6[%dma_wait3A_115, %dma_wait3A_116] : memref<2x32000xf32, #tpu.memory_space<vmem>> -> memref<1x32000xf32, #tpu.memory_space<vmem>>
    %dma_wait3A_118 = tpu.memref_squeeze %dma_wait3A_117 : memref<1x32000xf32, #tpu.memory_space<vmem>> -> memref<32000xf32, #tpu.memory_space<vmem>>
    %dma_wait3A_119 = arith.constant 32000 : i32
    %dma_wait3A_120 = tpu.memref_slice %arg2[%squeeze3A_114, %dma_wait3A_119] : memref<128x160000xf32, #tpu.memory_space<hbm>> -> memref<1x32000xf32, #tpu.memory_space<hbm>>
    %dma_wait3A_121 = tpu.memref_squeeze %dma_wait3A_120 : memref<1x32000xf32, #tpu.memory_space<hbm>> -> memref<32000xf32, #tpu.memory_space<hbm>>
    %dma_wait3A_122 = arith.constant 0 : i32
    %dma_wait3A_123 = tpu.memref_slice %arg6[%dma_wait3A_115, %dma_wait3A_122] : memref<2x32000xf32, #tpu.memory_space<vmem>> -> memref<1x32000xf32, #tpu.memory_space<vmem>>
    %dma_wait3A_124 = tpu.memref_squeeze %dma_wait3A_123 : memref<1x32000xf32, #tpu.memory_space<vmem>> -> memref<32000xf32, #tpu.memory_space<vmem>>
    %dma_wait3A_125 = arith.constant 32000 : i32
    %dma_wait3A_126 = tpu.memref_slice %arg2[%squeeze3A_114, %dma_wait3A_125] : memref<128x160000xf32, #tpu.memory_space<hbm>> -> memref<1x32000xf32, #tpu.memory_space<hbm>>
    %dma_wait3A_127 = tpu.memref_squeeze %dma_wait3A_126 : memref<1x32000xf32, #tpu.memory_space<hbm>> -> memref<32000xf32, #tpu.memory_space<hbm>>
    tpu.wait_dma2 semaphore(%arg8 : memref<!tpu.dma_semaphore, #tpu.memory_space<semaphore_mem>>) src(%dma_wait3A_127 : memref<32000xf32, #tpu.memory_space<hbm>>) dst(%dma_wait3A_124 : memref<32000xf32, #tpu.memory_space<vmem>>)
    %add3A_128 = arith.constant 0 : i32
    %add3A_129 = arith.addi %mul3A_2, %add3A_128 : i32
    %dma_start3A_130 = arith.constant 1 : i32
    %dma_start3A_131 = arith.constant 0 : i32
    %dma_start3A_132 = tpu.memref_slice %arg6[%dma_start3A_130, %dma_start3A_131] : memref<2x32000xf32, #tpu.memory_space<vmem>> -> memref<1x32000xf32, #tpu.memory_space<vmem>>
    %dma_start3A_133 = tpu.memref_squeeze %dma_start3A_132 : memref<1x32000xf32, #tpu.memory_space<vmem>> -> memref<32000xf32, #tpu.memory_space<vmem>>
    %dma_start3A_134 = arith.constant 32000 : i32
    %dma_start3A_135 = tpu.memref_slice %arg4[%add3A_129, %dma_start3A_134] : memref<128x160000xf32, #tpu.memory_space<hbm>> -> memref<1x32000xf32, #tpu.memory_space<hbm>>
    %dma_start3A_136 = tpu.memref_squeeze %dma_start3A_135 : memref<1x32000xf32, #tpu.memory_space<hbm>> -> memref<32000xf32, #tpu.memory_space<hbm>>
    %dma_start3A_137 = arith.constant 32000 : i32
    %dma_start3A_138 = tpu.memref_slice %arg4[%add3A_129, %dma_start3A_137] : memref<128x160000xf32, #tpu.memory_space<hbm>> -> memref<1x32000xf32, #tpu.memory_space<hbm>>
    %dma_start3A_139 = tpu.memref_squeeze %dma_start3A_138 : memref<1x32000xf32, #tpu.memory_space<hbm>> -> memref<32000xf32, #tpu.memory_space<hbm>>
    %dma_start3A_140 = arith.constant 0 : i32
    %dma_start3A_141 = tpu.memref_slice %arg6[%dma_start3A_130, %dma_start3A_140] : memref<2x32000xf32, #tpu.memory_space<vmem>> -> memref<1x32000xf32, #tpu.memory_space<vmem>>
    %dma_start3A_142 = tpu.memref_squeeze %dma_start3A_141 : memref<1x32000xf32, #tpu.memory_space<vmem>> -> memref<32000xf32, #tpu.memory_space<vmem>>
    tpu.enqueue_dma source(%dma_start3A_142 : memref<32000xf32, #tpu.memory_space<vmem>>) target(%dma_start3A_139 : memref<32000xf32, #tpu.memory_space<hbm>>) target_semaphore(%arg10 : memref<!tpu.dma_semaphore, #tpu.memory_space<semaphore_mem>>)
    %add3A_143 = arith.constant 0 : i32
    %add3A_144 = arith.addi %mul3A_2, %add3A_143 : i32
    %dma_wait3A_145 = arith.constant 1 : i32
    %dma_wait3A_146 = arith.constant 0 : i32
    %dma_wait3A_147 = tpu.memref_slice %arg6[%dma_wait3A_145, %dma_wait3A_146] : memref<2x32000xf32, #tpu.memory_space<vmem>> -> memref<1x32000xf32, #tpu.memory_space<vmem>>
    %dma_wait3A_148 = tpu.memref_squeeze %dma_wait3A_147 : memref<1x32000xf32, #tpu.memory_space<vmem>> -> memref<32000xf32, #tpu.memory_space<vmem>>
    %dma_wait3A_149 = arith.constant 32000 : i32
    %dma_wait3A_150 = tpu.memref_slice %arg4[%add3A_144, %dma_wait3A_149] : memref<128x160000xf32, #tpu.memory_space<hbm>> -> memref<1x32000xf32, #tpu.memory_space<hbm>>
    %dma_wait3A_151 = tpu.memref_squeeze %dma_wait3A_150 : memref<1x32000xf32, #tpu.memory_space<hbm>> -> memref<32000xf32, #tpu.memory_space<hbm>>
    %dma_wait3A_152 = arith.constant 32000 : i32
    %dma_wait3A_153 = tpu.memref_slice %arg4[%add3A_144, %dma_wait3A_152] : memref<128x160000xf32, #tpu.memory_space<hbm>> -> memref<1x32000xf32, #tpu.memory_space<hbm>>
    %dma_wait3A_154 = tpu.memref_squeeze %dma_wait3A_153 : memref<1x32000xf32, #tpu.memory_space<hbm>> -> memref<32000xf32, #tpu.memory_space<hbm>>
    %dma_wait3A_155 = arith.constant 0 : i32
    %dma_wait3A_156 = tpu.memref_slice %arg6[%dma_wait3A_145, %dma_wait3A_155] : memref<2x32000xf32, #tpu.memory_space<vmem>> -> memref<1x32000xf32, #tpu.memory_space<vmem>>
    %dma_wait3A_157 = tpu.memref_squeeze %dma_wait3A_156 : memref<1x32000xf32, #tpu.memory_space<vmem>> -> memref<32000xf32, #tpu.memory_space<vmem>>
    tpu.wait_dma2 semaphore(%arg10 : memref<!tpu.dma_semaphore, #tpu.memory_space<semaphore_mem>>) src(%dma_wait3A_157 : memref<32000xf32, #tpu.memory_space<vmem>>) dst(%dma_wait3A_154 : memref<32000xf32, #tpu.memory_space<hbm>>)
    %add3A_158 = arith.constant 0 : i32
    %add3A_159 = arith.addi %mul3A_2, %add3A_158 : i32
    %get3A_160 = arith.index_cast %add3A_159 : i32 to index
    %get3A_161 = tpu.vector_load %arg5[%get3A_160] {strides = array<i32>} : memref<144xi32, #tpu.memory_space<vmem>>, vector<16xi32>,
    %get3A_162 = vector.shape_cast %get3A_161 : vector<16xi32> to vector<16xi32>
    %slice3A_163 = vector.extract_strided_slice %get3A_162 {offsets = [0], sizes = [1], strides = [1]} : vector<16xi32> to vector<1xi32>
    %squeeze3A_164 = vector.extract %slice3A_163[0] : i32 from vector<1xi32>
    %dma_start3A_165 = arith.constant 1 : i32
    %dma_start3A_166 = arith.constant 0 : i32
    %dma_start3A_167 = tpu.memref_slice %arg6[%dma_start3A_165, %dma_start3A_166] : memref<2x32000xf32, #tpu.memory_space<vmem>> -> memref<1x32000xf32, #tpu.memory_space<vmem>>
    %dma_start3A_168 = tpu.memref_squeeze %dma_start3A_167 : memref<1x32000xf32, #tpu.memory_space<vmem>> -> memref<32000xf32, #tpu.memory_space<vmem>>
    %dma_start3A_169 = arith.constant 96000 : i32
    %dma_start3A_170 = tpu.memref_slice %arg2[%squeeze3A_164, %dma_start3A_169] : memref<128x160000xf32, #tpu.memory_space<hbm>> -> memref<1x32000xf32, #tpu.memory_space<hbm>>
    %dma_start3A_171 = tpu.memref_squeeze %dma_start3A_170 : memref<1x32000xf32, #tpu.memory_space<hbm>> -> memref<32000xf32, #tpu.memory_space<hbm>>
    %dma_start3A_172 = arith.constant 0 : i32
    %dma_start3A_173 = tpu.memref_slice %arg6[%dma_start3A_165, %dma_start3A_172] : memref<2x32000xf32, #tpu.memory_space<vmem>> -> memref<1x32000xf32, #tpu.memory_space<vmem>>
    %dma_start3A_174 = tpu.memref_squeeze %dma_start3A_173 : memref<1x32000xf32, #tpu.memory_space<vmem>> -> memref<32000xf32, #tpu.memory_space<vmem>>
    %dma_start3A_175 = arith.constant 96000 : i32
    %dma_start3A_176 = tpu.memref_slice %arg2[%squeeze3A_164, %dma_start3A_175] : memref<128x160000xf32, #tpu.memory_space<hbm>> -> memref<1x32000xf32, #tpu.memory_space<hbm>>
    %dma_start3A_177 = tpu.memref_squeeze %dma_start3A_176 : memref<1x32000xf32, #tpu.memory_space<hbm>> -> memref<32000xf32, #tpu.memory_space<hbm>>
    tpu.enqueue_dma source(%dma_start3A_177 : memref<32000xf32, #tpu.memory_space<hbm>>) target(%dma_start3A_174 : memref<32000xf32, #tpu.memory_space<vmem>>) target_semaphore(%arg8 : memref<!tpu.dma_semaphore, #tpu.memory_space<semaphore_mem>>)
    %add3A_178 = arith.constant 0 : i32
    %add3A_179 = arith.addi %mul3A_2, %add3A_178 : i32
    %get3A_180 = arith.index_cast %add3A_179 : i32 to index
    %get3A_181 = tpu.vector_load %arg5[%get3A_180] {strides = array<i32>} : memref<144xi32, #tpu.memory_space<vmem>>, vector<16xi32>,
    %get3A_182 = vector.shape_cast %get3A_181 : vector<16xi32> to vector<16xi32>
    %slice3A_183 = vector.extract_strided_slice %get3A_182 {offsets = [0], sizes = [1], strides = [1]} : vector<16xi32> to vector<1xi32>
    %squeeze3A_184 = vector.extract %slice3A_183[0] : i32 from vector<1xi32>
    %dma_wait3A_185 = arith.constant 0 : i32
    %dma_wait3A_186 = arith.constant 0 : i32
    %dma_wait3A_187 = tpu.memref_slice %arg6[%dma_wait3A_185, %dma_wait3A_186] : memref<2x32000xf32, #tpu.memory_space<vmem>> -> memref<1x32000xf32, #tpu.memory_space<vmem>>
    %dma_wait3A_188 = tpu.memref_squeeze %dma_wait3A_187 : memref<1x32000xf32, #tpu.memory_space<vmem>> -> memref<32000xf32, #tpu.memory_space<vmem>>
    %dma_wait3A_189 = arith.constant 64000 : i32
    %dma_wait3A_190 = tpu.memref_slice %arg2[%squeeze3A_184, %dma_wait3A_189] : memref<128x160000xf32, #tpu.memory_space<hbm>> -> memref<1x32000xf32, #tpu.memory_space<hbm>>
    %dma_wait3A_191 = tpu.memref_squeeze %dma_wait3A_190 : memref<1x32000xf32, #tpu.memory_space<hbm>> -> memref<32000xf32, #tpu.memory_space<hbm>>
    %dma_wait3A_192 = arith.constant 0 : i32
    %dma_wait3A_193 = tpu.memref_slice %arg6[%dma_wait3A_185, %dma_wait3A_192] : memref<2x32000xf32, #tpu.memory_space<vmem>> -> memref<1x32000xf32, #tpu.memory_space<vmem>>
    %dma_wait3A_194 = tpu.memref_squeeze %dma_wait3A_193 : memref<1x32000xf32, #tpu.memory_space<vmem>> -> memref<32000xf32, #tpu.memory_space<vmem>>
    %dma_wait3A_195 = arith.constant 64000 : i32
    %dma_wait3A_196 = tpu.memref_slice %arg2[%squeeze3A_184, %dma_wait3A_195] : memref<128x160000xf32, #tpu.memory_space<hbm>> -> memref<1x32000xf32, #tpu.memory_space<hbm>>
    %dma_wait3A_197 = tpu.memref_squeeze %dma_wait3A_196 : memref<1x32000xf32, #tpu.memory_space<hbm>> -> memref<32000xf32, #tpu.memory_space<hbm>>
    tpu.wait_dma2 semaphore(%arg7 : memref<!tpu.dma_semaphore, #tpu.memory_space<semaphore_mem>>) src(%dma_wait3A_197 : memref<32000xf32, #tpu.memory_space<hbm>>) dst(%dma_wait3A_194 : memref<32000xf32, #tpu.memory_space<vmem>>)
    %add3A_198 = arith.constant 0 : i32
    %add3A_199 = arith.addi %mul3A_2, %add3A_198 : i32
    %dma_start3A_200 = arith.constant 0 : i32
    %dma_start3A_201 = arith.constant 0 : i32
    %dma_start3A_202 = tpu.memref_slice %arg6[%dma_start3A_200, %dma_start3A_201] : memref<2x32000xf32, #tpu.memory_space<vmem>> -> memref<1x32000xf32, #tpu.memory_space<vmem>>
    %dma_start3A_203 = tpu.memref_squeeze %dma_start3A_202 : memref<1x32000xf32, #tpu.memory_space<vmem>> -> memref<32000xf32, #tpu.memory_space<vmem>>
    %dma_start3A_204 = arith.constant 64000 : i32
    %dma_start3A_205 = tpu.memref_slice %arg4[%add3A_199, %dma_start3A_204] : memref<128x160000xf32, #tpu.memory_space<hbm>> -> memref<1x32000xf32, #tpu.memory_space<hbm>>
    %dma_start3A_206 = tpu.memref_squeeze %dma_start3A_205 : memref<1x32000xf32, #tpu.memory_space<hbm>> -> memref<32000xf32, #tpu.memory_space<hbm>>
    %dma_start3A_207 = arith.constant 64000 : i32
    %dma_start3A_208 = tpu.memref_slice %arg4[%add3A_199, %dma_start3A_207] : memref<128x160000xf32, #tpu.memory_space<hbm>> -> memref<1x32000xf32, #tpu.memory_space<hbm>>
    %dma_start3A_209 = tpu.memref_squeeze %dma_start3A_208 : memref<1x32000xf32, #tpu.memory_space<hbm>> -> memref<32000xf32, #tpu.memory_space<hbm>>
    %dma_start3A_210 = arith.constant 0 : i32
    %dma_start3A_211 = tpu.memref_slice %arg6[%dma_start3A_200, %dma_start3A_210] : memref<2x32000xf32, #tpu.memory_space<vmem>> -> memref<1x32000xf32, #tpu.memory_space<vmem>>
    %dma_start3A_212 = tpu.memref_squeeze %dma_start3A_211 : memref<1x32000xf32, #tpu.memory_space<vmem>> -> memref<32000xf32, #tpu.memory_space<vmem>>
    tpu.enqueue_dma source(%dma_start3A_212 : memref<32000xf32, #tpu.memory_space<vmem>>) target(%dma_start3A_209 : memref<32000xf32, #tpu.memory_space<hbm>>) target_semaphore(%arg9 : memref<!tpu.dma_semaphore, #tpu.memory_space<semaphore_mem>>)
    %add3A_213 = arith.constant 0 : i32
    %add3A_214 = arith.addi %mul3A_2, %add3A_213 : i32
    %dma_wait3A_215 = arith.constant 0 : i32
    %dma_wait3A_216 = arith.constant 0 : i32
    %dma_wait3A_217 = tpu.memref_slice %arg6[%dma_wait3A_215, %dma_wait3A_216] : memref<2x32000xf32, #tpu.memory_space<vmem>> -> memref<1x32000xf32, #tpu.memory_space<vmem>>
    %dma_wait3A_218 = tpu.memref_squeeze %dma_wait3A_217 : memref<1x32000xf32, #tpu.memory_space<vmem>> -> memref<32000xf32, #tpu.memory_space<vmem>>
    %dma_wait3A_219 = arith.constant 64000 : i32
    %dma_wait3A_220 = tpu.memref_slice %arg4[%add3A_214, %dma_wait3A_219] : memref<128x160000xf32, #tpu.memory_space<hbm>> -> memref<1x32000xf32, #tpu.memory_space<hbm>>
    %dma_wait3A_221 = tpu.memref_squeeze %dma_wait3A_220 : memref<1x32000xf32, #tpu.memory_space<hbm>> -> memref<32000xf32, #tpu.memory_space<hbm>>
    %dma_wait3A_222 = arith.constant 64000 : i32
    %dma_wait3A_223 = tpu.memref_slice %arg4[%add3A_214, %dma_wait3A_222] : memref<128x160000xf32, #tpu.memory_space<hbm>> -> memref<1x32000xf32, #tpu.memory_space<hbm>>
    %dma_wait3A_224 = tpu.memref_squeeze %dma_wait3A_223 : memref<1x32000xf32, #tpu.memory_space<hbm>> -> memref<32000xf32, #tpu.memory_space<hbm>>
    %dma_wait3A_225 = arith.constant 0 : i32
    %dma_wait3A_226 = tpu.memref_slice %arg6[%dma_wait3A_215, %dma_wait3A_225] : memref<2x32000xf32, #tpu.memory_space<vmem>> -> memref<1x32000xf32, #tpu.memory_space<vmem>>
    %dma_wait3A_227 = tpu.memref_squeeze %dma_wait3A_226 : memref<1x32000xf32, #tpu.memory_space<vmem>> -> memref<32000xf32, #tpu.memory_space<vmem>>
    tpu.wait_dma2 semaphore(%arg9 : memref<!tpu.dma_semaphore, #tpu.memory_space<semaphore_mem>>) src(%dma_wait3A_227 : memref<32000xf32, #tpu.memory_space<vmem>>) dst(%dma_wait3A_224 : memref<32000xf32, #tpu.memory_space<hbm>>)
    %add3A_228 = arith.constant 0 : i32
    %add3A_229 = arith.addi %mul3A_2, %add3A_228 : i32
    %get3A_230 = arith.index_cast %add3A_229 : i32 to index
    %get3A_231 = tpu.vector_load %arg5[%get3A_230] {strides = array<i32>} : memref<144xi32, #tpu.memory_space<vmem>>, vector<16xi32>,
    %get3A_232 = vector.shape_cast %get3A_231 : vector<16xi32> to vector<16xi32>
    %slice3A_233 = vector.extract_strided_slice %get3A_232 {offsets = [0], sizes = [1], strides = [1]} : vector<16xi32> to vector<1xi32>
    %squeeze3A_234 = vector.extract %slice3A_233[0] : i32 from vector<1xi32>
    %dma_start3A_235 = arith.constant 0 : i32
    %dma_start3A_236 = arith.constant 0 : i32
    %dma_start3A_237 = tpu.memref_slice %arg6[%dma_start3A_235, %dma_start3A_236] : memref<2x32000xf32, #tpu.memory_space<vmem>> -> memref<1x32000xf32, #tpu.memory_space<vmem>>
    %dma_start3A_238 = tpu.memref_squeeze %dma_start3A_237 : memref<1x32000xf32, #tpu.memory_space<vmem>> -> memref<32000xf32, #tpu.memory_space<vmem>>
    %dma_start3A_239 = arith.constant 128000 : i32
    %dma_start3A_240 = tpu.memref_slice %arg2[%squeeze3A_234, %dma_start3A_239] : memref<128x160000xf32, #tpu.memory_space<hbm>> -> memref<1x32000xf32, #tpu.memory_space<hbm>>
    %dma_start3A_241 = tpu.memref_squeeze %dma_start3A_240 : memref<1x32000xf32, #tpu.memory_space<hbm>> -> memref<32000xf32, #tpu.memory_space<hbm>>
    %dma_start3A_242 = arith.constant 0 : i32
    %dma_start3A_243 = tpu.memref_slice %arg6[%dma_start3A_235, %dma_start3A_242] : memref<2x32000xf32, #tpu.memory_space<vmem>> -> memref<1x32000xf32, #tpu.memory_space<vmem>>
    %dma_start3A_244 = tpu.memref_squeeze %dma_start3A_243 : memref<1x32000xf32, #tpu.memory_space<vmem>> -> memref<32000xf32, #tpu.memory_space<vmem>>
    %dma_start3A_245 = arith.constant 128000 : i32
    %dma_start3A_246 = tpu.memref_slice %arg2[%squeeze3A_234, %dma_start3A_245] : memref<128x160000xf32, #tpu.memory_space<hbm>> -> memref<1x32000xf32, #tpu.memory_space<hbm>>
    %dma_start3A_247 = tpu.memref_squeeze %dma_start3A_246 : memref<1x32000xf32, #tpu.memory_space<hbm>> -> memref<32000xf32, #tpu.memory_space<hbm>>
    tpu.enqueue_dma source(%dma_start3A_247 : memref<32000xf32, #tpu.memory_space<hbm>>) target(%dma_start3A_244 : memref<32000xf32, #tpu.memory_space<vmem>>) target_semaphore(%arg7 : memref<!tpu.dma_semaphore, #tpu.memory_space<semaphore_mem>>)
    %add3A_248 = arith.constant 0 : i32
    %add3A_249 = arith.addi %mul3A_2, %add3A_248 : i32
    %get3A_250 = arith.index_cast %add3A_249 : i32 to index
    %get3A_251 = tpu.vector_load %arg5[%get3A_250] {strides = array<i32>} : memref<144xi32, #tpu.memory_space<vmem>>, vector<16xi32>,
    %get3A_252 = vector.shape_cast %get3A_251 : vector<16xi32> to vector<16xi32>
    %slice3A_253 = vector.extract_strided_slice %get3A_252 {offsets = [0], sizes = [1], strides = [1]} : vector<16xi32> to vector<1xi32>
    %squeeze3A_254 = vector.extract %slice3A_253[0] : i32 from vector<1xi32>
    %dma_wait3A_255 = arith.constant 1 : i32
    %dma_wait3A_256 = arith.constant 0 : i32
    %dma_wait3A_257 = tpu.memref_slice %arg6[%dma_wait3A_255, %dma_wait3A_256] : memref<2x32000xf32, #tpu.memory_space<vmem>> -> memref<1x32000xf32, #tpu.memory_space<vmem>>
    %dma_wait3A_258 = tpu.memref_squeeze %dma_wait3A_257 : memref<1x32000xf32, #tpu.memory_space<vmem>> -> memref<32000xf32, #tpu.memory_space<vmem>>
    %dma_wait3A_259 = arith.constant 96000 : i32
    %dma_wait3A_260 = tpu.memref_slice %arg2[%squeeze3A_254, %dma_wait3A_259] : memref<128x160000xf32, #tpu.memory_space<hbm>> -> memref<1x32000xf32, #tpu.memory_space<hbm>>
    %dma_wait3A_261 = tpu.memref_squeeze %dma_wait3A_260 : memref<1x32000xf32, #tpu.memory_space<hbm>> -> memref<32000xf32, #tpu.memory_space<hbm>>
    %dma_wait3A_262 = arith.constant 0 : i32
    %dma_wait3A_263 = tpu.memref_slice %arg6[%dma_wait3A_255, %dma_wait3A_262] : memref<2x32000xf32, #tpu.memory_space<vmem>> -> memref<1x32000xf32, #tpu.memory_space<vmem>>
    %dma_wait3A_264 = tpu.memref_squeeze %dma_wait3A_263 : memref<1x32000xf32, #tpu.memory_space<vmem>> -> memref<32000xf32, #tpu.memory_space<vmem>>
    %dma_wait3A_265 = arith.constant 96000 : i32
    %dma_wait3A_266 = tpu.memref_slice %arg2[%squeeze3A_254, %dma_wait3A_265] : memref<128x160000xf32, #tpu.memory_space<hbm>> -> memref<1x32000xf32, #tpu.memory_space<hbm>>
    %dma_wait3A_267 = tpu.memref_squeeze %dma_wait3A_266 : memref<1x32000xf32, #tpu.memory_space<hbm>> -> memref<32000xf32, #tpu.memory_space<hbm>>
    tpu.wait_dma2 semaphore(%arg8 : memref<!tpu.dma_semaphore, #tpu.memory_space<semaphore_mem>>) src(%dma_wait3A_267 : memref<32000xf32, #tpu.memory_space<hbm>>) dst(%dma_wait3A_264 : memref<32000xf32, #tpu.memory_space<vmem>>)
    %add3A_268 = arith.constant 0 : i32
    %add3A_269 = arith.addi %mul3A_2, %add3A_268 : i32
    %dma_start3A_270 = arith.constant 1 : i32
    %dma_start3A_271 = arith.constant 0 : i32
    %dma_start3A_272 = tpu.memref_slice %arg6[%dma_start3A_270, %dma_start3A_271] : memref<2x32000xf32, #tpu.memory_space<vmem>> -> memref<1x32000xf32, #tpu.memory_space<vmem>>
    %dma_start3A_273 = tpu.memref_squeeze %dma_start3A_272 : memref<1x32000xf32, #tpu.memory_space<vmem>> -> memref<32000xf32, #tpu.memory_space<vmem>>
    %dma_start3A_274 = arith.constant 96000 : i32
    %dma_start3A_275 = tpu.memref_slice %arg4[%add3A_269, %dma_start3A_274] : memref<128x160000xf32, #tpu.memory_space<hbm>> -> memref<1x32000xf32, #tpu.memory_space<hbm>>
    %dma_start3A_276 = tpu.memref_squeeze %dma_start3A_275 : memref<1x32000xf32, #tpu.memory_space<hbm>> -> memref<32000xf32, #tpu.memory_space<hbm>>
    %dma_start3A_277 = arith.constant 96000 : i32
    %dma_start3A_278 = tpu.memref_slice %arg4[%add3A_269, %dma_start3A_277] : memref<128x160000xf32, #tpu.memory_space<hbm>> -> memref<1x32000xf32, #tpu.memory_space<hbm>>
    %dma_start3A_279 = tpu.memref_squeeze %dma_start3A_278 : memref<1x32000xf32, #tpu.memory_space<hbm>> -> memref<32000xf32, #tpu.memory_space<hbm>>
    %dma_start3A_280 = arith.constant 0 : i32
    %dma_start3A_281 = tpu.memref_slice %arg6[%dma_start3A_270, %dma_start3A_280] : memref<2x32000xf32, #tpu.memory_space<vmem>> -> memref<1x32000xf32, #tpu.memory_space<vmem>>
    %dma_start3A_282 = tpu.memref_squeeze %dma_start3A_281 : memref<1x32000xf32, #tpu.memory_space<vmem>> -> memref<32000xf32, #tpu.memory_space<vmem>>
    tpu.enqueue_dma source(%dma_start3A_282 : memref<32000xf32, #tpu.memory_space<vmem>>) target(%dma_start3A_279 : memref<32000xf32, #tpu.memory_space<hbm>>) target_semaphore(%arg10 : memref<!tpu.dma_semaphore, #tpu.memory_space<semaphore_mem>>)
    %add3A_283 = arith.constant 0 : i32
    %add3A_284 = arith.addi %mul3A_2, %add3A_283 : i32
    %dma_wait3A_285 = arith.constant 1 : i32
    %dma_wait3A_286 = arith.constant 0 : i32
    %dma_wait3A_287 = tpu.memref_slice %arg6[%dma_wait3A_285, %dma_wait3A_286] : memref<2x32000xf32, #tpu.memory_space<vmem>> -> memref<1x32000xf32, #tpu.memory_space<vmem>>
    %dma_wait3A_288 = tpu.memref_squeeze %dma_wait3A_287 : memref<1x32000xf32, #tpu.memory_space<vmem>> -> memref<32000xf32, #tpu.memory_space<vmem>>
    %dma_wait3A_289 = arith.constant 96000 : i32
    %dma_wait3A_290 = tpu.memref_slice %arg4[%add3A_284, %dma_wait3A_289] : memref<128x160000xf32, #tpu.memory_space<hbm>> -> memref<1x32000xf32, #tpu.memory_space<hbm>>
    %dma_wait3A_291 = tpu.memref_squeeze %dma_wait3A_290 : memref<1x32000xf32, #tpu.memory_space<hbm>> -> memref<32000xf32, #tpu.memory_space<hbm>>
    %dma_wait3A_292 = arith.constant 96000 : i32
    %dma_wait3A_293 = tpu.memref_slice %arg4[%add3A_284, %dma_wait3A_292] : memref<128x160000xf32, #tpu.memory_space<hbm>> -> memref<1x32000xf32, #tpu.memory_space<hbm>>
    %dma_wait3A_294 = tpu.memref_squeeze %dma_wait3A_293 : memref<1x32000xf32, #tpu.memory_space<hbm>> -> memref<32000xf32, #tpu.memory_space<hbm>>
    %dma_wait3A_295 = arith.constant 0 : i32
    %dma_wait3A_296 = tpu.memref_slice %arg6[%dma_wait3A_285, %dma_wait3A_295] : memref<2x32000xf32, #tpu.memory_space<vmem>> -> memref<1x32000xf32, #tpu.memory_space<vmem>>
    %dma_wait3A_297 = tpu.memref_squeeze %dma_wait3A_296 : memref<1x32000xf32, #tpu.memory_space<vmem>> -> memref<32000xf32, #tpu.memory_space<vmem>>
    tpu.wait_dma2 semaphore(%arg10 : memref<!tpu.dma_semaphore, #tpu.memory_space<semaphore_mem>>) src(%dma_wait3A_297 : memref<32000xf32, #tpu.memory_space<vmem>>) dst(%dma_wait3A_294 : memref<32000xf32, #tpu.memory_space<hbm>>)
    %add3A_298 = arith.constant 1 : i32
    %add3A_299 = arith.addi %mul3A_2, %add3A_298 : i32
    %get3A_300 = arith.index_cast %add3A_299 : i32 to index
    %get3A_301 = tpu.vector_load %arg5[%get3A_300] {strides = array<i32>} : memref<144xi32, #tpu.memory_space<vmem>>, vector<16xi32>,
    %get3A_302 = vector.shape_cast %get3A_301 : vector<16xi32> to vector<16xi32>
    %slice3A_303 = vector.extract_strided_slice %get3A_302 {offsets = [0], sizes = [1], strides = [1]} : vector<16xi32> to vector<1xi32>
    %squeeze3A_304 = vector.extract %slice3A_303[0] : i32 from vector<1xi32>
    %dma_start3A_305 = arith.constant 1 : i32
    %dma_start3A_306 = arith.constant 0 : i32
    %dma_start3A_307 = tpu.memref_slice %arg6[%dma_start3A_305, %dma_start3A_306] : memref<2x32000xf32, #tpu.memory_space<vmem>> -> memref<1x32000xf32, #tpu.memory_space<vmem>>
    %dma_start3A_308 = tpu.memref_squeeze %dma_start3A_307 : memref<1x32000xf32, #tpu.memory_space<vmem>> -> memref<32000xf32, #tpu.memory_space<vmem>>
    %dma_start3A_309 = arith.constant 0 : i32
    %dma_start3A_310 = tpu.memref_slice %arg2[%squeeze3A_304, %dma_start3A_309] : memref<128x160000xf32, #tpu.memory_space<hbm>> -> memref<1x32000xf32, #tpu.memory_space<hbm>>
    %dma_start3A_311 = tpu.memref_squeeze %dma_start3A_310 : memref<1x32000xf32, #tpu.memory_space<hbm>> -> memref<32000xf32, #tpu.memory_space<hbm>>
    %dma_start3A_312 = arith.constant 0 : i32
    %dma_start3A_313 = tpu.memref_slice %arg6[%dma_start3A_305, %dma_start3A_312] : memref<2x32000xf32, #tpu.memory_space<vmem>> -> memref<1x32000xf32, #tpu.memory_space<vmem>>
    %dma_start3A_314 = tpu.memref_squeeze %dma_start3A_313 : memref<1x32000xf32, #tpu.memory_space<vmem>> -> memref<32000xf32, #tpu.memory_space<vmem>>
    %dma_start3A_315 = arith.constant 0 : i32
    %dma_start3A_316 = tpu.memref_slice %arg2[%squeeze3A_304, %dma_start3A_315] : memref<128x160000xf32, #tpu.memory_space<hbm>> -> memref<1x32000xf32, #tpu.memory_space<hbm>>
    %dma_start3A_317 = tpu.memref_squeeze %dma_start3A_316 : memref<1x32000xf32, #tpu.memory_space<hbm>> -> memref<32000xf32, #tpu.memory_space<hbm>>
    tpu.enqueue_dma source(%dma_start3A_317 : memref<32000xf32, #tpu.memory_space<hbm>>) target(%dma_start3A_314 : memref<32000xf32, #tpu.memory_space<vmem>>) target_semaphore(%arg8 : memref<!tpu.dma_semaphore, #tpu.memory_space<semaphore_mem>>)
    %add3A_318 = arith.constant 0 : i32
    %add3A_319 = arith.addi %mul3A_2, %add3A_318 : i32
    %get3A_320 = arith.index_cast %add3A_319 : i32 to index
    %get3A_321 = tpu.vector_load %arg5[%get3A_320] {strides = array<i32>} : memref<144xi32, #tpu.memory_space<vmem>>, vector<16xi32>,
    %get3A_322 = vector.shape_cast %get3A_321 : vector<16xi32> to vector<16xi32>
    %slice3A_323 = vector.extract_strided_slice %get3A_322 {offsets = [0], sizes = [1], strides = [1]} : vector<16xi32> to vector<1xi32>
    %squeeze3A_324 = vector.extract %slice3A_323[0] : i32 from vector<1xi32>
    %dma_wait3A_325 = arith.constant 0 : i32
    %dma_wait3A_326 = arith.constant 0 : i32
    %dma_wait3A_327 = tpu.memref_slice %arg6[%dma_wait3A_325, %dma_wait3A_326] : memref<2x32000xf32, #tpu.memory_space<vmem>> -> memref<1x32000xf32, #tpu.memory_space<vmem>>
    %dma_wait3A_328 = tpu.memref_squeeze %dma_wait3A_327 : memref<1x32000xf32, #tpu.memory_space<vmem>> -> memref<32000xf32, #tpu.memory_space<vmem>>
    %dma_wait3A_329 = arith.constant 128000 : i32
    %dma_wait3A_330 = tpu.memref_slice %arg2[%squeeze3A_324, %dma_wait3A_329] : memref<128x160000xf32, #tpu.memory_space<hbm>> -> memref<1x32000xf32, #tpu.memory_space<hbm>>
    %dma_wait3A_331 = tpu.memref_squeeze %dma_wait3A_330 : memref<1x32000xf32, #tpu.memory_space<hbm>> -> memref<32000xf32, #tpu.memory_space<hbm>>
    %dma_wait3A_332 = arith.constant 0 : i32
    %dma_wait3A_333 = tpu.memref_slice %arg6[%dma_wait3A_325, %dma_wait3A_332] : memref<2x32000xf32, #tpu.memory_space<vmem>> -> memref<1x32000xf32, #tpu.memory_space<vmem>>
    %dma_wait3A_334 = tpu.memref_squeeze %dma_wait3A_333 : memref<1x32000xf32, #tpu.memory_space<vmem>> -> memref<32000xf32, #tpu.memory_space<vmem>>
    %dma_wait3A_335 = arith.constant 128000 : i32
    %dma_wait3A_336 = tpu.memref_slice %arg2[%squeeze3A_324, %dma_wait3A_335] : memref<128x160000xf32, #tpu.memory_space<hbm>> -> memref<1x32000xf32, #tpu.memory_space<hbm>>
    %dma_wait3A_337 = tpu.memref_squeeze %dma_wait3A_336 : memref<1x32000xf32, #tpu.memory_space<hbm>> -> memref<32000xf32, #tpu.memory_space<hbm>>
    tpu.wait_dma2 semaphore(%arg7 : memref<!tpu.dma_semaphore, #tpu.memory_space<semaphore_mem>>) src(%dma_wait3A_337 : memref<32000xf32, #tpu.memory_space<hbm>>) dst(%dma_wait3A_334 : memref<32000xf32, #tpu.memory_space<vmem>>)
    %add3A_338 = arith.constant 0 : i32
    %add3A_339 = arith.addi %mul3A_2, %add3A_338 : i32
    %dma_start3A_340 = arith.constant 0 : i32
    %dma_start3A_341 = arith.constant 0 : i32
    %dma_start3A_342 = tpu.memref_slice %arg6[%dma_start3A_340, %dma_start3A_341] : memref<2x32000xf32, #tpu.memory_space<vmem>> -> memref<1x32000xf32, #tpu.memory_space<vmem>>
    %dma_start3A_343 = tpu.memref_squeeze %dma_start3A_342 : memref<1x32000xf32, #tpu.memory_space<vmem>> -> memref<32000xf32, #tpu.memory_space<vmem>>
    %dma_start3A_344 = arith.constant 128000 : i32
    %dma_start3A_345 = tpu.memref_slice %arg4[%add3A_339, %dma_start3A_344] : memref<128x160000xf32, #tpu.memory_space<hbm>> -> memref<1x32000xf32, #tpu.memory_space<hbm>>
    %dma_start3A_346 = tpu.memref_squeeze %dma_start3A_345 : memref<1x32000xf32, #tpu.memory_space<hbm>> -> memref<32000xf32, #tpu.memory_space<hbm>>
    %dma_start3A_347 = arith.constant 128000 : i32
    %dma_start3A_348 = tpu.memref_slice %arg4[%add3A_339, %dma_start3A_347] : memref<128x160000xf32, #tpu.memory_space<hbm>> -> memref<1x32000xf32, #tpu.memory_space<hbm>>
    %dma_start3A_349 = tpu.memref_squeeze %dma_start3A_348 : memref<1x32000xf32, #tpu.memory_space<hbm>> -> memref<32000xf32, #tpu.memory_space<hbm>>
    %dma_start3A_350 = arith.constant 0 : i32
    %dma_start3A_351 = tpu.memref_slice %arg6[%dma_start3A_340, %dma_start3A_350] : memref<2x32000xf32, #tpu.memory_space<vmem>> -> memref<1x32000xf32, #tpu.memory_space<vmem>>
    %dma_start3A_352 = tpu.memref_squeeze %dma_start3A_351 : memref<1x32000xf32, #tpu.memory_space<vmem>> -> memref<32000xf32, #tpu.memory_space<vmem>>
    tpu.enqueue_dma source(%dma_start3A_352 : memref<32000xf32, #tpu.memory_space<vmem>>) target(%dma_start3A_349 : memref<32000xf32, #tpu.memory_space<hbm>>) target_semaphore(%arg9 : memref<!tpu.dma_semaphore, #tpu.memory_space<semaphore_mem>>)
    %add3A_353 = arith.constant 0 : i32
    %add3A_354 = arith.addi %mul3A_2, %add3A_353 : i32
    %dma_wait3A_355 = arith.constant 0 : i32
    %dma_wait3A_356 = arith.constant 0 : i32
    %dma_wait3A_357 = tpu.memref_slice %arg6[%dma_wait3A_355, %dma_wait3A_356] : memref<2x32000xf32, #tpu.memory_space<vmem>> -> memref<1x32000xf32, #tpu.memory_space<vmem>>
    %dma_wait3A_358 = tpu.memref_squeeze %dma_wait3A_357 : memref<1x32000xf32, #tpu.memory_space<vmem>> -> memref<32000xf32, #tpu.memory_space<vmem>>
    %dma_wait3A_359 = arith.constant 128000 : i32
    %dma_wait3A_360 = tpu.memref_slice %arg4[%add3A_354, %dma_wait3A_359] : memref<128x160000xf32, #tpu.memory_space<hbm>> -> memref<1x32000xf32, #tpu.memory_space<hbm>>
    %dma_wait3A_361 = tpu.memref_squeeze %dma_wait3A_360 : memref<1x32000xf32, #tpu.memory_space<hbm>> -> memref<32000xf32, #tpu.memory_space<hbm>>
    %dma_wait3A_362 = arith.constant 128000 : i32
    %dma_wait3A_363 = tpu.memref_slice %arg4[%add3A_354, %dma_wait3A_362] : memref<128x160000xf32, #tpu.memory_space<hbm>> -> memref<1x32000xf32, #tpu.memory_space<hbm>>
    %dma_wait3A_364 = tpu.memref_squeeze %dma_wait3A_363 : memref<1x32000xf32, #tpu.memory_space<hbm>> -> memref<32000xf32, #tpu.memory_space<hbm>>
    %dma_wait3A_365 = arith.constant 0 : i32
    %dma_wait3A_366 = tpu.memref_slice %arg6[%dma_wait3A_355, %dma_wait3A_365] : memref<2x32000xf32, #tpu.memory_space<vmem>> -> memref<1x32000xf32, #tpu.memory_space<vmem>>
    %dma_wait3A_367 = tpu.memref_squeeze %dma_wait3A_366 : memref<1x32000xf32, #tpu.memory_space<vmem>> -> memref<32000xf32, #tpu.memory_space<vmem>>
    tpu.wait_dma2 semaphore(%arg9 : memref<!tpu.dma_semaphore, #tpu.memory_space<semaphore_mem>>) src(%dma_wait3A_367 : memref<32000xf32, #tpu.memory_space<vmem>>) dst(%dma_wait3A_364 : memref<32000xf32, #tpu.memory_space<hbm>>)
    %add3A_368 = arith.constant 1 : i32
    %add3A_369 = arith.addi %mul3A_2, %add3A_368 : i32
    %get3A_370 = arith.index_cast %add3A_369 : i32 to index
    %get3A_371 = tpu.vector_load %arg5[%get3A_370] {strides = array<i32>} : memref<144xi32, #tpu.memory_space<vmem>>, vector<16xi32>,
    %get3A_372 = vector.shape_cast %get3A_371 : vector<16xi32> to vector<16xi32>
    %slice3A_373 = vector.extract_strided_slice %get3A_372 {offsets = [0], sizes = [1], strides = [1]} : vector<16xi32> to vector<1xi32>
    %squeeze3A_374 = vector.extract %slice3A_373[0] : i32 from vector<1xi32>
    %dma_start3A_375 = arith.constant 0 : i32
    %dma_start3A_376 = arith.constant 0 : i32
    %dma_start3A_377 = tpu.memref_slice %arg6[%dma_start3A_375, %dma_start3A_376] : memref<2x32000xf32, #tpu.memory_space<vmem>> -> memref<1x32000xf32, #tpu.memory_space<vmem>>
    %dma_start3A_378 = tpu.memref_squeeze %dma_start3A_377 : memref<1x32000xf32, #tpu.memory_space<vmem>> -> memref<32000xf32, #tpu.memory_space<vmem>>
    %dma_start3A_379 = arith.constant 32000 : i32
    %dma_start3A_380 = tpu.memref_slice %arg2[%squeeze3A_374, %dma_start3A_379] : memref<128x160000xf32, #tpu.memory_space<hbm>> -> memref<1x32000xf32, #tpu.memory_space<hbm>>
    %dma_start3A_381 = tpu.memref_squeeze %dma_start3A_380 : memref<1x32000xf32, #tpu.memory_space<hbm>> -> memref<32000xf32, #tpu.memory_space<hbm>>
    %dma_start3A_382 = arith.constant 0 : i32
    %dma_start3A_383 = tpu.memref_slice %arg6[%dma_start3A_375, %dma_start3A_382] : memref<2x32000xf32, #tpu.memory_space<vmem>> -> memref<1x32000xf32, #tpu.memory_space<vmem>>
    %dma_start3A_384 = tpu.memref_squeeze %dma_start3A_383 : memref<1x32000xf32, #tpu.memory_space<vmem>> -> memref<32000xf32, #tpu.memory_space<vmem>>
    %dma_start3A_385 = arith.constant 32000 : i32
    %dma_start3A_386 = tpu.memref_slice %arg2[%squeeze3A_374, %dma_start3A_385] : memref<128x160000xf32, #tpu.memory_space<hbm>> -> memref<1x32000xf32, #tpu.memory_space<hbm>>
    %dma_start3A_387 = tpu.memref_squeeze %dma_start3A_386 : memref<1x32000xf32, #tpu.memory_space<hbm>> -> memref<32000xf32, #tpu.memory_space<hbm>>
    tpu.enqueue_dma source(%dma_start3A_387 : memref<32000xf32, #tpu.memory_space<hbm>>) target(%dma_start3A_384 : memref<32000xf32, #tpu.memory_space<vmem>>) target_semaphore(%arg7 : memref<!tpu.dma_semaphore, #tpu.memory_space<semaphore_mem>>)
    %add3A_388 = arith.constant 1 : i32
    %add3A_389 = arith.addi %mul3A_2, %add3A_388 : i32
    %get3A_390 = arith.index_cast %add3A_389 : i32 to index
    %get3A_391 = tpu.vector_load %arg5[%get3A_390] {strides = array<i32>} : memref<144xi32, #tpu.memory_space<vmem>>, vector<16xi32>,
    %get3A_392 = vector.shape_cast %get3A_391 : vector<16xi32> to vector<16xi32>
    %slice3A_393 = vector.extract_strided_slice %get3A_392 {offsets = [0], sizes = [1], strides = [1]} : vector<16xi32> to vector<1xi32>
    %squeeze3A_394 = vector.extract %slice3A_393[0] : i32 from vector<1xi32>
    %dma_wait3A_395 = arith.constant 1 : i32
    %dma_wait3A_396 = arith.constant 0 : i32
    %dma_wait3A_397 = tpu.memref_slice %arg6[%dma_wait3A_395, %dma_wait3A_396] : memref<2x32000xf32, #tpu.memory_space<vmem>> -> memref<1x32000xf32, #tpu.memory_space<vmem>>
    %dma_wait3A_398 = tpu.memref_squeeze %dma_wait3A_397 : memref<1x32000xf32, #tpu.memory_space<vmem>> -> memref<32000xf32, #tpu.memory_space<vmem>>
    %dma_wait3A_399 = arith.constant 0 : i32
    %dma_wait3A_400 = tpu.memref_slice %arg2[%squeeze3A_394, %dma_wait3A_399] : memref<128x160000xf32, #tpu.memory_space<hbm>> -> memref<1x32000xf32, #tpu.memory_space<hbm>>
    %dma_wait3A_401 = tpu.memref_squeeze %dma_wait3A_400 : memref<1x32000xf32, #tpu.memory_space<hbm>> -> memref<32000xf32, #tpu.memory_space<hbm>>
    %dma_wait3A_402 = arith.constant 0 : i32
    %dma_wait3A_403 = tpu.memref_slice %arg6[%dma_wait3A_395, %dma_wait3A_402] : memref<2x32000xf32, #tpu.memory_space<vmem>> -> memref<1x32000xf32, #tpu.memory_space<vmem>>
    %dma_wait3A_404 = tpu.memref_squeeze %dma_wait3A_403 : memref<1x32000xf32, #tpu.memory_space<vmem>> -> memref<32000xf32, #tpu.memory_space<vmem>>
    %dma_wait3A_405 = arith.constant 0 : i32
    %dma_wait3A_406 = tpu.memref_slice %arg2[%squeeze3A_394, %dma_wait3A_405] : memref<128x160000xf32, #tpu.memory_space<hbm>> -> memref<1x32000xf32, #tpu.memory_space<hbm>>
    %dma_wait3A_407 = tpu.memref_squeeze %dma_wait3A_406 : memref<1x32000xf32, #tpu.memory_space<hbm>> -> memref<32000xf32, #tpu.memory_space<hbm>>
    tpu.wait_dma2 semaphore(%arg8 : memref<!tpu.dma_semaphore, #tpu.memory_space<semaphore_mem>>) src(%dma_wait3A_407 : memref<32000xf32, #tpu.memory_space<hbm>>) dst(%dma_wait3A_404 : memref<32000xf32, #tpu.memory_space<vmem>>)
    %add3A_408 = arith.constant 1 : i32
    %add3A_409 = arith.addi %mul3A_2, %add3A_408 : i32
    %dma_start3A_410 = arith.constant 1 : i32
    %dma_start3A_411 = arith.constant 0 : i32
    %dma_start3A_412 = tpu.memref_slice %arg6[%dma_start3A_410, %dma_start3A_411] : memref<2x32000xf32, #tpu.memory_space<vmem>> -> memref<1x32000xf32, #tpu.memory_space<vmem>>
    %dma_start3A_413 = tpu.memref_squeeze %dma_start3A_412 : memref<1x32000xf32, #tpu.memory_space<vmem>> -> memref<32000xf32, #tpu.memory_space<vmem>>
    %dma_start3A_414 = arith.constant 0 : i32
    %dma_start3A_415 = tpu.memref_slice %arg4[%add3A_409, %dma_start3A_414] : memref<128x160000xf32, #tpu.memory_space<hbm>> -> memref<1x32000xf32, #tpu.memory_space<hbm>>
    %dma_start3A_416 = tpu.memref_squeeze %dma_start3A_415 : memref<1x32000xf32, #tpu.memory_space<hbm>> -> memref<32000xf32, #tpu.memory_space<hbm>>
    %dma_start3A_417 = arith.constant 0 : i32
    %dma_start3A_418 = tpu.memref_slice %arg4[%add3A_409, %dma_start3A_417] : memref<128x160000xf32, #tpu.memory_space<hbm>> -> memref<1x32000xf32, #tpu.memory_space<hbm>>
    %dma_start3A_419 = tpu.memref_squeeze %dma_start3A_418 : memref<1x32000xf32, #tpu.memory_space<hbm>> -> memref<32000xf32, #tpu.memory_space<hbm>>
    %dma_start3A_420 = arith.constant 0 : i32
    %dma_start3A_421 = tpu.memref_slice %arg6[%dma_start3A_410, %dma_start3A_420] : memref<2x32000xf32, #tpu.memory_space<vmem>> -> memref<1x32000xf32, #tpu.memory_space<vmem>>
    %dma_start3A_422 = tpu.memref_squeeze %dma_start3A_421 : memref<1x32000xf32, #tpu.memory_space<vmem>> -> memref<32000xf32, #tpu.memory_space<vmem>>
    tpu.enqueue_dma source(%dma_start3A_422 : memref<32000xf32, #tpu.memory_space<vmem>>) target(%dma_start3A_419 : memref<32000xf32, #tpu.memory_space<hbm>>) target_semaphore(%arg10 : memref<!tpu.dma_semaphore, #tpu.memory_space<semaphore_mem>>)
    %add3A_423 = arith.constant 1 : i32
    %add3A_424 = arith.addi %mul3A_2, %add3A_423 : i32
    %dma_wait3A_425 = arith.constant 1 : i32
    %dma_wait3A_426 = arith.constant 0 : i32
    %dma_wait3A_427 = tpu.memref_slice %arg6[%dma_wait3A_425, %dma_wait3A_426] : memref<2x32000xf32, #tpu.memory_space<vmem>> -> memref<1x32000xf32, #tpu.memory_space<vmem>>
    %dma_wait3A_428 = tpu.memref_squeeze %dma_wait3A_427 : memref<1x32000xf32, #tpu.memory_space<vmem>> -> memref<32000xf32, #tpu.memory_space<vmem>>
    %dma_wait3A_429 = arith.constant 0 : i32
    %dma_wait3A_430 = tpu.memref_slice %arg4[%add3A_424, %dma_wait3A_429] : memref<128x160000xf32, #tpu.memory_space<hbm>> -> memref<1x32000xf32, #tpu.memory_space<hbm>>
    %dma_wait3A_431 = tpu.memref_squeeze %dma_wait3A_430 : memref<1x32000xf32, #tpu.memory_space<hbm>> -> memref<32000xf32, #tpu.memory_space<hbm>>
    %dma_wait3A_432 = arith.constant 0 : i32
    %dma_wait3A_433 = tpu.memref_slice %arg4[%add3A_424, %dma_wait3A_432] : memref<128x160000xf32, #tpu.memory_space<hbm>> -> memref<1x32000xf32, #tpu.memory_space<hbm>>
    %dma_wait3A_434 = tpu.memref_squeeze %dma_wait3A_433 : memref<1x32000xf32, #tpu.memory_space<hbm>> -> memref<32000xf32, #tpu.memory_space<hbm>>
    %dma_wait3A_435 = arith.constant 0 : i32
    %dma_wait3A_436 = tpu.memref_slice %arg6[%dma_wait3A_425, %dma_wait3A_435] : memref<2x32000xf32, #tpu.memory_space<vmem>> -> memref<1x32000xf32, #tpu.memory_space<vmem>>
    %dma_wait3A_437 = tpu.memref_squeeze %dma_wait3A_436 : memref<1x32000xf32, #tpu.memory_space<vmem>> -> memref<32000xf32, #tpu.memory_space<vmem>>
    tpu.wait_dma2 semaphore(%arg10 : memref<!tpu.dma_semaphore, #tpu.memory_space<semaphore_mem>>) src(%dma_wait3A_437 : memref<32000xf32, #tpu.memory_space<vmem>>) dst(%dma_wait3A_434 : memref<32000xf32, #tpu.memory_space<hbm>>)
    %add3A_438 = arith.constant 1 : i32
    %add3A_439 = arith.addi %mul3A_2, %add3A_438 : i32
    %get3A_440 = arith.index_cast %add3A_439 : i32 to index
    %get3A_441 = tpu.vector_load %arg5[%get3A_440] {strides = array<i32>} : memref<144xi32, #tpu.memory_space<vmem>>, vector<16xi32>,
    %get3A_442 = vector.shape_cast %get3A_441 : vector<16xi32> to vector<16xi32>
    %slice3A_443 = vector.extract_strided_slice %get3A_442 {offsets = [0], sizes = [1], strides = [1]} : vector<16xi32> to vector<1xi32>
    %squeeze3A_444 = vector.extract %slice3A_443[0] : i32 from vector<1xi32>
    %dma_start3A_445 = arith.constant 1 : i32
    %dma_start3A_446 = arith.constant 0 : i32
    %dma_start3A_447 = tpu.memref_slice %arg6[%dma_start3A_445, %dma_start3A_446] : memref<2x32000xf32, #tpu.memory_space<vmem>> -> memref<1x32000xf32, #tpu.memory_space<vmem>>
    %dma_start3A_448 = tpu.memref_squeeze %dma_start3A_447 : memref<1x32000xf32, #tpu.memory_space<vmem>> -> memref<32000xf32, #tpu.memory_space<vmem>>
    %dma_start3A_449 = arith.constant 64000 : i32
    %dma_start3A_450 = tpu.memref_slice %arg2[%squeeze3A_444, %dma_start3A_449] : memref<128x160000xf32, #tpu.memory_space<hbm>> -> memref<1x32000xf32, #tpu.memory_space<hbm>>
    %dma_start3A_451 = tpu.memref_squeeze %dma_start3A_450 : memref<1x32000xf32, #tpu.memory_space<hbm>> -> memref<32000xf32, #tpu.memory_space<hbm>>
    %dma_start3A_452 = arith.constant 0 : i32
    %dma_start3A_453 = tpu.memref_slice %arg6[%dma_start3A_445, %dma_start3A_452] : memref<2x32000xf32, #tpu.memory_space<vmem>> -> memref<1x32000xf32, #tpu.memory_space<vmem>>
    %dma_start3A_454 = tpu.memref_squeeze %dma_start3A_453 : memref<1x32000xf32, #tpu.memory_space<vmem>> -> memref<32000xf32, #tpu.memory_space<vmem>>
    %dma_start3A_455 = arith.constant 64000 : i32
    %dma_start3A_456 = tpu.memref_slice %arg2[%squeeze3A_444, %dma_start3A_455] : memref<128x160000xf32, #tpu.memory_space<hbm>> -> memref<1x32000xf32, #tpu.memory_space<hbm>>
    %dma_start3A_457 = tpu.memref_squeeze %dma_start3A_456 : memref<1x32000xf32, #tpu.memory_space<hbm>> -> memref<32000xf32, #tpu.memory_space<hbm>>
    tpu.enqueue_dma source(%dma_start3A_457 : memref<32000xf32, #tpu.memory_space<hbm>>) target(%dma_start3A_454 : memref<32000xf32, #tpu.memory_space<vmem>>) target_semaphore(%arg8 : memref<!tpu.dma_semaphore, #tpu.memory_space<semaphore_mem>>)
    %add3A_458 = arith.constant 1 : i32
    %add3A_459 = arith.addi %mul3A_2, %add3A_458 : i32
    %get3A_460 = arith.index_cast %add3A_459 : i32 to index
    %get3A_461 = tpu.vector_load %arg5[%get3A_460] {strides = array<i32>} : memref<144xi32, #tpu.memory_space<vmem>>, vector<16xi32>,
    %get3A_462 = vector.shape_cast %get3A_461 : vector<16xi32> to vector<16xi32>
    %slice3A_463 = vector.extract_strided_slice %get3A_462 {offsets = [0], sizes = [1], strides = [1]} : vector<16xi32> to vector<1xi32>
    %squeeze3A_464 = vector.extract %slice3A_463[0] : i32 from vector<1xi32>
    %dma_wait3A_465 = arith.constant 0 : i32
    %dma_wait3A_466 = arith.constant 0 : i32
    %dma_wait3A_467 = tpu.memref_slice %arg6[%dma_wait3A_465, %dma_wait3A_466] : memref<2x32000xf32, #tpu.memory_space<vmem>> -> memref<1x32000xf32, #tpu.memory_space<vmem>>
    %dma_wait3A_468 = tpu.memref_squeeze %dma_wait3A_467 : memref<1x32000xf32, #tpu.memory_space<vmem>> -> memref<32000xf32, #tpu.memory_space<vmem>>
    %dma_wait3A_469 = arith.constant 32000 : i32
    %dma_wait3A_470 = tpu.memref_slice %arg2[%squeeze3A_464, %dma_wait3A_469] : memref<128x160000xf32, #tpu.memory_space<hbm>> -> memref<1x32000xf32, #tpu.memory_space<hbm>>
    %dma_wait3A_471 = tpu.memref_squeeze %dma_wait3A_470 : memref<1x32000xf32, #tpu.memory_space<hbm>> -> memref<32000xf32, #tpu.memory_space<hbm>>
    %dma_wait3A_472 = arith.constant 0 : i32
    %dma_wait3A_473 = tpu.memref_slice %arg6[%dma_wait3A_465, %dma_wait3A_472] : memref<2x32000xf32, #tpu.memory_space<vmem>> -> memref<1x32000xf32, #tpu.memory_space<vmem>>
    %dma_wait3A_474 = tpu.memref_squeeze %dma_wait3A_473 : memref<1x32000xf32, #tpu.memory_space<vmem>> -> memref<32000xf32, #tpu.memory_space<vmem>>
    %dma_wait3A_475 = arith.constant 32000 : i32
    %dma_wait3A_476 = tpu.memref_slice %arg2[%squeeze3A_464, %dma_wait3A_475] : memref<128x160000xf32, #tpu.memory_space<hbm>> -> memref<1x32000xf32, #tpu.memory_space<hbm>>
    %dma_wait3A_477 = tpu.memref_squeeze %dma_wait3A_476 : memref<1x32000xf32, #tpu.memory_space<hbm>> -> memref<32000xf32, #tpu.memory_space<hbm>>
    tpu.wait_dma2 semaphore(%arg7 : memref<!tpu.dma_semaphore, #tpu.memory_space<semaphore_mem>>) src(%dma_wait3A_477 : memref<32000xf32, #tpu.memory_space<hbm>>) dst(%dma_wait3A_474 : memref<32000xf32, #tpu.memory_space<vmem>>)
    %add3A_478 = arith.constant 1 : i32
    %add3A_479 = arith.addi %mul3A_2, %add3A_478 : i32
    %dma_start3A_480 = arith.constant 0 : i32
    %dma_start3A_481 = arith.constant 0 : i32
    %dma_start3A_482 = tpu.memref_slice %arg6[%dma_start3A_480, %dma_start3A_481] : memref<2x32000xf32, #tpu.memory_space<vmem>> -> memref<1x32000xf32, #tpu.memory_space<vmem>>
    %dma_start3A_483 = tpu.memref_squeeze %dma_start3A_482 : memref<1x32000xf32, #tpu.memory_space<vmem>> -> memref<32000xf32, #tpu.memory_space<vmem>>
    %dma_start3A_484 = arith.constant 32000 : i32
    %dma_start3A_485 = tpu.memref_slice %arg4[%add3A_479, %dma_start3A_484] : memref<128x160000xf32, #tpu.memory_space<hbm>> -> memref<1x32000xf32, #tpu.memory_space<hbm>>
    %dma_start3A_486 = tpu.memref_squeeze %dma_start3A_485 : memref<1x32000xf32, #tpu.memory_space<hbm>> -> memref<32000xf32, #tpu.memory_space<hbm>>
    %dma_start3A_487 = arith.constant 32000 : i32
    %dma_start3A_488 = tpu.memref_slice %arg4[%add3A_479, %dma_start3A_487] : memref<128x160000xf32, #tpu.memory_space<hbm>> -> memref<1x32000xf32, #tpu.memory_space<hbm>>
    %dma_start3A_489 = tpu.memref_squeeze %dma_start3A_488 : memref<1x32000xf32, #tpu.memory_space<hbm>> -> memref<32000xf32, #tpu.memory_space<hbm>>
    %dma_start3A_490 = arith.constant 0 : i32
    %dma_start3A_491 = tpu.memref_slice %arg6[%dma_start3A_480, %dma_start3A_490] : memref<2x32000xf32, #tpu.memory_space<vmem>> -> memref<1x32000xf32, #tpu.memory_space<vmem>>
    %dma_start3A_492 = tpu.memref_squeeze %dma_start3A_491 : memref<1x32000xf32, #tpu.memory_space<vmem>> -> memref<32000xf32, #tpu.memory_space<vmem>>
    tpu.enqueue_dma source(%dma_start3A_492 : memref<32000xf32, #tpu.memory_space<vmem>>) target(%dma_start3A_489 : memref<32000xf32, #tpu.memory_space<hbm>>) target_semaphore(%arg9 : memref<!tpu.dma_semaphore, #tpu.memory_space<semaphore_mem>>)
    %add3A_493 = arith.constant 1 : i32
    %add3A_494 = arith.addi %mul3A_2, %add3A_493 : i32
    %dma_wait3A_495 = arith.constant 0 : i32
    %dma_wait3A_496 = arith.constant 0 : i32
    %dma_wait3A_497 = tpu.memref_slice %arg6[%dma_wait3A_495, %dma_wait3A_496] : memref<2x32000xf32, #tpu.memory_space<vmem>> -> memref<1x32000xf32, #tpu.memory_space<vmem>>
    %dma_wait3A_498 = tpu.memref_squeeze %dma_wait3A_497 : memref<1x32000xf32, #tpu.memory_space<vmem>> -> memref<32000xf32, #tpu.memory_space<vmem>>
    %dma_wait3A_499 = arith.constant 32000 : i32
    %dma_wait3A_500 = tpu.memref_slice %arg4[%add3A_494, %dma_wait3A_499] : memref<128x160000xf32, #tpu.memory_space<hbm>> -> memref<1x32000xf32, #tpu.memory_space<hbm>>
    %dma_wait3A_501 = tpu.memref_squeeze %dma_wait3A_500 : memref<1x32000xf32, #tpu.memory_space<hbm>> -> memref<32000xf32, #tpu.memory_space<hbm>>
    %dma_wait3A_502 = arith.constant 32000 : i32
    %dma_wait3A_503 = tpu.memref_slice %arg4[%add3A_494, %dma_wait3A_502] : memref<128x160000xf32, #tpu.memory_space<hbm>> -> memref<1x32000xf32, #tpu.memory_space<hbm>>
    %dma_wait3A_504 = tpu.memref_squeeze %dma_wait3A_503 : memref<1x32000xf32, #tpu.memory_space<hbm>> -> memref<32000xf32, #tpu.memory_space<hbm>>
    %dma_wait3A_505 = arith.constant 0 : i32
    %dma_wait3A_506 = tpu.memref_slice %arg6[%dma_wait3A_495, %dma_wait3A_505] : memref<2x32000xf32, #tpu.memory_space<vmem>> -> memref<1x32000xf32, #tpu.memory_space<vmem>>
    %dma_wait3A_507 = tpu.memref_squeeze %dma_wait3A_506 : memref<1x32000xf32, #tpu.memory_space<vmem>> -> memref<32000xf32, #tpu.memory_space<vmem>>
    tpu.wait_dma2 semaphore(%arg9 : memref<!tpu.dma_semaphore, #tpu.memory_space<semaphore_mem>>) src(%dma_wait3A_507 : memref<32000xf32, #tpu.memory_space<vmem>>) dst(%dma_wait3A_504 : memref<32000xf32, #tpu.memory_space<hbm>>)
    %add3A_508 = arith.constant 1 : i32
    %add3A_509 = arith.addi %mul3A_2, %add3A_508 : i32
    %get3A_510 = arith.index_cast %add3A_509 : i32 to index
    %get3A_511 = tpu.vector_load %arg5[%get3A_510] {strides = array<i32>} : memref<144xi32, #tpu.memory_space<vmem>>, vector<16xi32>,
    %get3A_512 = vector.shape_cast %get3A_511 : vector<16xi32> to vector<16xi32>
    %slice3A_513 = vector.extract_strided_slice %get3A_512 {offsets = [0], sizes = [1], strides = [1]} : vector<16xi32> to vector<1xi32>
    %squeeze3A_514 = vector.extract %slice3A_513[0] : i32 from vector<1xi32>
    %dma_start3A_515 = arith.constant 0 : i32
    %dma_start3A_516 = arith.constant 0 : i32
    %dma_start3A_517 = tpu.memref_slice %arg6[%dma_start3A_515, %dma_start3A_516] : memref<2x32000xf32, #tpu.memory_space<vmem>> -> memref<1x32000xf32, #tpu.memory_space<vmem>>
    %dma_start3A_518 = tpu.memref_squeeze %dma_start3A_517 : memref<1x32000xf32, #tpu.memory_space<vmem>> -> memref<32000xf32, #tpu.memory_space<vmem>>
    %dma_start3A_519 = arith.constant 96000 : i32
    %dma_start3A_520 = tpu.memref_slice %arg2[%squeeze3A_514, %dma_start3A_519] : memref<128x160000xf32, #tpu.memory_space<hbm>> -> memref<1x32000xf32, #tpu.memory_space<hbm>>
    %dma_start3A_521 = tpu.memref_squeeze %dma_start3A_520 : memref<1x32000xf32, #tpu.memory_space<hbm>> -> memref<32000xf32, #tpu.memory_space<hbm>>
    %dma_start3A_522 = arith.constant 0 : i32
    %dma_start3A_523 = tpu.memref_slice %arg6[%dma_start3A_515, %dma_start3A_522] : memref<2x32000xf32, #tpu.memory_space<vmem>> -> memref<1x32000xf32, #tpu.memory_space<vmem>>
    %dma_start3A_524 = tpu.memref_squeeze %dma_start3A_523 : memref<1x32000xf32, #tpu.memory_space<vmem>> -> memref<32000xf32, #tpu.memory_space<vmem>>
    %dma_start3A_525 = arith.constant 96000 : i32
    %dma_start3A_526 = tpu.memref_slice %arg2[%squeeze3A_514, %dma_start3A_525] : memref<128x160000xf32, #tpu.memory_space<hbm>> -> memref<1x32000xf32, #tpu.memory_space<hbm>>
    %dma_start3A_527 = tpu.memref_squeeze %dma_start3A_526 : memref<1x32000xf32, #tpu.memory_space<hbm>> -> memref<32000xf32, #tpu.memory_space<hbm>>
    tpu.enqueue_dma source(%dma_start3A_527 : memref<32000xf32, #tpu.memory_space<hbm>>) target(%dma_start3A_524 : memref<32000xf32, #tpu.memory_space<vmem>>) target_semaphore(%arg7 : memref<!tpu.dma_semaphore, #tpu.memory_space<semaphore_mem>>)
    %add3A_528 = arith.constant 1 : i32
    %add3A_529 = arith.addi %mul3A_2, %add3A_528 : i32
    %get3A_530 = arith.index_cast %add3A_529 : i32 to index
    %get3A_531 = tpu.vector_load %arg5[%get3A_530] {strides = array<i32>} : memref<144xi32, #tpu.memory_space<vmem>>, vector<16xi32>,
    %get3A_532 = vector.shape_cast %get3A_531 : vector<16xi32> to vector<16xi32>
    %slice3A_533 = vector.extract_strided_slice %get3A_532 {offsets = [0], sizes = [1], strides = [1]} : vector<16xi32> to vector<1xi32>
    %squeeze3A_534 = vector.extract %slice3A_533[0] : i32 from vector<1xi32>
    %dma_wait3A_535 = arith.constant 1 : i32
    %dma_wait3A_536 = arith.constant 0 : i32
    %dma_wait3A_537 = tpu.memref_slice %arg6[%dma_wait3A_535, %dma_wait3A_536] : memref<2x32000xf32, #tpu.memory_space<vmem>> -> memref<1x32000xf32, #tpu.memory_space<vmem>>
    %dma_wait3A_538 = tpu.memref_squeeze %dma_wait3A_537 : memref<1x32000xf32, #tpu.memory_space<vmem>> -> memref<32000xf32, #tpu.memory_space<vmem>>
    %dma_wait3A_539 = arith.constant 64000 : i32
    %dma_wait3A_540 = tpu.memref_slice %arg2[%squeeze3A_534, %dma_wait3A_539] : memref<128x160000xf32, #tpu.memory_space<hbm>> -> memref<1x32000xf32, #tpu.memory_space<hbm>>
    %dma_wait3A_541 = tpu.memref_squeeze %dma_wait3A_540 : memref<1x32000xf32, #tpu.memory_space<hbm>> -> memref<32000xf32, #tpu.memory_space<hbm>>
    %dma_wait3A_542 = arith.constant 0 : i32
    %dma_wait3A_543 = tpu.memref_slice %arg6[%dma_wait3A_535, %dma_wait3A_542] : memref<2x32000xf32, #tpu.memory_space<vmem>> -> memref<1x32000xf32, #tpu.memory_space<vmem>>
    %dma_wait3A_544 = tpu.memref_squeeze %dma_wait3A_543 : memref<1x32000xf32, #tpu.memory_space<vmem>> -> memref<32000xf32, #tpu.memory_space<vmem>>
    %dma_wait3A_545 = arith.constant 64000 : i32
    %dma_wait3A_546 = tpu.memref_slice %arg2[%squeeze3A_534, %dma_wait3A_545] : memref<128x160000xf32, #tpu.memory_space<hbm>> -> memref<1x32000xf32, #tpu.memory_space<hbm>>
    %dma_wait3A_547 = tpu.memref_squeeze %dma_wait3A_546 : memref<1x32000xf32, #tpu.memory_space<hbm>> -> memref<32000xf32, #tpu.memory_space<hbm>>
    tpu.wait_dma2 semaphore(%arg8 : memref<!tpu.dma_semaphore, #tpu.memory_space<semaphore_mem>>) src(%dma_wait3A_547 : memref<32000xf32, #tpu.memory_space<hbm>>) dst(%dma_wait3A_544 : memref<32000xf32, #tpu.memory_space<vmem>>)
    %add3A_548 = arith.constant 1 : i32
    %add3A_549 = arith.addi %mul3A_2, %add3A_548 : i32
    %dma_start3A_550 = arith.constant 1 : i32
    %dma_start3A_551 = arith.constant 0 : i32
    %dma_start3A_552 = tpu.memref_slice %arg6[%dma_start3A_550, %dma_start3A_551] : memref<2x32000xf32, #tpu.memory_space<vmem>> -> memref<1x32000xf32, #tpu.memory_space<vmem>>
    %dma_start3A_553 = tpu.memref_squeeze %dma_start3A_552 : memref<1x32000xf32, #tpu.memory_space<vmem>> -> memref<32000xf32, #tpu.memory_space<vmem>>
    %dma_start3A_554 = arith.constant 64000 : i32
    %dma_start3A_555 = tpu.memref_slice %arg4[%add3A_549, %dma_start3A_554] : memref<128x160000xf32, #tpu.memory_space<hbm>> -> memref<1x32000xf32, #tpu.memory_space<hbm>>
    %dma_start3A_556 = tpu.memref_squeeze %dma_start3A_555 : memref<1x32000xf32, #tpu.memory_space<hbm>> -> memref<32000xf32, #tpu.memory_space<hbm>>
    %dma_start3A_557 = arith.constant 64000 : i32
    %dma_start3A_558 = tpu.memref_slice %arg4[%add3A_549, %dma_start3A_557] : memref<128x160000xf32, #tpu.memory_space<hbm>> -> memref<1x32000xf32, #tpu.memory_space<hbm>>
    %dma_start3A_559 = tpu.memref_squeeze %dma_start3A_558 : memref<1x32000xf32, #tpu.memory_space<hbm>> -> memref<32000xf32, #tpu.memory_space<hbm>>
    %dma_start3A_560 = arith.constant 0 : i32
    %dma_start3A_561 = tpu.memref_slice %arg6[%dma_start3A_550, %dma_start3A_560] : memref<2x32000xf32, #tpu.memory_space<vmem>> -> memref<1x32000xf32, #tpu.memory_space<vmem>>
    %dma_start3A_562 = tpu.memref_squeeze %dma_start3A_561 : memref<1x32000xf32, #tpu.memory_space<vmem>> -> memref<32000xf32, #tpu.memory_space<vmem>>
    tpu.enqueue_dma source(%dma_start3A_562 : memref<32000xf32, #tpu.memory_space<vmem>>) target(%dma_start3A_559 : memref<32000xf32, #tpu.memory_space<hbm>>) target_semaphore(%arg10 : memref<!tpu.dma_semaphore, #tpu.memory_space<semaphore_mem>>)
    %add3A_563 = arith.constant 1 : i32
    %add3A_564 = arith.addi %mul3A_2, %add3A_563 : i32
    %dma_wait3A_565 = arith.constant 1 : i32
    %dma_wait3A_566 = arith.constant 0 : i32
    %dma_wait3A_567 = tpu.memref_slice %arg6[%dma_wait3A_565, %dma_wait3A_566] : memref<2x32000xf32, #tpu.memory_space<vmem>> -> memref<1x32000xf32, #tpu.memory_space<vmem>>
    %dma_wait3A_568 = tpu.memref_squeeze %dma_wait3A_567 : memref<1x32000xf32, #tpu.memory_space<vmem>> -> memref<32000xf32, #tpu.memory_space<vmem>>
    %dma_wait3A_569 = arith.constant 64000 : i32
    %dma_wait3A_570 = tpu.memref_slice %arg4[%add3A_564, %dma_wait3A_569] : memref<128x160000xf32, #tpu.memory_space<hbm>> -> memref<1x32000xf32, #tpu.memory_space<hbm>>
    %dma_wait3A_571 = tpu.memref_squeeze %dma_wait3A_570 : memref<1x32000xf32, #tpu.memory_space<hbm>> -> memref<32000xf32, #tpu.memory_space<hbm>>
    %dma_wait3A_572 = arith.constant 64000 : i32
    %dma_wait3A_573 = tpu.memref_slice %arg4[%add3A_564, %dma_wait3A_572] : memref<128x160000xf32, #tpu.memory_space<hbm>> -> memref<1x32000xf32, #tpu.memory_space<hbm>>
    %dma_wait3A_574 = tpu.memref_squeeze %dma_wait3A_573 : memref<1x32000xf32, #tpu.memory_space<hbm>> -> memref<32000xf32, #tpu.memory_space<hbm>>
    %dma_wait3A_575 = arith.constant 0 : i32
    %dma_wait3A_576 = tpu.memref_slice %arg6[%dma_wait3A_565, %dma_wait3A_575] : memref<2x32000xf32, #tpu.memory_space<vmem>> -> memref<1x32000xf32, #tpu.memory_space<vmem>>
    %dma_wait3A_577 = tpu.memref_squeeze %dma_wait3A_576 : memref<1x32000xf32, #tpu.memory_space<vmem>> -> memref<32000xf32, #tpu.memory_space<vmem>>
    tpu.wait_dma2 semaphore(%arg10 : memref<!tpu.dma_semaphore, #tpu.memory_space<semaphore_mem>>) src(%dma_wait3A_577 : memref<32000xf32, #tpu.memory_space<vmem>>) dst(%dma_wait3A_574 : memref<32000xf32, #tpu.memory_space<hbm>>)
    %add3A_578 = arith.constant 1 : i32
    %add3A_579 = arith.addi %mul3A_2, %add3A_578 : i32
    %get3A_580 = arith.index_cast %add3A_579 : i32 to index
    %get3A_581 = tpu.vector_load %arg5[%get3A_580] {strides = array<i32>} : memref<144xi32, #tpu.memory_space<vmem>>, vector<16xi32>,
    %get3A_582 = vector.shape_cast %get3A_581 : vector<16xi32> to vector<16xi32>
    %slice3A_583 = vector.extract_strided_slice %get3A_582 {offsets = [0], sizes = [1], strides = [1]} : vector<16xi32> to vector<1xi32>
    %squeeze3A_584 = vector.extract %slice3A_583[0] : i32 from vector<1xi32>
    %dma_start3A_585 = arith.constant 1 : i32
    %dma_start3A_586 = arith.constant 0 : i32
    %dma_start3A_587 = tpu.memref_slice %arg6[%dma_start3A_585, %dma_start3A_586] : memref<2x32000xf32, #tpu.memory_space<vmem>> -> memref<1x32000xf32, #tpu.memory_space<vmem>>
    %dma_start3A_588 = tpu.memref_squeeze %dma_start3A_587 : memref<1x32000xf32, #tpu.memory_space<vmem>> -> memref<32000xf32, #tpu.memory_space<vmem>>
    %dma_start3A_589 = arith.constant 128000 : i32
    %dma_start3A_590 = tpu.memref_slice %arg2[%squeeze3A_584, %dma_start3A_589] : memref<128x160000xf32, #tpu.memory_space<hbm>> -> memref<1x32000xf32, #tpu.memory_space<hbm>>
    %dma_start3A_591 = tpu.memref_squeeze %dma_start3A_590 : memref<1x32000xf32, #tpu.memory_space<hbm>> -> memref<32000xf32, #tpu.memory_space<hbm>>
    %dma_start3A_592 = arith.constant 0 : i32
    %dma_start3A_593 = tpu.memref_slice %arg6[%dma_start3A_585, %dma_start3A_592] : memref<2x32000xf32, #tpu.memory_space<vmem>> -> memref<1x32000xf32, #tpu.memory_space<vmem>>
    %dma_start3A_594 = tpu.memref_squeeze %dma_start3A_593 : memref<1x32000xf32, #tpu.memory_space<vmem>> -> memref<32000xf32, #tpu.memory_space<vmem>>
    %dma_start3A_595 = arith.constant 128000 : i32
    %dma_start3A_596 = tpu.memref_slice %arg2[%squeeze3A_584, %dma_start3A_595] : memref<128x160000xf32, #tpu.memory_space<hbm>> -> memref<1x32000xf32, #tpu.memory_space<hbm>>
    %dma_start3A_597 = tpu.memref_squeeze %dma_start3A_596 : memref<1x32000xf32, #tpu.memory_space<hbm>> -> memref<32000xf32, #tpu.memory_space<hbm>>
    tpu.enqueue_dma source(%dma_start3A_597 : memref<32000xf32, #tpu.memory_space<hbm>>) target(%dma_start3A_594 : memref<32000xf32, #tpu.memory_space<vmem>>) target_semaphore(%arg8 : memref<!tpu.dma_semaphore, #tpu.memory_space<semaphore_mem>>)
    %add3A_598 = arith.constant 1 : i32
    %add3A_599 = arith.addi %mul3A_2, %add3A_598 : i32
    %get3A_600 = arith.index_cast %add3A_599 : i32 to index
    %get3A_601 = tpu.vector_load %arg5[%get3A_600] {strides = array<i32>} : memref<144xi32, #tpu.memory_space<vmem>>, vector<16xi32>,
    %get3A_602 = vector.shape_cast %get3A_601 : vector<16xi32> to vector<16xi32>
    %slice3A_603 = vector.extract_strided_slice %get3A_602 {offsets = [0], sizes = [1], strides = [1]} : vector<16xi32> to vector<1xi32>
    %squeeze3A_604 = vector.extract %slice3A_603[0] : i32 from vector<1xi32>
    %dma_wait3A_605 = arith.constant 0 : i32
    %dma_wait3A_606 = arith.constant 0 : i32
    %dma_wait3A_607 = tpu.memref_slice %arg6[%dma_wait3A_605, %dma_wait3A_606] : memref<2x32000xf32, #tpu.memory_space<vmem>> -> memref<1x32000xf32, #tpu.memory_space<vmem>>
    %dma_wait3A_608 = tpu.memref_squeeze %dma_wait3A_607 : memref<1x32000xf32, #tpu.memory_space<vmem>> -> memref<32000xf32, #tpu.memory_space<vmem>>
    %dma_wait3A_609 = arith.constant 96000 : i32
    %dma_wait3A_610 = tpu.memref_slice %arg2[%squeeze3A_604, %dma_wait3A_609] : memref<128x160000xf32, #tpu.memory_space<hbm>> -> memref<1x32000xf32, #tpu.memory_space<hbm>>
    %dma_wait3A_611 = tpu.memref_squeeze %dma_wait3A_610 : memref<1x32000xf32, #tpu.memory_space<hbm>> -> memref<32000xf32, #tpu.memory_space<hbm>>
    %dma_wait3A_612 = arith.constant 0 : i32
    %dma_wait3A_613 = tpu.memref_slice %arg6[%dma_wait3A_605, %dma_wait3A_612] : memref<2x32000xf32, #tpu.memory_space<vmem>> -> memref<1x32000xf32, #tpu.memory_space<vmem>>
    %dma_wait3A_614 = tpu.memref_squeeze %dma_wait3A_613 : memref<1x32000xf32, #tpu.memory_space<vmem>> -> memref<32000xf32, #tpu.memory_space<vmem>>
    %dma_wait3A_615 = arith.constant 96000 : i32
    %dma_wait3A_616 = tpu.memref_slice %arg2[%squeeze3A_604, %dma_wait3A_615] : memref<128x160000xf32, #tpu.memory_space<hbm>> -> memref<1x32000xf32, #tpu.memory_space<hbm>>
    %dma_wait3A_617 = tpu.memref_squeeze %dma_wait3A_616 : memref<1x32000xf32, #tpu.memory_space<hbm>> -> memref<32000xf32, #tpu.memory_space<hbm>>
    tpu.wait_dma2 semaphore(%arg7 : memref<!tpu.dma_semaphore, #tpu.memory_space<semaphore_mem>>) src(%dma_wait3A_617 : memref<32000xf32, #tpu.memory_space<hbm>>) dst(%dma_wait3A_614 : memref<32000xf32, #tpu.memory_space<vmem>>)
    %add3A_618 = arith.constant 1 : i32
    %add3A_619 = arith.addi %mul3A_2, %add3A_618 : i32
    %dma_start3A_620 = arith.constant 0 : i32
    %dma_start3A_621 = arith.constant 0 : i32
    %dma_start3A_622 = tpu.memref_slice %arg6[%dma_start3A_620, %dma_start3A_621] : memref<2x32000xf32, #tpu.memory_space<vmem>> -> memref<1x32000xf32, #tpu.memory_space<vmem>>
    %dma_start3A_623 = tpu.memref_squeeze %dma_start3A_622 : memref<1x32000xf32, #tpu.memory_space<vmem>> -> memref<32000xf32, #tpu.memory_space<vmem>>
    %dma_start3A_624 = arith.constant 96000 : i32
    %dma_start3A_625 = tpu.memref_slice %arg4[%add3A_619, %dma_start3A_624] : memref<128x160000xf32, #tpu.memory_space<hbm>> -> memref<1x32000xf32, #tpu.memory_space<hbm>>
    %dma_start3A_626 = tpu.memref_squeeze %dma_start3A_625 : memref<1x32000xf32, #tpu.memory_space<hbm>> -> memref<32000xf32, #tpu.memory_space<hbm>>
    %dma_start3A_627 = arith.constant 96000 : i32
    %dma_start3A_628 = tpu.memref_slice %arg4[%add3A_619, %dma_start3A_627] : memref<128x160000xf32, #tpu.memory_space<hbm>> -> memref<1x32000xf32, #tpu.memory_space<hbm>>
    %dma_start3A_629 = tpu.memref_squeeze %dma_start3A_628 : memref<1x32000xf32, #tpu.memory_space<hbm>> -> memref<32000xf32, #tpu.memory_space<hbm>>
    %dma_start3A_630 = arith.constant 0 : i32
    %dma_start3A_631 = tpu.memref_slice %arg6[%dma_start3A_620, %dma_start3A_630] : memref<2x32000xf32, #tpu.memory_space<vmem>> -> memref<1x32000xf32, #tpu.memory_space<vmem>>
    %dma_start3A_632 = tpu.memref_squeeze %dma_start3A_631 : memref<1x32000xf32, #tpu.memory_space<vmem>> -> memref<32000xf32, #tpu.memory_space<vmem>>
    tpu.enqueue_dma source(%dma_start3A_632 : memref<32000xf32, #tpu.memory_space<vmem>>) target(%dma_start3A_629 : memref<32000xf32, #tpu.memory_space<hbm>>) target_semaphore(%arg9 : memref<!tpu.dma_semaphore, #tpu.memory_space<semaphore_mem>>)
    %add3A_633 = arith.constant 1 : i32
    %add3A_634 = arith.addi %mul3A_2, %add3A_633 : i32
    %dma_wait3A_635 = arith.constant 0 : i32
    %dma_wait3A_636 = arith.constant 0 : i32
    %dma_wait3A_637 = tpu.memref_slice %arg6[%dma_wait3A_635, %dma_wait3A_636] : memref<2x32000xf32, #tpu.memory_space<vmem>> -> memref<1x32000xf32, #tpu.memory_space<vmem>>
    %dma_wait3A_638 = tpu.memref_squeeze %dma_wait3A_637 : memref<1x32000xf32, #tpu.memory_space<vmem>> -> memref<32000xf32, #tpu.memory_space<vmem>>
    %dma_wait3A_639 = arith.constant 96000 : i32
    %dma_wait3A_640 = tpu.memref_slice %arg4[%add3A_634, %dma_wait3A_639] : memref<128x160000xf32, #tpu.memory_space<hbm>> -> memref<1x32000xf32, #tpu.memory_space<hbm>>
    %dma_wait3A_641 = tpu.memref_squeeze %dma_wait3A_640 : memref<1x32000xf32, #tpu.memory_space<hbm>> -> memref<32000xf32, #tpu.memory_space<hbm>>
    %dma_wait3A_642 = arith.constant 96000 : i32
    %dma_wait3A_643 = tpu.memref_slice %arg4[%add3A_634, %dma_wait3A_642] : memref<128x160000xf32, #tpu.memory_space<hbm>> -> memref<1x32000xf32, #tpu.memory_space<hbm>>
    %dma_wait3A_644 = tpu.memref_squeeze %dma_wait3A_643 : memref<1x32000xf32, #tpu.memory_space<hbm>> -> memref<32000xf32, #tpu.memory_space<hbm>>
    %dma_wait3A_645 = arith.constant 0 : i32
    %dma_wait3A_646 = tpu.memref_slice %arg6[%dma_wait3A_635, %dma_wait3A_645] : memref<2x32000xf32, #tpu.memory_space<vmem>> -> memref<1x32000xf32, #tpu.memory_space<vmem>>
    %dma_wait3A_647 = tpu.memref_squeeze %dma_wait3A_646 : memref<1x32000xf32, #tpu.memory_space<vmem>> -> memref<32000xf32, #tpu.memory_space<vmem>>
    tpu.wait_dma2 semaphore(%arg9 : memref<!tpu.dma_semaphore, #tpu.memory_space<semaphore_mem>>) src(%dma_wait3A_647 : memref<32000xf32, #tpu.memory_space<vmem>>) dst(%dma_wait3A_644 : memref<32000xf32, #tpu.memory_space<hbm>>)
    %add3A_648 = arith.constant 2 : i32
    %add3A_649 = arith.addi %mul3A_2, %add3A_648 : i32
    %get3A_650 = arith.index_cast %add3A_649 : i32 to index
    %get3A_651 = tpu.vector_load %arg5[%get3A_650] {strides = array<i32>} : memref<144xi32, #tpu.memory_space<vmem>>, vector<16xi32>,
    %get3A_652 = vector.shape_cast %get3A_651 : vector<16xi32> to vector<16xi32>
    %slice3A_653 = vector.extract_strided_slice %get3A_652 {offsets = [0], sizes = [1], strides = [1]} : vector<16xi32> to vector<1xi32>
    %squeeze3A_654 = vector.extract %slice3A_653[0] : i32 from vector<1xi32>
    %dma_start3A_655 = arith.constant 0 : i32
    %dma_start3A_656 = arith.constant 0 : i32
    %dma_start3A_657 = tpu.memref_slice %arg6[%dma_start3A_655, %dma_start3A_656] : memref<2x32000xf32, #tpu.memory_space<vmem>> -> memref<1x32000xf32, #tpu.memory_space<vmem>>
    %dma_start3A_658 = tpu.memref_squeeze %dma_start3A_657 : memref<1x32000xf32, #tpu.memory_space<vmem>> -> memref<32000xf32, #tpu.memory_space<vmem>>
    %dma_start3A_659 = arith.constant 0 : i32
    %dma_start3A_660 = tpu.memref_slice %arg2[%squeeze3A_654, %dma_start3A_659] : memref<128x160000xf32, #tpu.memory_space<hbm>> -> memref<1x32000xf32, #tpu.memory_space<hbm>>
    %dma_start3A_661 = tpu.memref_squeeze %dma_start3A_660 : memref<1x32000xf32, #tpu.memory_space<hbm>> -> memref<32000xf32, #tpu.memory_space<hbm>>
    %dma_start3A_662 = arith.constant 0 : i32
    %dma_start3A_663 = tpu.memref_slice %arg6[%dma_start3A_655, %dma_start3A_662] : memref<2x32000xf32, #tpu.memory_space<vmem>> -> memref<1x32000xf32, #tpu.memory_space<vmem>>
    %dma_start3A_664 = tpu.memref_squeeze %dma_start3A_663 : memref<1x32000xf32, #tpu.memory_space<vmem>> -> memref<32000xf32, #tpu.memory_space<vmem>>
    %dma_start3A_665 = arith.constant 0 : i32
    %dma_start3A_666 = tpu.memref_slice %arg2[%squeeze3A_654, %dma_start3A_665] : memref<128x160000xf32, #tpu.memory_space<hbm>> -> memref<1x32000xf32, #tpu.memory_space<hbm>>
    %dma_start3A_667 = tpu.memref_squeeze %dma_start3A_666 : memref<1x32000xf32, #tpu.memory_space<hbm>> -> memref<32000xf32, #tpu.memory_space<hbm>>
    tpu.enqueue_dma source(%dma_start3A_667 : memref<32000xf32, #tpu.memory_space<hbm>>) target(%dma_start3A_664 : memref<32000xf32, #tpu.memory_space<vmem>>) target_semaphore(%arg7 : memref<!tpu.dma_semaphore, #tpu.memory_space<semaphore_mem>>)
    %add3A_668 = arith.constant 1 : i32
    %add3A_669 = arith.addi %mul3A_2, %add3A_668 : i32
    %get3A_670 = arith.index_cast %add3A_669 : i32 to index
    %get3A_671 = tpu.vector_load %arg5[%get3A_670] {strides = array<i32>} : memref<144xi32, #tpu.memory_space<vmem>>, vector<16xi32>,
    %get3A_672 = vector.shape_cast %get3A_671 : vector<16xi32> to vector<16xi32>
    %slice3A_673 = vector.extract_strided_slice %get3A_672 {offsets = [0], sizes = [1], strides = [1]} : vector<16xi32> to vector<1xi32>
    %squeeze3A_674 = vector.extract %slice3A_673[0] : i32 from vector<1xi32>
    %dma_wait3A_675 = arith.constant 1 : i32
    %dma_wait3A_676 = arith.constant 0 : i32
    %dma_wait3A_677 = tpu.memref_slice %arg6[%dma_wait3A_675, %dma_wait3A_676] : memref<2x32000xf32, #tpu.memory_space<vmem>> -> memref<1x32000xf32, #tpu.memory_space<vmem>>
    %dma_wait3A_678 = tpu.memref_squeeze %dma_wait3A_677 : memref<1x32000xf32, #tpu.memory_space<vmem>> -> memref<32000xf32, #tpu.memory_space<vmem>>
    %dma_wait3A_679 = arith.constant 128000 : i32
    %dma_wait3A_680 = tpu.memref_slice %arg2[%squeeze3A_674, %dma_wait3A_679] : memref<128x160000xf32, #tpu.memory_space<hbm>> -> memref<1x32000xf32, #tpu.memory_space<hbm>>
    %dma_wait3A_681 = tpu.memref_squeeze %dma_wait3A_680 : memref<1x32000xf32, #tpu.memory_space<hbm>> -> memref<32000xf32, #tpu.memory_space<hbm>>
    %dma_wait3A_682 = arith.constant 0 : i32
    %dma_wait3A_683 = tpu.memref_slice %arg6[%dma_wait3A_675, %dma_wait3A_682] : memref<2x32000xf32, #tpu.memory_space<vmem>> -> memref<1x32000xf32, #tpu.memory_space<vmem>>
    %dma_wait3A_684 = tpu.memref_squeeze %dma_wait3A_683 : memref<1x32000xf32, #tpu.memory_space<vmem>> -> memref<32000xf32, #tpu.memory_space<vmem>>
    %dma_wait3A_685 = arith.constant 128000 : i32
    %dma_wait3A_686 = tpu.memref_slice %arg2[%squeeze3A_674, %dma_wait3A_685] : memref<128x160000xf32, #tpu.memory_space<hbm>> -> memref<1x32000xf32, #tpu.memory_space<hbm>>
    %dma_wait3A_687 = tpu.memref_squeeze %dma_wait3A_686 : memref<1x32000xf32, #tpu.memory_space<hbm>> -> memref<32000xf32, #tpu.memory_space<hbm>>
    tpu.wait_dma2 semaphore(%arg8 : memref<!tpu.dma_semaphore, #tpu.memory_space<semaphore_mem>>) src(%dma_wait3A_687 : memref<32000xf32, #tpu.memory_space<hbm>>) dst(%dma_wait3A_684 : memref<32000xf32, #tpu.memory_space<vmem>>)
    %add3A_688 = arith.constant 1 : i32
    %add3A_689 = arith.addi %mul3A_2, %add3A_688 : i32
    %dma_start3A_690 = arith.constant 1 : i32
    %dma_start3A_691 = arith.constant 0 : i32
    %dma_start3A_692 = tpu.memref_slice %arg6[%dma_start3A_690, %dma_start3A_691] : memref<2x32000xf32, #tpu.memory_space<vmem>> -> memref<1x32000xf32, #tpu.memory_space<vmem>>
    %dma_start3A_693 = tpu.memref_squeeze %dma_start3A_692 : memref<1x32000xf32, #tpu.memory_space<vmem>> -> memref<32000xf32, #tpu.memory_space<vmem>>
    %dma_start3A_694 = arith.constant 128000 : i32
    %dma_start3A_695 = tpu.memref_slice %arg4[%add3A_689, %dma_start3A_694] : memref<128x160000xf32, #tpu.memory_space<hbm>> -> memref<1x32000xf32, #tpu.memory_space<hbm>>
    %dma_start3A_696 = tpu.memref_squeeze %dma_start3A_695 : memref<1x32000xf32, #tpu.memory_space<hbm>> -> memref<32000xf32, #tpu.memory_space<hbm>>
    %dma_start3A_697 = arith.constant 128000 : i32
    %dma_start3A_698 = tpu.memref_slice %arg4[%add3A_689, %dma_start3A_697] : memref<128x160000xf32, #tpu.memory_space<hbm>> -> memref<1x32000xf32, #tpu.memory_space<hbm>>
    %dma_start3A_699 = tpu.memref_squeeze %dma_start3A_698 : memref<1x32000xf32, #tpu.memory_space<hbm>> -> memref<32000xf32, #tpu.memory_space<hbm>>
    %dma_start3A_700 = arith.constant 0 : i32
    %dma_start3A_701 = tpu.memref_slice %arg6[%dma_start3A_690, %dma_start3A_700] : memref<2x32000xf32, #tpu.memory_space<vmem>> -> memref<1x32000xf32, #tpu.memory_space<vmem>>
    %dma_start3A_702 = tpu.memref_squeeze %dma_start3A_701 : memref<1x32000xf32, #tpu.memory_space<vmem>> -> memref<32000xf32, #tpu.memory_space<vmem>>
    tpu.enqueue_dma source(%dma_start3A_702 : memref<32000xf32, #tpu.memory_space<vmem>>) target(%dma_start3A_699 : memref<32000xf32, #tpu.memory_space<hbm>>) target_semaphore(%arg10 : memref<!tpu.dma_semaphore, #tpu.memory_space<semaphore_mem>>)
    %add3A_703 = arith.constant 1 : i32
    %add3A_704 = arith.addi %mul3A_2, %add3A_703 : i32
    %dma_wait3A_705 = arith.constant 1 : i32
    %dma_wait3A_706 = arith.constant 0 : i32
    %dma_wait3A_707 = tpu.memref_slice %arg6[%dma_wait3A_705, %dma_wait3A_706] : memref<2x32000xf32, #tpu.memory_space<vmem>> -> memref<1x32000xf32, #tpu.memory_space<vmem>>
    %dma_wait3A_708 = tpu.memref_squeeze %dma_wait3A_707 : memref<1x32000xf32, #tpu.memory_space<vmem>> -> memref<32000xf32, #tpu.memory_space<vmem>>
    %dma_wait3A_709 = arith.constant 128000 : i32
    %dma_wait3A_710 = tpu.memref_slice %arg4[%add3A_704, %dma_wait3A_709] : memref<128x160000xf32, #tpu.memory_space<hbm>> -> memref<1x32000xf32, #tpu.memory_space<hbm>>
    %dma_wait3A_711 = tpu.memref_squeeze %dma_wait3A_710 : memref<1x32000xf32, #tpu.memory_space<hbm>> -> memref<32000xf32, #tpu.memory_space<hbm>>
    %dma_wait3A_712 = arith.constant 128000 : i32
    %dma_wait3A_713 = tpu.memref_slice %arg4[%add3A_704, %dma_wait3A_712] : memref<128x160000xf32, #tpu.memory_space<hbm>> -> memref<1x32000xf32, #tpu.memory_space<hbm>>
    %dma_wait3A_714 = tpu.memref_squeeze %dma_wait3A_713 : memref<1x32000xf32, #tpu.memory_space<hbm>> -> memref<32000xf32, #tpu.memory_space<hbm>>
    %dma_wait3A_715 = arith.constant 0 : i32
    %dma_wait3A_716 = tpu.memref_slice %arg6[%dma_wait3A_705, %dma_wait3A_715] : memref<2x32000xf32, #tpu.memory_space<vmem>> -> memref<1x32000xf32, #tpu.memory_space<vmem>>
    %dma_wait3A_717 = tpu.memref_squeeze %dma_wait3A_716 : memref<1x32000xf32, #tpu.memory_space<vmem>> -> memref<32000xf32, #tpu.memory_space<vmem>>
    tpu.wait_dma2 semaphore(%arg10 : memref<!tpu.dma_semaphore, #tpu.memory_space<semaphore_mem>>) src(%dma_wait3A_717 : memref<32000xf32, #tpu.memory_space<vmem>>) dst(%dma_wait3A_714 : memref<32000xf32, #tpu.memory_space<hbm>>)
    %add3A_718 = arith.constant 2 : i32
    %add3A_719 = arith.addi %mul3A_2, %add3A_718 : i32
    %get3A_720 = arith.index_cast %add3A_719 : i32 to index
    %get3A_721 = tpu.vector_load %arg5[%get3A_720] {strides = array<i32>} : memref<144xi32, #tpu.memory_space<vmem>>, vector<16xi32>,
    %get3A_722 = vector.shape_cast %get3A_721 : vector<16xi32> to vector<16xi32>
    %slice3A_723 = vector.extract_strided_slice %get3A_722 {offsets = [0], sizes = [1], strides = [1]} : vector<16xi32> to vector<1xi32>
    %squeeze3A_724 = vector.extract %slice3A_723[0] : i32 from vector<1xi32>
    %dma_start3A_725 = arith.constant 1 : i32
    %dma_start3A_726 = arith.constant 0 : i32
    %dma_start3A_727 = tpu.memref_slice %arg6[%dma_start3A_725, %dma_start3A_726] : memref<2x32000xf32, #tpu.memory_space<vmem>> -> memref<1x32000xf32, #tpu.memory_space<vmem>>
    %dma_start3A_728 = tpu.memref_squeeze %dma_start3A_727 : memref<1x32000xf32, #tpu.memory_space<vmem>> -> memref<32000xf32, #tpu.memory_space<vmem>>
    %dma_start3A_729 = arith.constant 32000 : i32
    %dma_start3A_730 = tpu.memref_slice %arg2[%squeeze3A_724, %dma_start3A_729] : memref<128x160000xf32, #tpu.memory_space<hbm>> -> memref<1x32000xf32, #tpu.memory_space<hbm>>
    %dma_start3A_731 = tpu.memref_squeeze %dma_start3A_730 : memref<1x32000xf32, #tpu.memory_space<hbm>> -> memref<32000xf32, #tpu.memory_space<hbm>>
    %dma_start3A_732 = arith.constant 0 : i32
    %dma_start3A_733 = tpu.memref_slice %arg6[%dma_start3A_725, %dma_start3A_732] : memref<2x32000xf32, #tpu.memory_space<vmem>> -> memref<1x32000xf32, #tpu.memory_space<vmem>>
    %dma_start3A_734 = tpu.memref_squeeze %dma_start3A_733 : memref<1x32000xf32, #tpu.memory_space<vmem>> -> memref<32000xf32, #tpu.memory_space<vmem>>
    %dma_start3A_735 = arith.constant 32000 : i32
    %dma_start3A_736 = tpu.memref_slice %arg2[%squeeze3A_724, %dma_start3A_735] : memref<128x160000xf32, #tpu.memory_space<hbm>> -> memref<1x32000xf32, #tpu.memory_space<hbm>>
    %dma_start3A_737 = tpu.memref_squeeze %dma_start3A_736 : memref<1x32000xf32, #tpu.memory_space<hbm>> -> memref<32000xf32, #tpu.memory_space<hbm>>
    tpu.enqueue_dma source(%dma_start3A_737 : memref<32000xf32, #tpu.memory_space<hbm>>) target(%dma_start3A_734 : memref<32000xf32, #tpu.memory_space<vmem>>) target_semaphore(%arg8 : memref<!tpu.dma_semaphore, #tpu.memory_space<semaphore_mem>>)
    %add3A_738 = arith.constant 2 : i32
    %add3A_739 = arith.addi %mul3A_2, %add3A_738 : i32
    %get3A_740 = arith.index_cast %add3A_739 : i32 to index
    %get3A_741 = tpu.vector_load %arg5[%get3A_740] {strides = array<i32>} : memref<144xi32, #tpu.memory_space<vmem>>, vector<16xi32>,
    %get3A_742 = vector.shape_cast %get3A_741 : vector<16xi32> to vector<16xi32>
    %slice3A_743 = vector.extract_strided_slice %get3A_742 {offsets = [0], sizes = [1], strides = [1]} : vector<16xi32> to vector<1xi32>
    %squeeze3A_744 = vector.extract %slice3A_743[0] : i32 from vector<1xi32>
    %dma_wait3A_745 = arith.constant 0 : i32
    %dma_wait3A_746 = arith.constant 0 : i32
    %dma_wait3A_747 = tpu.memref_slice %arg6[%dma_wait3A_745, %dma_wait3A_746] : memref<2x32000xf32, #tpu.memory_space<vmem>> -> memref<1x32000xf32, #tpu.memory_space<vmem>>
    %dma_wait3A_748 = tpu.memref_squeeze %dma_wait3A_747 : memref<1x32000xf32, #tpu.memory_space<vmem>> -> memref<32000xf32, #tpu.memory_space<vmem>>
    %dma_wait3A_749 = arith.constant 0 : i32
    %dma_wait3A_750 = tpu.memref_slice %arg2[%squeeze3A_744, %dma_wait3A_749] : memref<128x160000xf32, #tpu.memory_space<hbm>> -> memref<1x32000xf32, #tpu.memory_space<hbm>>
    %dma_wait3A_751 = tpu.memref_squeeze %dma_wait3A_750 : memref<1x32000xf32, #tpu.memory_space<hbm>> -> memref<32000xf32, #tpu.memory_space<hbm>>
    %dma_wait3A_752 = arith.constant 0 : i32
    %dma_wait3A_753 = tpu.memref_slice %arg6[%dma_wait3A_745, %dma_wait3A_752] : memref<2x32000xf32, #tpu.memory_space<vmem>> -> memref<1x32000xf32, #tpu.memory_space<vmem>>
    %dma_wait3A_754 = tpu.memref_squeeze %dma_wait3A_753 : memref<1x32000xf32, #tpu.memory_space<vmem>> -> memref<32000xf32, #tpu.memory_space<vmem>>
    %dma_wait3A_755 = arith.constant 0 : i32
    %dma_wait3A_756 = tpu.memref_slice %arg2[%squeeze3A_744, %dma_wait3A_755] : memref<128x160000xf32, #tpu.memory_space<hbm>> -> memref<1x32000xf32, #tpu.memory_space<hbm>>
    %dma_wait3A_757 = tpu.memref_squeeze %dma_wait3A_756 : memref<1x32000xf32, #tpu.memory_space<hbm>> -> memref<32000xf32, #tpu.memory_space<hbm>>
    tpu.wait_dma2 semaphore(%arg7 : memref<!tpu.dma_semaphore, #tpu.memory_space<semaphore_mem>>) src(%dma_wait3A_757 : memref<32000xf32, #tpu.memory_space<hbm>>) dst(%dma_wait3A_754 : memref<32000xf32, #tpu.memory_space<vmem>>)
    %add3A_758 = arith.constant 2 : i32
    %add3A_759 = arith.addi %mul3A_2, %add3A_758 : i32
    %dma_start3A_760 = arith.constant 0 : i32
    %dma_start3A_761 = arith.constant 0 : i32
    %dma_start3A_762 = tpu.memref_slice %arg6[%dma_start3A_760, %dma_start3A_761] : memref<2x32000xf32, #tpu.memory_space<vmem>> -> memref<1x32000xf32, #tpu.memory_space<vmem>>
    %dma_start3A_763 = tpu.memref_squeeze %dma_start3A_762 : memref<1x32000xf32, #tpu.memory_space<vmem>> -> memref<32000xf32, #tpu.memory_space<vmem>>
    %dma_start3A_764 = arith.constant 0 : i32
    %dma_start3A_765 = tpu.memref_slice %arg4[%add3A_759, %dma_start3A_764] : memref<128x160000xf32, #tpu.memory_space<hbm>> -> memref<1x32000xf32, #tpu.memory_space<hbm>>
    %dma_start3A_766 = tpu.memref_squeeze %dma_start3A_765 : memref<1x32000xf32, #tpu.memory_space<hbm>> -> memref<32000xf32, #tpu.memory_space<hbm>>
    %dma_start3A_767 = arith.constant 0 : i32
    %dma_start3A_768 = tpu.memref_slice %arg4[%add3A_759, %dma_start3A_767] : memref<128x160000xf32, #tpu.memory_space<hbm>> -> memref<1x32000xf32, #tpu.memory_space<hbm>>
    %dma_start3A_769 = tpu.memref_squeeze %dma_start3A_768 : memref<1x32000xf32, #tpu.memory_space<hbm>> -> memref<32000xf32, #tpu.memory_space<hbm>>
    %dma_start3A_770 = arith.constant 0 : i32
    %dma_start3A_771 = tpu.memref_slice %arg6[%dma_start3A_760, %dma_start3A_770] : memref<2x32000xf32, #tpu.memory_space<vmem>> -> memref<1x32000xf32, #tpu.memory_space<vmem>>
    %dma_start3A_772 = tpu.memref_squeeze %dma_start3A_771 : memref<1x32000xf32, #tpu.memory_space<vmem>> -> memref<32000xf32, #tpu.memory_space<vmem>>
    tpu.enqueue_dma source(%dma_start3A_772 : memref<32000xf32, #tpu.memory_space<vmem>>) target(%dma_start3A_769 : memref<32000xf32, #tpu.memory_space<hbm>>) target_semaphore(%arg9 : memref<!tpu.dma_semaphore, #tpu.memory_space<semaphore_mem>>)
    %add3A_773 = arith.constant 2 : i32
    %add3A_774 = arith.addi %mul3A_2, %add3A_773 : i32
    %dma_wait3A_775 = arith.constant 0 : i32
    %dma_wait3A_776 = arith.constant 0 : i32
    %dma_wait3A_777 = tpu.memref_slice %arg6[%dma_wait3A_775, %dma_wait3A_776] : memref<2x32000xf32, #tpu.memory_space<vmem>> -> memref<1x32000xf32, #tpu.memory_space<vmem>>
    %dma_wait3A_778 = tpu.memref_squeeze %dma_wait3A_777 : memref<1x32000xf32, #tpu.memory_space<vmem>> -> memref<32000xf32, #tpu.memory_space<vmem>>
    %dma_wait3A_779 = arith.constant 0 : i32
    %dma_wait3A_780 = tpu.memref_slice %arg4[%add3A_774, %dma_wait3A_779] : memref<128x160000xf32, #tpu.memory_space<hbm>> -> memref<1x32000xf32, #tpu.memory_space<hbm>>
    %dma_wait3A_781 = tpu.memref_squeeze %dma_wait3A_780 : memref<1x32000xf32, #tpu.memory_space<hbm>> -> memref<32000xf32, #tpu.memory_space<hbm>>
    %dma_wait3A_782 = arith.constant 0 : i32
    %dma_wait3A_783 = tpu.memref_slice %arg4[%add3A_774, %dma_wait3A_782] : memref<128x160000xf32, #tpu.memory_space<hbm>> -> memref<1x32000xf32, #tpu.memory_space<hbm>>
    %dma_wait3A_784 = tpu.memref_squeeze %dma_wait3A_783 : memref<1x32000xf32, #tpu.memory_space<hbm>> -> memref<32000xf32, #tpu.memory_space<hbm>>
    %dma_wait3A_785 = arith.constant 0 : i32
    %dma_wait3A_786 = tpu.memref_slice %arg6[%dma_wait3A_775, %dma_wait3A_785] : memref<2x32000xf32, #tpu.memory_space<vmem>> -> memref<1x32000xf32, #tpu.memory_space<vmem>>
    %dma_wait3A_787 = tpu.memref_squeeze %dma_wait3A_786 : memref<1x32000xf32, #tpu.memory_space<vmem>> -> memref<32000xf32, #tpu.memory_space<vmem>>
    tpu.wait_dma2 semaphore(%arg9 : memref<!tpu.dma_semaphore, #tpu.memory_space<semaphore_mem>>) src(%dma_wait3A_787 : memref<32000xf32, #tpu.memory_space<vmem>>) dst(%dma_wait3A_784 : memref<32000xf32, #tpu.memory_space<hbm>>)
    %add3A_788 = arith.constant 2 : i32
    %add3A_789 = arith.addi %mul3A_2, %add3A_788 : i32
    %get3A_790 = arith.index_cast %add3A_789 : i32 to index
    %get3A_791 = tpu.vector_load %arg5[%get3A_790] {strides = array<i32>} : memref<144xi32, #tpu.memory_space<vmem>>, vector<16xi32>,
    %get3A_792 = vector.shape_cast %get3A_791 : vector<16xi32> to vector<16xi32>
    %slice3A_793 = vector.extract_strided_slice %get3A_792 {offsets = [0], sizes = [1], strides = [1]} : vector<16xi32> to vector<1xi32>
    %squeeze3A_794 = vector.extract %slice3A_793[0] : i32 from vector<1xi32>
    %dma_start3A_795 = arith.constant 0 : i32
    %dma_start3A_796 = arith.constant 0 : i32
    %dma_start3A_797 = tpu.memref_slice %arg6[%dma_start3A_795, %dma_start3A_796] : memref<2x32000xf32, #tpu.memory_space<vmem>> -> memref<1x32000xf32, #tpu.memory_space<vmem>>
    %dma_start3A_798 = tpu.memref_squeeze %dma_start3A_797 : memref<1x32000xf32, #tpu.memory_space<vmem>> -> memref<32000xf32, #tpu.memory_space<vmem>>
    %dma_start3A_799 = arith.constant 64000 : i32
    %dma_start3A_800 = tpu.memref_slice %arg2[%squeeze3A_794, %dma_start3A_799] : memref<128x160000xf32, #tpu.memory_space<hbm>> -> memref<1x32000xf32, #tpu.memory_space<hbm>>
    %dma_start3A_801 = tpu.memref_squeeze %dma_start3A_800 : memref<1x32000xf32, #tpu.memory_space<hbm>> -> memref<32000xf32, #tpu.memory_space<hbm>>
    %dma_start3A_802 = arith.constant 0 : i32
    %dma_start3A_803 = tpu.memref_slice %arg6[%dma_start3A_795, %dma_start3A_802] : memref<2x32000xf32, #tpu.memory_space<vmem>> -> memref<1x32000xf32, #tpu.memory_space<vmem>>
    %dma_start3A_804 = tpu.memref_squeeze %dma_start3A_803 : memref<1x32000xf32, #tpu.memory_space<vmem>> -> memref<32000xf32, #tpu.memory_space<vmem>>
    %dma_start3A_805 = arith.constant 64000 : i32
    %dma_start3A_806 = tpu.memref_slice %arg2[%squeeze3A_794, %dma_start3A_805] : memref<128x160000xf32, #tpu.memory_space<hbm>> -> memref<1x32000xf32, #tpu.memory_space<hbm>>
    %dma_start3A_807 = tpu.memref_squeeze %dma_start3A_806 : memref<1x32000xf32, #tpu.memory_space<hbm>> -> memref<32000xf32, #tpu.memory_space<hbm>>
    tpu.enqueue_dma source(%dma_start3A_807 : memref<32000xf32, #tpu.memory_space<hbm>>) target(%dma_start3A_804 : memref<32000xf32, #tpu.memory_space<vmem>>) target_semaphore(%arg7 : memref<!tpu.dma_semaphore, #tpu.memory_space<semaphore_mem>>)
    %add3A_808 = arith.constant 2 : i32
    %add3A_809 = arith.addi %mul3A_2, %add3A_808 : i32
    %get3A_810 = arith.index_cast %add3A_809 : i32 to index
    %get3A_811 = tpu.vector_load %arg5[%get3A_810] {strides = array<i32>} : memref<144xi32, #tpu.memory_space<vmem>>, vector<16xi32>,
    %get3A_812 = vector.shape_cast %get3A_811 : vector<16xi32> to vector<16xi32>
    %slice3A_813 = vector.extract_strided_slice %get3A_812 {offsets = [0], sizes = [1], strides = [1]} : vector<16xi32> to vector<1xi32>
    %squeeze3A_814 = vector.extract %slice3A_813[0] : i32 from vector<1xi32>
    %dma_wait3A_815 = arith.constant 1 : i32
    %dma_wait3A_816 = arith.constant 0 : i32
    %dma_wait3A_817 = tpu.memref_slice %arg6[%dma_wait3A_815, %dma_wait3A_816] : memref<2x32000xf32, #tpu.memory_space<vmem>> -> memref<1x32000xf32, #tpu.memory_space<vmem>>
    %dma_wait3A_818 = tpu.memref_squeeze %dma_wait3A_817 : memref<1x32000xf32, #tpu.memory_space<vmem>> -> memref<32000xf32, #tpu.memory_space<vmem>>
    %dma_wait3A_819 = arith.constant 32000 : i32
    %dma_wait3A_820 = tpu.memref_slice %arg2[%squeeze3A_814, %dma_wait3A_819] : memref<128x160000xf32, #tpu.memory_space<hbm>> -> memref<1x32000xf32, #tpu.memory_space<hbm>>
    %dma_wait3A_821 = tpu.memref_squeeze %dma_wait3A_820 : memref<1x32000xf32, #tpu.memory_space<hbm>> -> memref<32000xf32, #tpu.memory_space<hbm>>
    %dma_wait3A_822 = arith.constant 0 : i32
    %dma_wait3A_823 = tpu.memref_slice %arg6[%dma_wait3A_815, %dma_wait3A_822] : memref<2x32000xf32, #tpu.memory_space<vmem>> -> memref<1x32000xf32, #tpu.memory_space<vmem>>
    %dma_wait3A_824 = tpu.memref_squeeze %dma_wait3A_823 : memref<1x32000xf32, #tpu.memory_space<vmem>> -> memref<32000xf32, #tpu.memory_space<vmem>>
    %dma_wait3A_825 = arith.constant 32000 : i32
    %dma_wait3A_826 = tpu.memref_slice %arg2[%squeeze3A_814, %dma_wait3A_825] : memref<128x160000xf32, #tpu.memory_space<hbm>> -> memref<1x32000xf32, #tpu.memory_space<hbm>>
    %dma_wait3A_827 = tpu.memref_squeeze %dma_wait3A_826 : memref<1x32000xf32, #tpu.memory_space<hbm>> -> memref<32000xf32, #tpu.memory_space<hbm>>
    tpu.wait_dma2 semaphore(%arg8 : memref<!tpu.dma_semaphore, #tpu.memory_space<semaphore_mem>>) src(%dma_wait3A_827 : memref<32000xf32, #tpu.memory_space<hbm>>) dst(%dma_wait3A_824 : memref<32000xf32, #tpu.memory_space<vmem>>)
    %add3A_828 = arith.constant 2 : i32
    %add3A_829 = arith.addi %mul3A_2, %add3A_828 : i32
    %dma_start3A_830 = arith.constant 1 : i32
    %dma_start3A_831 = arith.constant 0 : i32
    %dma_start3A_832 = tpu.memref_slice %arg6[%dma_start3A_830, %dma_start3A_831] : memref<2x32000xf32, #tpu.memory_space<vmem>> -> memref<1x32000xf32, #tpu.memory_space<vmem>>
    %dma_start3A_833 = tpu.memref_squeeze %dma_start3A_832 : memref<1x32000xf32, #tpu.memory_space<vmem>> -> memref<32000xf32, #tpu.memory_space<vmem>>
    %dma_start3A_834 = arith.constant 32000 : i32
    %dma_start3A_835 = tpu.memref_slice %arg4[%add3A_829, %dma_start3A_834] : memref<128x160000xf32, #tpu.memory_space<hbm>> -> memref<1x32000xf32, #tpu.memory_space<hbm>>
    %dma_start3A_836 = tpu.memref_squeeze %dma_start3A_835 : memref<1x32000xf32, #tpu.memory_space<hbm>> -> memref<32000xf32, #tpu.memory_space<hbm>>
    %dma_start3A_837 = arith.constant 32000 : i32
    %dma_start3A_838 = tpu.memref_slice %arg4[%add3A_829, %dma_start3A_837] : memref<128x160000xf32, #tpu.memory_space<hbm>> -> memref<1x32000xf32, #tpu.memory_space<hbm>>
    %dma_start3A_839 = tpu.memref_squeeze %dma_start3A_838 : memref<1x32000xf32, #tpu.memory_space<hbm>> -> memref<32000xf32, #tpu.memory_space<hbm>>
    %dma_start3A_840 = arith.constant 0 : i32
    %dma_start3A_841 = tpu.memref_slice %arg6[%dma_start3A_830, %dma_start3A_840] : memref<2x32000xf32, #tpu.memory_space<vmem>> -> memref<1x32000xf32, #tpu.memory_space<vmem>>
    %dma_start3A_842 = tpu.memref_squeeze %dma_start3A_841 : memref<1x32000xf32, #tpu.memory_space<vmem>> -> memref<32000xf32, #tpu.memory_space<vmem>>
    tpu.enqueue_dma source(%dma_start3A_842 : memref<32000xf32, #tpu.memory_space<vmem>>) target(%dma_start3A_839 : memref<32000xf32, #tpu.memory_space<hbm>>) target_semaphore(%arg10 : memref<!tpu.dma_semaphore, #tpu.memory_space<semaphore_mem>>)
    %add3A_843 = arith.constant 2 : i32
    %add3A_844 = arith.addi %mul3A_2, %add3A_843 : i32
    %dma_wait3A_845 = arith.constant 1 : i32
    %dma_wait3A_846 = arith.constant 0 : i32
    %dma_wait3A_847 = tpu.memref_slice %arg6[%dma_wait3A_845, %dma_wait3A_846] : memref<2x32000xf32, #tpu.memory_space<vmem>> -> memref<1x32000xf32, #tpu.memory_space<vmem>>
    %dma_wait3A_848 = tpu.memref_squeeze %dma_wait3A_847 : memref<1x32000xf32, #tpu.memory_space<vmem>> -> memref<32000xf32, #tpu.memory_space<vmem>>
    %dma_wait3A_849 = arith.constant 32000 : i32
    %dma_wait3A_850 = tpu.memref_slice %arg4[%add3A_844, %dma_wait3A_849] : memref<128x160000xf32, #tpu.memory_space<hbm>> -> memref<1x32000xf32, #tpu.memory_space<hbm>>
    %dma_wait3A_851 = tpu.memref_squeeze %dma_wait3A_850 : memref<1x32000xf32, #tpu.memory_space<hbm>> -> memref<32000xf32, #tpu.memory_space<hbm>>
    %dma_wait3A_852 = arith.constant 32000 : i32
    %dma_wait3A_853 = tpu.memref_slice %arg4[%add3A_844, %dma_wait3A_852] : memref<128x160000xf32, #tpu.memory_space<hbm>> -> memref<1x32000xf32, #tpu.memory_space<hbm>>
    %dma_wait3A_854 = tpu.memref_squeeze %dma_wait3A_853 : memref<1x32000xf32, #tpu.memory_space<hbm>> -> memref<32000xf32, #tpu.memory_space<hbm>>
    %dma_wait3A_855 = arith.constant 0 : i32
    %dma_wait3A_856 = tpu.memref_slice %arg6[%dma_wait3A_845, %dma_wait3A_855] : memref<2x32000xf32, #tpu.memory_space<vmem>> -> memref<1x32000xf32, #tpu.memory_space<vmem>>
    %dma_wait3A_857 = tpu.memref_squeeze %dma_wait3A_856 : memref<1x32000xf32, #tpu.memory_space<vmem>> -> memref<32000xf32, #tpu.memory_space<vmem>>
    tpu.wait_dma2 semaphore(%arg10 : memref<!tpu.dma_semaphore, #tpu.memory_space<semaphore_mem>>) src(%dma_wait3A_857 : memref<32000xf32, #tpu.memory_space<vmem>>) dst(%dma_wait3A_854 : memref<32000xf32, #tpu.memory_space<hbm>>)
    %add3A_858 = arith.constant 2 : i32
    %add3A_859 = arith.addi %mul3A_2, %add3A_858 : i32
    %get3A_860 = arith.index_cast %add3A_859 : i32 to index
    %get3A_861 = tpu.vector_load %arg5[%get3A_860] {strides = array<i32>} : memref<144xi32, #tpu.memory_space<vmem>>, vector<16xi32>,
    %get3A_862 = vector.shape_cast %get3A_861 : vector<16xi32> to vector<16xi32>
    %slice3A_863 = vector.extract_strided_slice %get3A_862 {offsets = [0], sizes = [1], strides = [1]} : vector<16xi32> to vector<1xi32>
    %squeeze3A_864 = vector.extract %slice3A_863[0] : i32 from vector<1xi32>
    %dma_start3A_865 = arith.constant 1 : i32
    %dma_start3A_866 = arith.constant 0 : i32
    %dma_start3A_867 = tpu.memref_slice %arg6[%dma_start3A_865, %dma_start3A_866] : memref<2x32000xf32, #tpu.memory_space<vmem>> -> memref<1x32000xf32, #tpu.memory_space<vmem>>
    %dma_start3A_868 = tpu.memref_squeeze %dma_start3A_867 : memref<1x32000xf32, #tpu.memory_space<vmem>> -> memref<32000xf32, #tpu.memory_space<vmem>>
    %dma_start3A_869 = arith.constant 96000 : i32
    %dma_start3A_870 = tpu.memref_slice %arg2[%squeeze3A_864, %dma_start3A_869] : memref<128x160000xf32, #tpu.memory_space<hbm>> -> memref<1x32000xf32, #tpu.memory_space<hbm>>
    %dma_start3A_871 = tpu.memref_squeeze %dma_start3A_870 : memref<1x32000xf32, #tpu.memory_space<hbm>> -> memref<32000xf32, #tpu.memory_space<hbm>>
    %dma_start3A_872 = arith.constant 0 : i32
    %dma_start3A_873 = tpu.memref_slice %arg6[%dma_start3A_865, %dma_start3A_872] : memref<2x32000xf32, #tpu.memory_space<vmem>> -> memref<1x32000xf32, #tpu.memory_space<vmem>>
    %dma_start3A_874 = tpu.memref_squeeze %dma_start3A_873 : memref<1x32000xf32, #tpu.memory_space<vmem>> -> memref<32000xf32, #tpu.memory_space<vmem>>
    %dma_start3A_875 = arith.constant 96000 : i32
    %dma_start3A_876 = tpu.memref_slice %arg2[%squeeze3A_864, %dma_start3A_875] : memref<128x160000xf32, #tpu.memory_space<hbm>> -> memref<1x32000xf32, #tpu.memory_space<hbm>>
    %dma_start3A_877 = tpu.memref_squeeze %dma_start3A_876 : memref<1x32000xf32, #tpu.memory_space<hbm>> -> memref<32000xf32, #tpu.memory_space<hbm>>
    tpu.enqueue_dma source(%dma_start3A_877 : memref<32000xf32, #tpu.memory_space<hbm>>) target(%dma_start3A_874 : memref<32000xf32, #tpu.memory_space<vmem>>) target_semaphore(%arg8 : memref<!tpu.dma_semaphore, #tpu.memory_space<semaphore_mem>>)
    %add3A_878 = arith.constant 2 : i32
    %add3A_879 = arith.addi %mul3A_2, %add3A_878 : i32
    %get3A_880 = arith.index_cast %add3A_879 : i32 to index
    %get3A_881 = tpu.vector_load %arg5[%get3A_880] {strides = array<i32>} : memref<144xi32, #tpu.memory_space<vmem>>, vector<16xi32>,
    %get3A_882 = vector.shape_cast %get3A_881 : vector<16xi32> to vector<16xi32>
    %slice3A_883 = vector.extract_strided_slice %get3A_882 {offsets = [0], sizes = [1], strides = [1]} : vector<16xi32> to vector<1xi32>
    %squeeze3A_884 = vector.extract %slice3A_883[0] : i32 from vector<1xi32>
    %dma_wait3A_885 = arith.constant 0 : i32
    %dma_wait3A_886 = arith.constant 0 : i32
    %dma_wait3A_887 = tpu.memref_slice %arg6[%dma_wait3A_885, %dma_wait3A_886] : memref<2x32000xf32, #tpu.memory_space<vmem>> -> memref<1x32000xf32, #tpu.memory_space<vmem>>
    %dma_wait3A_888 = tpu.memref_squeeze %dma_wait3A_887 : memref<1x32000xf32, #tpu.memory_space<vmem>> -> memref<32000xf32, #tpu.memory_space<vmem>>
    %dma_wait3A_889 = arith.constant 64000 : i32
    %dma_wait3A_890 = tpu.memref_slice %arg2[%squeeze3A_884, %dma_wait3A_889] : memref<128x160000xf32, #tpu.memory_space<hbm>> -> memref<1x32000xf32, #tpu.memory_space<hbm>>
    %dma_wait3A_891 = tpu.memref_squeeze %dma_wait3A_890 : memref<1x32000xf32, #tpu.memory_space<hbm>> -> memref<32000xf32, #tpu.memory_space<hbm>>
    %dma_wait3A_892 = arith.constant 0 : i32
    %dma_wait3A_893 = tpu.memref_slice %arg6[%dma_wait3A_885, %dma_wait3A_892] : memref<2x32000xf32, #tpu.memory_space<vmem>> -> memref<1x32000xf32, #tpu.memory_space<vmem>>
    %dma_wait3A_894 = tpu.memref_squeeze %dma_wait3A_893 : memref<1x32000xf32, #tpu.memory_space<vmem>> -> memref<32000xf32, #tpu.memory_space<vmem>>
    %dma_wait3A_895 = arith.constant 64000 : i32
    %dma_wait3A_896 = tpu.memref_slice %arg2[%squeeze3A_884, %dma_wait3A_895] : memref<128x160000xf32, #tpu.memory_space<hbm>> -> memref<1x32000xf32, #tpu.memory_space<hbm>>
    %dma_wait3A_897 = tpu.memref_squeeze %dma_wait3A_896 : memref<1x32000xf32, #tpu.memory_space<hbm>> -> memref<32000xf32, #tpu.memory_space<hbm>>
    tpu.wait_dma2 semaphore(%arg7 : memref<!tpu.dma_semaphore, #tpu.memory_space<semaphore_mem>>) src(%dma_wait3A_897 : memref<32000xf32, #tpu.memory_space<hbm>>) dst(%dma_wait3A_894 : memref<32000xf32, #tpu.memory_space<vmem>>)
    %add3A_898 = arith.constant 2 : i32
    %add3A_899 = arith.addi %mul3A_2, %add3A_898 : i32
    %dma_start3A_900 = arith.constant 0 : i32
    %dma_start3A_901 = arith.constant 0 : i32
    %dma_start3A_902 = tpu.memref_slice %arg6[%dma_start3A_900, %dma_start3A_901] : memref<2x32000xf32, #tpu.memory_space<vmem>> -> memref<1x32000xf32, #tpu.memory_space<vmem>>
    %dma_start3A_903 = tpu.memref_squeeze %dma_start3A_902 : memref<1x32000xf32, #tpu.memory_space<vmem>> -> memref<32000xf32, #tpu.memory_space<vmem>>
    %dma_start3A_904 = arith.constant 64000 : i32
    %dma_start3A_905 = tpu.memref_slice %arg4[%add3A_899, %dma_start3A_904] : memref<128x160000xf32, #tpu.memory_space<hbm>> -> memref<1x32000xf32, #tpu.memory_space<hbm>>
    %dma_start3A_906 = tpu.memref_squeeze %dma_start3A_905 : memref<1x32000xf32, #tpu.memory_space<hbm>> -> memref<32000xf32, #tpu.memory_space<hbm>>
    %dma_start3A_907 = arith.constant 64000 : i32
    %dma_start3A_908 = tpu.memref_slice %arg4[%add3A_899, %dma_start3A_907] : memref<128x160000xf32, #tpu.memory_space<hbm>> -> memref<1x32000xf32, #tpu.memory_space<hbm>>
    %dma_start3A_909 = tpu.memref_squeeze %dma_start3A_908 : memref<1x32000xf32, #tpu.memory_space<hbm>> -> memref<32000xf32, #tpu.memory_space<hbm>>
    %dma_start3A_910 = arith.constant 0 : i32
    %dma_start3A_911 = tpu.memref_slice %arg6[%dma_start3A_900, %dma_start3A_910] : memref<2x32000xf32, #tpu.memory_space<vmem>> -> memref<1x32000xf32, #tpu.memory_space<vmem>>
    %dma_start3A_912 = tpu.memref_squeeze %dma_start3A_911 : memref<1x32000xf32, #tpu.memory_space<vmem>> -> memref<32000xf32, #tpu.memory_space<vmem>>
    tpu.enqueue_dma source(%dma_start3A_912 : memref<32000xf32, #tpu.memory_space<vmem>>) target(%dma_start3A_909 : memref<32000xf32, #tpu.memory_space<hbm>>) target_semaphore(%arg9 : memref<!tpu.dma_semaphore, #tpu.memory_space<semaphore_mem>>)
    %add3A_913 = arith.constant 2 : i32
    %add3A_914 = arith.addi %mul3A_2, %add3A_913 : i32
    %dma_wait3A_915 = arith.constant 0 : i32
    %dma_wait3A_916 = arith.constant 0 : i32
    %dma_wait3A_917 = tpu.memref_slice %arg6[%dma_wait3A_915, %dma_wait3A_916] : memref<2x32000xf32, #tpu.memory_space<vmem>> -> memref<1x32000xf32, #tpu.memory_space<vmem>>
    %dma_wait3A_918 = tpu.memref_squeeze %dma_wait3A_917 : memref<1x32000xf32, #tpu.memory_space<vmem>> -> memref<32000xf32, #tpu.memory_space<vmem>>
    %dma_wait3A_919 = arith.constant 64000 : i32
    %dma_wait3A_920 = tpu.memref_slice %arg4[%add3A_914, %dma_wait3A_919] : memref<128x160000xf32, #tpu.memory_space<hbm>> -> memref<1x32000xf32, #tpu.memory_space<hbm>>
    %dma_wait3A_921 = tpu.memref_squeeze %dma_wait3A_920 : memref<1x32000xf32, #tpu.memory_space<hbm>> -> memref<32000xf32, #tpu.memory_space<hbm>>
    %dma_wait3A_922 = arith.constant 64000 : i32
    %dma_wait3A_923 = tpu.memref_slice %arg4[%add3A_914, %dma_wait3A_922] : memref<128x160000xf32, #tpu.memory_space<hbm>> -> memref<1x32000xf32, #tpu.memory_space<hbm>>
    %dma_wait3A_924 = tpu.memref_squeeze %dma_wait3A_923 : memref<1x32000xf32, #tpu.memory_space<hbm>> -> memref<32000xf32, #tpu.memory_space<hbm>>
    %dma_wait3A_925 = arith.constant 0 : i32
    %dma_wait3A_926 = tpu.memref_slice %arg6[%dma_wait3A_915, %dma_wait3A_925] : memref<2x32000xf32, #tpu.memory_space<vmem>> -> memref<1x32000xf32, #tpu.memory_space<vmem>>
    %dma_wait3A_927 = tpu.memref_squeeze %dma_wait3A_926 : memref<1x32000xf32, #tpu.memory_space<vmem>> -> memref<32000xf32, #tpu.memory_space<vmem>>
    tpu.wait_dma2 semaphore(%arg9 : memref<!tpu.dma_semaphore, #tpu.memory_space<semaphore_mem>>) src(%dma_wait3A_927 : memref<32000xf32, #tpu.memory_space<vmem>>) dst(%dma_wait3A_924 : memref<32000xf32, #tpu.memory_space<hbm>>)
    %add3A_928 = arith.constant 2 : i32
    %add3A_929 = arith.addi %mul3A_2, %add3A_928 : i32
    %get3A_930 = arith.index_cast %add3A_929 : i32 to index
    %get3A_931 = tpu.vector_load %arg5[%get3A_930] {strides = array<i32>} : memref<144xi32, #tpu.memory_space<vmem>>, vector<16xi32>,
    %get3A_932 = vector.shape_cast %get3A_931 : vector<16xi32> to vector<16xi32>
    %slice3A_933 = vector.extract_strided_slice %get3A_932 {offsets = [0], sizes = [1], strides = [1]} : vector<16xi32> to vector<1xi32>
    %squeeze3A_934 = vector.extract %slice3A_933[0] : i32 from vector<1xi32>
    %dma_start3A_935 = arith.constant 0 : i32
    %dma_start3A_936 = arith.constant 0 : i32
    %dma_start3A_937 = tpu.memref_slice %arg6[%dma_start3A_935, %dma_start3A_936] : memref<2x32000xf32, #tpu.memory_space<vmem>> -> memref<1x32000xf32, #tpu.memory_space<vmem>>
    %dma_start3A_938 = tpu.memref_squeeze %dma_start3A_937 : memref<1x32000xf32, #tpu.memory_space<vmem>> -> memref<32000xf32, #tpu.memory_space<vmem>>
    %dma_start3A_939 = arith.constant 128000 : i32
    %dma_start3A_940 = tpu.memref_slice %arg2[%squeeze3A_934, %dma_start3A_939] : memref<128x160000xf32, #tpu.memory_space<hbm>> -> memref<1x32000xf32, #tpu.memory_space<hbm>>
    %dma_start3A_941 = tpu.memref_squeeze %dma_start3A_940 : memref<1x32000xf32, #tpu.memory_space<hbm>> -> memref<32000xf32, #tpu.memory_space<hbm>>
    %dma_start3A_942 = arith.constant 0 : i32
    %dma_start3A_943 = tpu.memref_slice %arg6[%dma_start3A_935, %dma_start3A_942] : memref<2x32000xf32, #tpu.memory_space<vmem>> -> memref<1x32000xf32, #tpu.memory_space<vmem>>
    %dma_start3A_944 = tpu.memref_squeeze %dma_start3A_943 : memref<1x32000xf32, #tpu.memory_space<vmem>> -> memref<32000xf32, #tpu.memory_space<vmem>>
    %dma_start3A_945 = arith.constant 128000 : i32
    %dma_start3A_946 = tpu.memref_slice %arg2[%squeeze3A_934, %dma_start3A_945] : memref<128x160000xf32, #tpu.memory_space<hbm>> -> memref<1x32000xf32, #tpu.memory_space<hbm>>
    %dma_start3A_947 = tpu.memref_squeeze %dma_start3A_946 : memref<1x32000xf32, #tpu.memory_space<hbm>> -> memref<32000xf32, #tpu.memory_space<hbm>>
    tpu.enqueue_dma source(%dma_start3A_947 : memref<32000xf32, #tpu.memory_space<hbm>>) target(%dma_start3A_944 : memref<32000xf32, #tpu.memory_space<vmem>>) target_semaphore(%arg7 : memref<!tpu.dma_semaphore, #tpu.memory_space<semaphore_mem>>)
    %add3A_948 = arith.constant 2 : i32
    %add3A_949 = arith.addi %mul3A_2, %add3A_948 : i32
    %get3A_950 = arith.index_cast %add3A_949 : i32 to index
    %get3A_951 = tpu.vector_load %arg5[%get3A_950] {strides = array<i32>} : memref<144xi32, #tpu.memory_space<vmem>>, vector<16xi32>,
    %get3A_952 = vector.shape_cast %get3A_951 : vector<16xi32> to vector<16xi32>
    %slice3A_953 = vector.extract_strided_slice %get3A_952 {offsets = [0], sizes = [1], strides = [1]} : vector<16xi32> to vector<1xi32>
    %squeeze3A_954 = vector.extract %slice3A_953[0] : i32 from vector<1xi32>
    %dma_wait3A_955 = arith.constant 1 : i32
    %dma_wait3A_956 = arith.constant 0 : i32
    %dma_wait3A_957 = tpu.memref_slice %arg6[%dma_wait3A_955, %dma_wait3A_956] : memref<2x32000xf32, #tpu.memory_space<vmem>> -> memref<1x32000xf32, #tpu.memory_space<vmem>>
    %dma_wait3A_958 = tpu.memref_squeeze %dma_wait3A_957 : memref<1x32000xf32, #tpu.memory_space<vmem>> -> memref<32000xf32, #tpu.memory_space<vmem>>
    %dma_wait3A_959 = arith.constant 96000 : i32
    %dma_wait3A_960 = tpu.memref_slice %arg2[%squeeze3A_954, %dma_wait3A_959] : memref<128x160000xf32, #tpu.memory_space<hbm>> -> memref<1x32000xf32, #tpu.memory_space<hbm>>
    %dma_wait3A_961 = tpu.memref_squeeze %dma_wait3A_960 : memref<1x32000xf32, #tpu.memory_space<hbm>> -> memref<32000xf32, #tpu.memory_space<hbm>>
    %dma_wait3A_962 = arith.constant 0 : i32
    %dma_wait3A_963 = tpu.memref_slice %arg6[%dma_wait3A_955, %dma_wait3A_962] : memref<2x32000xf32, #tpu.memory_space<vmem>> -> memref<1x32000xf32, #tpu.memory_space<vmem>>
    %dma_wait3A_964 = tpu.memref_squeeze %dma_wait3A_963 : memref<1x32000xf32, #tpu.memory_space<vmem>> -> memref<32000xf32, #tpu.memory_space<vmem>>
    %dma_wait3A_965 = arith.constant 96000 : i32
    %dma_wait3A_966 = tpu.memref_slice %arg2[%squeeze3A_954, %dma_wait3A_965] : memref<128x160000xf32, #tpu.memory_space<hbm>> -> memref<1x32000xf32, #tpu.memory_space<hbm>>
    %dma_wait3A_967 = tpu.memref_squeeze %dma_wait3A_966 : memref<1x32000xf32, #tpu.memory_space<hbm>> -> memref<32000xf32, #tpu.memory_space<hbm>>
    tpu.wait_dma2 semaphore(%arg8 : memref<!tpu.dma_semaphore, #tpu.memory_space<semaphore_mem>>) src(%dma_wait3A_967 : memref<32000xf32, #tpu.memory_space<hbm>>) dst(%dma_wait3A_964 : memref<32000xf32, #tpu.memory_space<vmem>>)
    %add3A_968 = arith.constant 2 : i32
    %add3A_969 = arith.addi %mul3A_2, %add3A_968 : i32
    %dma_start3A_970 = arith.constant 1 : i32
    %dma_start3A_971 = arith.constant 0 : i32
    %dma_start3A_972 = tpu.memref_slice %arg6[%dma_start3A_970, %dma_start3A_971] : memref<2x32000xf32, #tpu.memory_space<vmem>> -> memref<1x32000xf32, #tpu.memory_space<vmem>>
    %dma_start3A_973 = tpu.memref_squeeze %dma_start3A_972 : memref<1x32000xf32, #tpu.memory_space<vmem>> -> memref<32000xf32, #tpu.memory_space<vmem>>
    %dma_start3A_974 = arith.constant 96000 : i32
    %dma_start3A_975 = tpu.memref_slice %arg4[%add3A_969, %dma_start3A_974] : memref<128x160000xf32, #tpu.memory_space<hbm>> -> memref<1x32000xf32, #tpu.memory_space<hbm>>
    %dma_start3A_976 = tpu.memref_squeeze %dma_start3A_975 : memref<1x32000xf32, #tpu.memory_space<hbm>> -> memref<32000xf32, #tpu.memory_space<hbm>>
    %dma_start3A_977 = arith.constant 96000 : i32
    %dma_start3A_978 = tpu.memref_slice %arg4[%add3A_969, %dma_start3A_977] : memref<128x160000xf32, #tpu.memory_space<hbm>> -> memref<1x32000xf32, #tpu.memory_space<hbm>>
    %dma_start3A_979 = tpu.memref_squeeze %dma_start3A_978 : memref<1x32000xf32, #tpu.memory_space<hbm>> -> memref<32000xf32, #tpu.memory_space<hbm>>
    %dma_start3A_980 = arith.constant 0 : i32
    %dma_start3A_981 = tpu.memref_slice %arg6[%dma_start3A_970, %dma_start3A_980] : memref<2x32000xf32, #tpu.memory_space<vmem>> -> memref<1x32000xf32, #tpu.memory_space<vmem>>
    %dma_start3A_982 = tpu.memref_squeeze %dma_start3A_981 : memref<1x32000xf32, #tpu.memory_space<vmem>> -> memref<32000xf32, #tpu.memory_space<vmem>>
    tpu.enqueue_dma source(%dma_start3A_982 : memref<32000xf32, #tpu.memory_space<vmem>>) target(%dma_start3A_979 : memref<32000xf32, #tpu.memory_space<hbm>>) target_semaphore(%arg10 : memref<!tpu.dma_semaphore, #tpu.memory_space<semaphore_mem>>)
    %add3A_983 = arith.constant 2 : i32
    %add3A_984 = arith.addi %mul3A_2, %add3A_983 : i32
    %dma_wait3A_985 = arith.constant 1 : i32
    %dma_wait3A_986 = arith.constant 0 : i32
    %dma_wait3A_987 = tpu.memref_slice %arg6[%dma_wait3A_985, %dma_wait3A_986] : memref<2x32000xf32, #tpu.memory_space<vmem>> -> memref<1x32000xf32, #tpu.memory_space<vmem>>
    %dma_wait3A_988 = tpu.memref_squeeze %dma_wait3A_987 : memref<1x32000xf32, #tpu.memory_space<vmem>> -> memref<32000xf32, #tpu.memory_space<vmem>>
    %dma_wait3A_989 = arith.constant 96000 : i32
    %dma_wait3A_990 = tpu.memref_slice %arg4[%add3A_984, %dma_wait3A_989] : memref<128x160000xf32, #tpu.memory_space<hbm>> -> memref<1x32000xf32, #tpu.memory_space<hbm>>
    %dma_wait3A_991 = tpu.memref_squeeze %dma_wait3A_990 : memref<1x32000xf32, #tpu.memory_space<hbm>> -> memref<32000xf32, #tpu.memory_space<hbm>>
    %dma_wait3A_992 = arith.constant 96000 : i32
    %dma_wait3A_993 = tpu.memref_slice %arg4[%add3A_984, %dma_wait3A_992] : memref<128x160000xf32, #tpu.memory_space<hbm>> -> memref<1x32000xf32, #tpu.memory_space<hbm>>
    %dma_wait3A_994 = tpu.memref_squeeze %dma_wait3A_993 : memref<1x32000xf32, #tpu.memory_space<hbm>> -> memref<32000xf32, #tpu.memory_space<hbm>>
    %dma_wait3A_995 = arith.constant 0 : i32
    %dma_wait3A_996 = tpu.memref_slice %arg6[%dma_wait3A_985, %dma_wait3A_995] : memref<2x32000xf32, #tpu.memory_space<vmem>> -> memref<1x32000xf32, #tpu.memory_space<vmem>>
    %dma_wait3A_997 = tpu.memref_squeeze %dma_wait3A_996 : memref<1x32000xf32, #tpu.memory_space<vmem>> -> memref<32000xf32, #tpu.memory_space<vmem>>
    tpu.wait_dma2 semaphore(%arg10 : memref<!tpu.dma_semaphore, #tpu.memory_space<semaphore_mem>>) src(%dma_wait3A_997 : memref<32000xf32, #tpu.memory_space<vmem>>) dst(%dma_wait3A_994 : memref<32000xf32, #tpu.memory_space<hbm>>)
    %add3A_998 = arith.constant 3 : i32
    %add3A_999 = arith.addi %mul3A_2, %add3A_998 : i32
    %get3A_1000 = arith.index_cast %add3A_999 : i32 to index
    %get3A_1001 = tpu.vector_load %arg5[%get3A_1000] {strides = array<i32>} : memref<144xi32, #tpu.memory_space<vmem>>, vector<16xi32>,
    %get3A_1002 = vector.shape_cast %get3A_1001 : vector<16xi32> to vector<16xi32>
    %slice3A_1003 = vector.extract_strided_slice %get3A_1002 {offsets = [0], sizes = [1], strides = [1]} : vector<16xi32> to vector<1xi32>
    %squeeze3A_1004 = vector.extract %slice3A_1003[0] : i32 from vector<1xi32>
    %dma_start3A_1005 = arith.constant 1 : i32
    %dma_start3A_1006 = arith.constant 0 : i32
    %dma_start3A_1007 = tpu.memref_slice %arg6[%dma_start3A_1005, %dma_start3A_1006] : memref<2x32000xf32, #tpu.memory_space<vmem>> -> memref<1x32000xf32, #tpu.memory_space<vmem>>
    %dma_start3A_1008 = tpu.memref_squeeze %dma_start3A_1007 : memref<1x32000xf32, #tpu.memory_space<vmem>> -> memref<32000xf32, #tpu.memory_space<vmem>>
    %dma_start3A_1009 = arith.constant 0 : i32
    %dma_start3A_1010 = tpu.memref_slice %arg2[%squeeze3A_1004, %dma_start3A_1009] : memref<128x160000xf32, #tpu.memory_space<hbm>> -> memref<1x32000xf32, #tpu.memory_space<hbm>>
    %dma_start3A_1011 = tpu.memref_squeeze %dma_start3A_1010 : memref<1x32000xf32, #tpu.memory_space<hbm>> -> memref<32000xf32, #tpu.memory_space<hbm>>
    %dma_start3A_1012 = arith.constant 0 : i32
    %dma_start3A_1013 = tpu.memref_slice %arg6[%dma_start3A_1005, %dma_start3A_1012] : memref<2x32000xf32, #tpu.memory_space<vmem>> -> memref<1x32000xf32, #tpu.memory_space<vmem>>
    %dma_start3A_1014 = tpu.memref_squeeze %dma_start3A_1013 : memref<1x32000xf32, #tpu.memory_space<vmem>> -> memref<32000xf32, #tpu.memory_space<vmem>>
    %dma_start3A_1015 = arith.constant 0 : i32
    %dma_start3A_1016 = tpu.memref_slice %arg2[%squeeze3A_1004, %dma_start3A_1015] : memref<128x160000xf32, #tpu.memory_space<hbm>> -> memref<1x32000xf32, #tpu.memory_space<hbm>>
    %dma_start3A_1017 = tpu.memref_squeeze %dma_start3A_1016 : memref<1x32000xf32, #tpu.memory_space<hbm>> -> memref<32000xf32, #tpu.memory_space<hbm>>
    tpu.enqueue_dma source(%dma_start3A_1017 : memref<32000xf32, #tpu.memory_space<hbm>>) target(%dma_start3A_1014 : memref<32000xf32, #tpu.memory_space<vmem>>) target_semaphore(%arg8 : memref<!tpu.dma_semaphore, #tpu.memory_space<semaphore_mem>>)
    %add3A_1018 = arith.constant 2 : i32
    %add3A_1019 = arith.addi %mul3A_2, %add3A_1018 : i32
    %get3A_1020 = arith.index_cast %add3A_1019 : i32 to index
    %get3A_1021 = tpu.vector_load %arg5[%get3A_1020] {strides = array<i32>} : memref<144xi32, #tpu.memory_space<vmem>>, vector<16xi32>,
    %get3A_1022 = vector.shape_cast %get3A_1021 : vector<16xi32> to vector<16xi32>
    %slice3A_1023 = vector.extract_strided_slice %get3A_1022 {offsets = [0], sizes = [1], strides = [1]} : vector<16xi32> to vector<1xi32>
    %squeeze3A_1024 = vector.extract %slice3A_1023[0] : i32 from vector<1xi32>
    %dma_wait3A_1025 = arith.constant 0 : i32
    %dma_wait3A_1026 = arith.constant 0 : i32
    %dma_wait3A_1027 = tpu.memref_slice %arg6[%dma_wait3A_1025, %dma_wait3A_1026] : memref<2x32000xf32, #tpu.memory_space<vmem>> -> memref<1x32000xf32, #tpu.memory_space<vmem>>
    %dma_wait3A_1028 = tpu.memref_squeeze %dma_wait3A_1027 : memref<1x32000xf32, #tpu.memory_space<vmem>> -> memref<32000xf32, #tpu.memory_space<vmem>>
    %dma_wait3A_1029 = arith.constant 128000 : i32
    %dma_wait3A_1030 = tpu.memref_slice %arg2[%squeeze3A_1024, %dma_wait3A_1029] : memref<128x160000xf32, #tpu.memory_space<hbm>> -> memref<1x32000xf32, #tpu.memory_space<hbm>>
    %dma_wait3A_1031 = tpu.memref_squeeze %dma_wait3A_1030 : memref<1x32000xf32, #tpu.memory_space<hbm>> -> memref<32000xf32, #tpu.memory_space<hbm>>
    %dma_wait3A_1032 = arith.constant 0 : i32
    %dma_wait3A_1033 = tpu.memref_slice %arg6[%dma_wait3A_1025, %dma_wait3A_1032] : memref<2x32000xf32, #tpu.memory_space<vmem>> -> memref<1x32000xf32, #tpu.memory_space<vmem>>
    %dma_wait3A_1034 = tpu.memref_squeeze %dma_wait3A_1033 : memref<1x32000xf32, #tpu.memory_space<vmem>> -> memref<32000xf32, #tpu.memory_space<vmem>>
    %dma_wait3A_1035 = arith.constant 128000 : i32
    %dma_wait3A_1036 = tpu.memref_slice %arg2[%squeeze3A_1024, %dma_wait3A_1035] : memref<128x160000xf32, #tpu.memory_space<hbm>> -> memref<1x32000xf32, #tpu.memory_space<hbm>>
    %dma_wait3A_1037 = tpu.memref_squeeze %dma_wait3A_1036 : memref<1x32000xf32, #tpu.memory_space<hbm>> -> memref<32000xf32, #tpu.memory_space<hbm>>
    tpu.wait_dma2 semaphore(%arg7 : memref<!tpu.dma_semaphore, #tpu.memory_space<semaphore_mem>>) src(%dma_wait3A_1037 : memref<32000xf32, #tpu.memory_space<hbm>>) dst(%dma_wait3A_1034 : memref<32000xf32, #tpu.memory_space<vmem>>)
    %add3A_1038 = arith.constant 2 : i32
    %add3A_1039 = arith.addi %mul3A_2, %add3A_1038 : i32
    %dma_start3A_1040 = arith.constant 0 : i32
    %dma_start3A_1041 = arith.constant 0 : i32
    %dma_start3A_1042 = tpu.memref_slice %arg6[%dma_start3A_1040, %dma_start3A_1041] : memref<2x32000xf32, #tpu.memory_space<vmem>> -> memref<1x32000xf32, #tpu.memory_space<vmem>>
    %dma_start3A_1043 = tpu.memref_squeeze %dma_start3A_1042 : memref<1x32000xf32, #tpu.memory_space<vmem>> -> memref<32000xf32, #tpu.memory_space<vmem>>
    %dma_start3A_1044 = arith.constant 128000 : i32
    %dma_start3A_1045 = tpu.memref_slice %arg4[%add3A_1039, %dma_start3A_1044] : memref<128x160000xf32, #tpu.memory_space<hbm>> -> memref<1x32000xf32, #tpu.memory_space<hbm>>
    %dma_start3A_1046 = tpu.memref_squeeze %dma_start3A_1045 : memref<1x32000xf32, #tpu.memory_space<hbm>> -> memref<32000xf32, #tpu.memory_space<hbm>>
    %dma_start3A_1047 = arith.constant 128000 : i32
    %dma_start3A_1048 = tpu.memref_slice %arg4[%add3A_1039, %dma_start3A_1047] : memref<128x160000xf32, #tpu.memory_space<hbm>> -> memref<1x32000xf32, #tpu.memory_space<hbm>>
    %dma_start3A_1049 = tpu.memref_squeeze %dma_start3A_1048 : memref<1x32000xf32, #tpu.memory_space<hbm>> -> memref<32000xf32, #tpu.memory_space<hbm>>
    %dma_start3A_1050 = arith.constant 0 : i32
    %dma_start3A_1051 = tpu.memref_slice %arg6[%dma_start3A_1040, %dma_start3A_1050] : memref<2x32000xf32, #tpu.memory_space<vmem>> -> memref<1x32000xf32, #tpu.memory_space<vmem>>
    %dma_start3A_1052 = tpu.memref_squeeze %dma_start3A_1051 : memref<1x32000xf32, #tpu.memory_space<vmem>> -> memref<32000xf32, #tpu.memory_space<vmem>>
    tpu.enqueue_dma source(%dma_start3A_1052 : memref<32000xf32, #tpu.memory_space<vmem>>) target(%dma_start3A_1049 : memref<32000xf32, #tpu.memory_space<hbm>>) target_semaphore(%arg9 : memref<!tpu.dma_semaphore, #tpu.memory_space<semaphore_mem>>)
    %add3A_1053 = arith.constant 2 : i32
    %add3A_1054 = arith.addi %mul3A_2, %add3A_1053 : i32
    %dma_wait3A_1055 = arith.constant 0 : i32
    %dma_wait3A_1056 = arith.constant 0 : i32
    %dma_wait3A_1057 = tpu.memref_slice %arg6[%dma_wait3A_1055, %dma_wait3A_1056] : memref<2x32000xf32, #tpu.memory_space<vmem>> -> memref<1x32000xf32, #tpu.memory_space<vmem>>
    %dma_wait3A_1058 = tpu.memref_squeeze %dma_wait3A_1057 : memref<1x32000xf32, #tpu.memory_space<vmem>> -> memref<32000xf32, #tpu.memory_space<vmem>>
    %dma_wait3A_1059 = arith.constant 128000 : i32
    %dma_wait3A_1060 = tpu.memref_slice %arg4[%add3A_1054, %dma_wait3A_1059] : memref<128x160000xf32, #tpu.memory_space<hbm>> -> memref<1x32000xf32, #tpu.memory_space<hbm>>
    %dma_wait3A_1061 = tpu.memref_squeeze %dma_wait3A_1060 : memref<1x32000xf32, #tpu.memory_space<hbm>> -> memref<32000xf32, #tpu.memory_space<hbm>>
    %dma_wait3A_1062 = arith.constant 128000 : i32
    %dma_wait3A_1063 = tpu.memref_slice %arg4[%add3A_1054, %dma_wait3A_1062] : memref<128x160000xf32, #tpu.memory_space<hbm>> -> memref<1x32000xf32, #tpu.memory_space<hbm>>
    %dma_wait3A_1064 = tpu.memref_squeeze %dma_wait3A_1063 : memref<1x32000xf32, #tpu.memory_space<hbm>> -> memref<32000xf32, #tpu.memory_space<hbm>>
    %dma_wait3A_1065 = arith.constant 0 : i32
    %dma_wait3A_1066 = tpu.memref_slice %arg6[%dma_wait3A_1055, %dma_wait3A_1065] : memref<2x32000xf32, #tpu.memory_space<vmem>> -> memref<1x32000xf32, #tpu.memory_space<vmem>>
    %dma_wait3A_1067 = tpu.memref_squeeze %dma_wait3A_1066 : memref<1x32000xf32, #tpu.memory_space<vmem>> -> memref<32000xf32, #tpu.memory_space<vmem>>
    tpu.wait_dma2 semaphore(%arg9 : memref<!tpu.dma_semaphore, #tpu.memory_space<semaphore_mem>>) src(%dma_wait3A_1067 : memref<32000xf32, #tpu.memory_space<vmem>>) dst(%dma_wait3A_1064 : memref<32000xf32, #tpu.memory_space<hbm>>)
    %add3A_1068 = arith.constant 3 : i32
    %add3A_1069 = arith.addi %mul3A_2, %add3A_1068 : i32
    %get3A_1070 = arith.index_cast %add3A_1069 : i32 to index
    %get3A_1071 = tpu.vector_load %arg5[%get3A_1070] {strides = array<i32>} : memref<144xi32, #tpu.memory_space<vmem>>, vector<16xi32>,
    %get3A_1072 = vector.shape_cast %get3A_1071 : vector<16xi32> to vector<16xi32>
    %slice3A_1073 = vector.extract_strided_slice %get3A_1072 {offsets = [0], sizes = [1], strides = [1]} : vector<16xi32> to vector<1xi32>
    %squeeze3A_1074 = vector.extract %slice3A_1073[0] : i32 from vector<1xi32>
    %dma_start3A_1075 = arith.constant 0 : i32
    %dma_start3A_1076 = arith.constant 0 : i32
    %dma_start3A_1077 = tpu.memref_slice %arg6[%dma_start3A_1075, %dma_start3A_1076] : memref<2x32000xf32, #tpu.memory_space<vmem>> -> memref<1x32000xf32, #tpu.memory_space<vmem>>
    %dma_start3A_1078 = tpu.memref_squeeze %dma_start3A_1077 : memref<1x32000xf32, #tpu.memory_space<vmem>> -> memref<32000xf32, #tpu.memory_space<vmem>>
    %dma_start3A_1079 = arith.constant 32000 : i32
    %dma_start3A_1080 = tpu.memref_slice %arg2[%squeeze3A_1074, %dma_start3A_1079] : memref<128x160000xf32, #tpu.memory_space<hbm>> -> memref<1x32000xf32, #tpu.memory_space<hbm>>
    %dma_start3A_1081 = tpu.memref_squeeze %dma_start3A_1080 : memref<1x32000xf32, #tpu.memory_space<hbm>> -> memref<32000xf32, #tpu.memory_space<hbm>>
    %dma_start3A_1082 = arith.constant 0 : i32
    %dma_start3A_1083 = tpu.memref_slice %arg6[%dma_start3A_1075, %dma_start3A_1082] : memref<2x32000xf32, #tpu.memory_space<vmem>> -> memref<1x32000xf32, #tpu.memory_space<vmem>>
    %dma_start3A_1084 = tpu.memref_squeeze %dma_start3A_1083 : memref<1x32000xf32, #tpu.memory_space<vmem>> -> memref<32000xf32, #tpu.memory_space<vmem>>
    %dma_start3A_1085 = arith.constant 32000 : i32
    %dma_start3A_1086 = tpu.memref_slice %arg2[%squeeze3A_1074, %dma_start3A_1085] : memref<128x160000xf32, #tpu.memory_space<hbm>> -> memref<1x32000xf32, #tpu.memory_space<hbm>>
    %dma_start3A_1087 = tpu.memref_squeeze %dma_start3A_1086 : memref<1x32000xf32, #tpu.memory_space<hbm>> -> memref<32000xf32, #tpu.memory_space<hbm>>
    tpu.enqueue_dma source(%dma_start3A_1087 : memref<32000xf32, #tpu.memory_space<hbm>>) target(%dma_start3A_1084 : memref<32000xf32, #tpu.memory_space<vmem>>) target_semaphore(%arg7 : memref<!tpu.dma_semaphore, #tpu.memory_space<semaphore_mem>>)
    %add3A_1088 = arith.constant 3 : i32
    %add3A_1089 = arith.addi %mul3A_2, %add3A_1088 : i32
    %get3A_1090 = arith.index_cast %add3A_1089 : i32 to index
    %get3A_1091 = tpu.vector_load %arg5[%get3A_1090] {strides = array<i32>} : memref<144xi32, #tpu.memory_space<vmem>>, vector<16xi32>,
    %get3A_1092 = vector.shape_cast %get3A_1091 : vector<16xi32> to vector<16xi32>
    %slice3A_1093 = vector.extract_strided_slice %get3A_1092 {offsets = [0], sizes = [1], strides = [1]} : vector<16xi32> to vector<1xi32>
    %squeeze3A_1094 = vector.extract %slice3A_1093[0] : i32 from vector<1xi32>
    %dma_wait3A_1095 = arith.constant 1 : i32
    %dma_wait3A_1096 = arith.constant 0 : i32
    %dma_wait3A_1097 = tpu.memref_slice %arg6[%dma_wait3A_1095, %dma_wait3A_1096] : memref<2x32000xf32, #tpu.memory_space<vmem>> -> memref<1x32000xf32, #tpu.memory_space<vmem>>
    %dma_wait3A_1098 = tpu.memref_squeeze %dma_wait3A_1097 : memref<1x32000xf32, #tpu.memory_space<vmem>> -> memref<32000xf32, #tpu.memory_space<vmem>>
    %dma_wait3A_1099 = arith.constant 0 : i32
    %dma_wait3A_1100 = tpu.memref_slice %arg2[%squeeze3A_1094, %dma_wait3A_1099] : memref<128x160000xf32, #tpu.memory_space<hbm>> -> memref<1x32000xf32, #tpu.memory_space<hbm>>
    %dma_wait3A_1101 = tpu.memref_squeeze %dma_wait3A_1100 : memref<1x32000xf32, #tpu.memory_space<hbm>> -> memref<32000xf32, #tpu.memory_space<hbm>>
    %dma_wait3A_1102 = arith.constant 0 : i32
    %dma_wait3A_1103 = tpu.memref_slice %arg6[%dma_wait3A_1095, %dma_wait3A_1102] : memref<2x32000xf32, #tpu.memory_space<vmem>> -> memref<1x32000xf32, #tpu.memory_space<vmem>>
    %dma_wait3A_1104 = tpu.memref_squeeze %dma_wait3A_1103 : memref<1x32000xf32, #tpu.memory_space<vmem>> -> memref<32000xf32, #tpu.memory_space<vmem>>
    %dma_wait3A_1105 = arith.constant 0 : i32
    %dma_wait3A_1106 = tpu.memref_slice %arg2[%squeeze3A_1094, %dma_wait3A_1105] : memref<128x160000xf32, #tpu.memory_space<hbm>> -> memref<1x32000xf32, #tpu.memory_space<hbm>>
    %dma_wait3A_1107 = tpu.memref_squeeze %dma_wait3A_1106 : memref<1x32000xf32, #tpu.memory_space<hbm>> -> memref<32000xf32, #tpu.memory_space<hbm>>
    tpu.wait_dma2 semaphore(%arg8 : memref<!tpu.dma_semaphore, #tpu.memory_space<semaphore_mem>>) src(%dma_wait3A_1107 : memref<32000xf32, #tpu.memory_space<hbm>>) dst(%dma_wait3A_1104 : memref<32000xf32, #tpu.memory_space<vmem>>)
    %add3A_1108 = arith.constant 3 : i32
    %add3A_1109 = arith.addi %mul3A_2, %add3A_1108 : i32
    %dma_start3A_1110 = arith.constant 1 : i32
    %dma_start3A_1111 = arith.constant 0 : i32
    %dma_start3A_1112 = tpu.memref_slice %arg6[%dma_start3A_1110, %dma_start3A_1111] : memref<2x32000xf32, #tpu.memory_space<vmem>> -> memref<1x32000xf32, #tpu.memory_space<vmem>>
    %dma_start3A_1113 = tpu.memref_squeeze %dma_start3A_1112 : memref<1x32000xf32, #tpu.memory_space<vmem>> -> memref<32000xf32, #tpu.memory_space<vmem>>
    %dma_start3A_1114 = arith.constant 0 : i32
    %dma_start3A_1115 = tpu.memref_slice %arg4[%add3A_1109, %dma_start3A_1114] : memref<128x160000xf32, #tpu.memory_space<hbm>> -> memref<1x32000xf32, #tpu.memory_space<hbm>>
    %dma_start3A_1116 = tpu.memref_squeeze %dma_start3A_1115 : memref<1x32000xf32, #tpu.memory_space<hbm>> -> memref<32000xf32, #tpu.memory_space<hbm>>
    %dma_start3A_1117 = arith.constant 0 : i32
    %dma_start3A_1118 = tpu.memref_slice %arg4[%add3A_1109, %dma_start3A_1117] : memref<128x160000xf32, #tpu.memory_space<hbm>> -> memref<1x32000xf32, #tpu.memory_space<hbm>>
    %dma_start3A_1119 = tpu.memref_squeeze %dma_start3A_1118 : memref<1x32000xf32, #tpu.memory_space<hbm>> -> memref<32000xf32, #tpu.memory_space<hbm>>
    %dma_start3A_1120 = arith.constant 0 : i32
    %dma_start3A_1121 = tpu.memref_slice %arg6[%dma_start3A_1110, %dma_start3A_1120] : memref<2x32000xf32, #tpu.memory_space<vmem>> -> memref<1x32000xf32, #tpu.memory_space<vmem>>
    %dma_start3A_1122 = tpu.memref_squeeze %dma_start3A_1121 : memref<1x32000xf32, #tpu.memory_space<vmem>> -> memref<32000xf32, #tpu.memory_space<vmem>>
    tpu.enqueue_dma source(%dma_start3A_1122 : memref<32000xf32, #tpu.memory_space<vmem>>) target(%dma_start3A_1119 : memref<32000xf32, #tpu.memory_space<hbm>>) target_semaphore(%arg10 : memref<!tpu.dma_semaphore, #tpu.memory_space<semaphore_mem>>)
    %add3A_1123 = arith.constant 3 : i32
    %add3A_1124 = arith.addi %mul3A_2, %add3A_1123 : i32
    %dma_wait3A_1125 = arith.constant 1 : i32
    %dma_wait3A_1126 = arith.constant 0 : i32
    %dma_wait3A_1127 = tpu.memref_slice %arg6[%dma_wait3A_1125, %dma_wait3A_1126] : memref<2x32000xf32, #tpu.memory_space<vmem>> -> memref<1x32000xf32, #tpu.memory_space<vmem>>
    %dma_wait3A_1128 = tpu.memref_squeeze %dma_wait3A_1127 : memref<1x32000xf32, #tpu.memory_space<vmem>> -> memref<32000xf32, #tpu.memory_space<vmem>>
    %dma_wait3A_1129 = arith.constant 0 : i32
    %dma_wait3A_1130 = tpu.memref_slice %arg4[%add3A_1124, %dma_wait3A_1129] : memref<128x160000xf32, #tpu.memory_space<hbm>> -> memref<1x32000xf32, #tpu.memory_space<hbm>>
    %dma_wait3A_1131 = tpu.memref_squeeze %dma_wait3A_1130 : memref<1x32000xf32, #tpu.memory_space<hbm>> -> memref<32000xf32, #tpu.memory_space<hbm>>
    %dma_wait3A_1132 = arith.constant 0 : i32
    %dma_wait3A_1133 = tpu.memref_slice %arg4[%add3A_1124, %dma_wait3A_1132] : memref<128x160000xf32, #tpu.memory_space<hbm>> -> memref<1x32000xf32, #tpu.memory_space<hbm>>
    %dma_wait3A_1134 = tpu.memref_squeeze %dma_wait3A_1133 : memref<1x32000xf32, #tpu.memory_space<hbm>> -> memref<32000xf32, #tpu.memory_space<hbm>>
    %dma_wait3A_1135 = arith.constant 0 : i32
    %dma_wait3A_1136 = tpu.memref_slice %arg6[%dma_wait3A_1125, %dma_wait3A_1135] : memref<2x32000xf32, #tpu.memory_space<vmem>> -> memref<1x32000xf32, #tpu.memory_space<vmem>>
    %dma_wait3A_1137 = tpu.memref_squeeze %dma_wait3A_1136 : memref<1x32000xf32, #tpu.memory_space<vmem>> -> memref<32000xf32, #tpu.memory_space<vmem>>
    tpu.wait_dma2 semaphore(%arg10 : memref<!tpu.dma_semaphore, #tpu.memory_space<semaphore_mem>>) src(%dma_wait3A_1137 : memref<32000xf32, #tpu.memory_space<vmem>>) dst(%dma_wait3A_1134 : memref<32000xf32, #tpu.memory_space<hbm>>)
    %add3A_1138 = arith.constant 3 : i32
    %add3A_1139 = arith.addi %mul3A_2, %add3A_1138 : i32
    %get3A_1140 = arith.index_cast %add3A_1139 : i32 to index
    %get3A_1141 = tpu.vector_load %arg5[%get3A_1140] {strides = array<i32>} : memref<144xi32, #tpu.memory_space<vmem>>, vector<16xi32>,
    %get3A_1142 = vector.shape_cast %get3A_1141 : vector<16xi32> to vector<16xi32>
    %slice3A_1143 = vector.extract_strided_slice %get3A_1142 {offsets = [0], sizes = [1], strides = [1]} : vector<16xi32> to vector<1xi32>
    %squeeze3A_1144 = vector.extract %slice3A_1143[0] : i32 from vector<1xi32>
    %dma_start3A_1145 = arith.constant 1 : i32
    %dma_start3A_1146 = arith.constant 0 : i32
    %dma_start3A_1147 = tpu.memref_slice %arg6[%dma_start3A_1145, %dma_start3A_1146] : memref<2x32000xf32, #tpu.memory_space<vmem>> -> memref<1x32000xf32, #tpu.memory_space<vmem>>
    %dma_start3A_1148 = tpu.memref_squeeze %dma_start3A_1147 : memref<1x32000xf32, #tpu.memory_space<vmem>> -> memref<32000xf32, #tpu.memory_space<vmem>>
    %dma_start3A_1149 = arith.constant 64000 : i32
    %dma_start3A_1150 = tpu.memref_slice %arg2[%squeeze3A_1144, %dma_start3A_1149] : memref<128x160000xf32, #tpu.memory_space<hbm>> -> memref<1x32000xf32, #tpu.memory_space<hbm>>
    %dma_start3A_1151 = tpu.memref_squeeze %dma_start3A_1150 : memref<1x32000xf32, #tpu.memory_space<hbm>> -> memref<32000xf32, #tpu.memory_space<hbm>>
    %dma_start3A_1152 = arith.constant 0 : i32
    %dma_start3A_1153 = tpu.memref_slice %arg6[%dma_start3A_1145, %dma_start3A_1152] : memref<2x32000xf32, #tpu.memory_space<vmem>> -> memref<1x32000xf32, #tpu.memory_space<vmem>>
    %dma_start3A_1154 = tpu.memref_squeeze %dma_start3A_1153 : memref<1x32000xf32, #tpu.memory_space<vmem>> -> memref<32000xf32, #tpu.memory_space<vmem>>
    %dma_start3A_1155 = arith.constant 64000 : i32
    %dma_start3A_1156 = tpu.memref_slice %arg2[%squeeze3A_1144, %dma_start3A_1155] : memref<128x160000xf32, #tpu.memory_space<hbm>> -> memref<1x32000xf32, #tpu.memory_space<hbm>>
    %dma_start3A_1157 = tpu.memref_squeeze %dma_start3A_1156 : memref<1x32000xf32, #tpu.memory_space<hbm>> -> memref<32000xf32, #tpu.memory_space<hbm>>
    tpu.enqueue_dma source(%dma_start3A_1157 : memref<32000xf32, #tpu.memory_space<hbm>>) target(%dma_start3A_1154 : memref<32000xf32, #tpu.memory_space<vmem>>) target_semaphore(%arg8 : memref<!tpu.dma_semaphore, #tpu.memory_space<semaphore_mem>>)
    %add3A_1158 = arith.constant 3 : i32
    %add3A_1159 = arith.addi %mul3A_2, %add3A_1158 : i32
    %get3A_1160 = arith.index_cast %add3A_1159 : i32 to index
    %get3A_1161 = tpu.vector_load %arg5[%get3A_1160] {strides = array<i32>} : memref<144xi32, #tpu.memory_space<vmem>>, vector<16xi32>,
    %get3A_1162 = vector.shape_cast %get3A_1161 : vector<16xi32> to vector<16xi32>
    %slice3A_1163 = vector.extract_strided_slice %get3A_1162 {offsets = [0], sizes = [1], strides = [1]} : vector<16xi32> to vector<1xi32>
    %squeeze3A_1164 = vector.extract %slice3A_1163[0] : i32 from vector<1xi32>
    %dma_wait3A_1165 = arith.constant 0 : i32
    %dma_wait3A_1166 = arith.constant 0 : i32
    %dma_wait3A_1167 = tpu.memref_slice %arg6[%dma_wait3A_1165, %dma_wait3A_1166] : memref<2x32000xf32, #tpu.memory_space<vmem>> -> memref<1x32000xf32, #tpu.memory_space<vmem>>
    %dma_wait3A_1168 = tpu.memref_squeeze %dma_wait3A_1167 : memref<1x32000xf32, #tpu.memory_space<vmem>> -> memref<32000xf32, #tpu.memory_space<vmem>>
    %dma_wait3A_1169 = arith.constant 32000 : i32
    %dma_wait3A_1170 = tpu.memref_slice %arg2[%squeeze3A_1164, %dma_wait3A_1169] : memref<128x160000xf32, #tpu.memory_space<hbm>> -> memref<1x32000xf32, #tpu.memory_space<hbm>>
    %dma_wait3A_1171 = tpu.memref_squeeze %dma_wait3A_1170 : memref<1x32000xf32, #tpu.memory_space<hbm>> -> memref<32000xf32, #tpu.memory_space<hbm>>
    %dma_wait3A_1172 = arith.constant 0 : i32
    %dma_wait3A_1173 = tpu.memref_slice %arg6[%dma_wait3A_1165, %dma_wait3A_1172] : memref<2x32000xf32, #tpu.memory_space<vmem>> -> memref<1x32000xf32, #tpu.memory_space<vmem>>
    %dma_wait3A_1174 = tpu.memref_squeeze %dma_wait3A_1173 : memref<1x32000xf32, #tpu.memory_space<vmem>> -> memref<32000xf32, #tpu.memory_space<vmem>>
    %dma_wait3A_1175 = arith.constant 32000 : i32
    %dma_wait3A_1176 = tpu.memref_slice %arg2[%squeeze3A_1164, %dma_wait3A_1175] : memref<128x160000xf32, #tpu.memory_space<hbm>> -> memref<1x32000xf32, #tpu.memory_space<hbm>>
    %dma_wait3A_1177 = tpu.memref_squeeze %dma_wait3A_1176 : memref<1x32000xf32, #tpu.memory_space<hbm>> -> memref<32000xf32, #tpu.memory_space<hbm>>
    tpu.wait_dma2 semaphore(%arg7 : memref<!tpu.dma_semaphore, #tpu.memory_space<semaphore_mem>>) src(%dma_wait3A_1177 : memref<32000xf32, #tpu.memory_space<hbm>>) dst(%dma_wait3A_1174 : memref<32000xf32, #tpu.memory_space<vmem>>)
    %add3A_1178 = arith.constant 3 : i32
    %add3A_1179 = arith.addi %mul3A_2, %add3A_1178 : i32
    %dma_start3A_1180 = arith.constant 0 : i32
    %dma_start3A_1181 = arith.constant 0 : i32
    %dma_start3A_1182 = tpu.memref_slice %arg6[%dma_start3A_1180, %dma_start3A_1181] : memref<2x32000xf32, #tpu.memory_space<vmem>> -> memref<1x32000xf32, #tpu.memory_space<vmem>>
    %dma_start3A_1183 = tpu.memref_squeeze %dma_start3A_1182 : memref<1x32000xf32, #tpu.memory_space<vmem>> -> memref<32000xf32, #tpu.memory_space<vmem>>
    %dma_start3A_1184 = arith.constant 32000 : i32
    %dma_start3A_1185 = tpu.memref_slice %arg4[%add3A_1179, %dma_start3A_1184] : memref<128x160000xf32, #tpu.memory_space<hbm>> -> memref<1x32000xf32, #tpu.memory_space<hbm>>
    %dma_start3A_1186 = tpu.memref_squeeze %dma_start3A_1185 : memref<1x32000xf32, #tpu.memory_space<hbm>> -> memref<32000xf32, #tpu.memory_space<hbm>>
    %dma_start3A_1187 = arith.constant 32000 : i32
    %dma_start3A_1188 = tpu.memref_slice %arg4[%add3A_1179, %dma_start3A_1187] : memref<128x160000xf32, #tpu.memory_space<hbm>> -> memref<1x32000xf32, #tpu.memory_space<hbm>>
    %dma_start3A_1189 = tpu.memref_squeeze %dma_start3A_1188 : memref<1x32000xf32, #tpu.memory_space<hbm>> -> memref<32000xf32, #tpu.memory_space<hbm>>
    %dma_start3A_1190 = arith.constant 0 : i32
    %dma_start3A_1191 = tpu.memref_slice %arg6[%dma_start3A_1180, %dma_start3A_1190] : memref<2x32000xf32, #tpu.memory_space<vmem>> -> memref<1x32000xf32, #tpu.memory_space<vmem>>
    %dma_start3A_1192 = tpu.memref_squeeze %dma_start3A_1191 : memref<1x32000xf32, #tpu.memory_space<vmem>> -> memref<32000xf32, #tpu.memory_space<vmem>>
    tpu.enqueue_dma source(%dma_start3A_1192 : memref<32000xf32, #tpu.memory_space<vmem>>) target(%dma_start3A_1189 : memref<32000xf32, #tpu.memory_space<hbm>>) target_semaphore(%arg9 : memref<!tpu.dma_semaphore, #tpu.memory_space<semaphore_mem>>)
    %add3A_1193 = arith.constant 3 : i32
    %add3A_1194 = arith.addi %mul3A_2, %add3A_1193 : i32
    %dma_wait3A_1195 = arith.constant 0 : i32
    %dma_wait3A_1196 = arith.constant 0 : i32
    %dma_wait3A_1197 = tpu.memref_slice %arg6[%dma_wait3A_1195, %dma_wait3A_1196] : memref<2x32000xf32, #tpu.memory_space<vmem>> -> memref<1x32000xf32, #tpu.memory_space<vmem>>
    %dma_wait3A_1198 = tpu.memref_squeeze %dma_wait3A_1197 : memref<1x32000xf32, #tpu.memory_space<vmem>> -> memref<32000xf32, #tpu.memory_space<vmem>>
    %dma_wait3A_1199 = arith.constant 32000 : i32
    %dma_wait3A_1200 = tpu.memref_slice %arg4[%add3A_1194, %dma_wait3A_1199] : memref<128x160000xf32, #tpu.memory_space<hbm>> -> memref<1x32000xf32, #tpu.memory_space<hbm>>
    %dma_wait3A_1201 = tpu.memref_squeeze %dma_wait3A_1200 : memref<1x32000xf32, #tpu.memory_space<hbm>> -> memref<32000xf32, #tpu.memory_space<hbm>>
    %dma_wait3A_1202 = arith.constant 32000 : i32
    %dma_wait3A_1203 = tpu.memref_slice %arg4[%add3A_1194, %dma_wait3A_1202] : memref<128x160000xf32, #tpu.memory_space<hbm>> -> memref<1x32000xf32, #tpu.memory_space<hbm>>
    %dma_wait3A_1204 = tpu.memref_squeeze %dma_wait3A_1203 : memref<1x32000xf32, #tpu.memory_space<hbm>> -> memref<32000xf32, #tpu.memory_space<hbm>>
    %dma_wait3A_1205 = arith.constant 0 : i32
    %dma_wait3A_1206 = tpu.memref_slice %arg6[%dma_wait3A_1195, %dma_wait3A_1205] : memref<2x32000xf32, #tpu.memory_space<vmem>> -> memref<1x32000xf32, #tpu.memory_space<vmem>>
    %dma_wait3A_1207 = tpu.memref_squeeze %dma_wait3A_1206 : memref<1x32000xf32, #tpu.memory_space<vmem>> -> memref<32000xf32, #tpu.memory_space<vmem>>
    tpu.wait_dma2 semaphore(%arg9 : memref<!tpu.dma_semaphore, #tpu.memory_space<semaphore_mem>>) src(%dma_wait3A_1207 : memref<32000xf32, #tpu.memory_space<vmem>>) dst(%dma_wait3A_1204 : memref<32000xf32, #tpu.memory_space<hbm>>)
    %add3A_1208 = arith.constant 3 : i32
    %add3A_1209 = arith.addi %mul3A_2, %add3A_1208 : i32
    %get3A_1210 = arith.index_cast %add3A_1209 : i32 to index
    %get3A_1211 = tpu.vector_load %arg5[%get3A_1210] {strides = array<i32>} : memref<144xi32, #tpu.memory_space<vmem>>, vector<16xi32>,
    %get3A_1212 = vector.shape_cast %get3A_1211 : vector<16xi32> to vector<16xi32>
    %slice3A_1213 = vector.extract_strided_slice %get3A_1212 {offsets = [0], sizes = [1], strides = [1]} : vector<16xi32> to vector<1xi32>
    %squeeze3A_1214 = vector.extract %slice3A_1213[0] : i32 from vector<1xi32>
    %dma_start3A_1215 = arith.constant 0 : i32
    %dma_start3A_1216 = arith.constant 0 : i32
    %dma_start3A_1217 = tpu.memref_slice %arg6[%dma_start3A_1215, %dma_start3A_1216] : memref<2x32000xf32, #tpu.memory_space<vmem>> -> memref<1x32000xf32, #tpu.memory_space<vmem>>
    %dma_start3A_1218 = tpu.memref_squeeze %dma_start3A_1217 : memref<1x32000xf32, #tpu.memory_space<vmem>> -> memref<32000xf32, #tpu.memory_space<vmem>>
    %dma_start3A_1219 = arith.constant 96000 : i32
    %dma_start3A_1220 = tpu.memref_slice %arg2[%squeeze3A_1214, %dma_start3A_1219] : memref<128x160000xf32, #tpu.memory_space<hbm>> -> memref<1x32000xf32, #tpu.memory_space<hbm>>
    %dma_start3A_1221 = tpu.memref_squeeze %dma_start3A_1220 : memref<1x32000xf32, #tpu.memory_space<hbm>> -> memref<32000xf32, #tpu.memory_space<hbm>>
    %dma_start3A_1222 = arith.constant 0 : i32
    %dma_start3A_1223 = tpu.memref_slice %arg6[%dma_start3A_1215, %dma_start3A_1222] : memref<2x32000xf32, #tpu.memory_space<vmem>> -> memref<1x32000xf32, #tpu.memory_space<vmem>>
    %dma_start3A_1224 = tpu.memref_squeeze %dma_start3A_1223 : memref<1x32000xf32, #tpu.memory_space<vmem>> -> memref<32000xf32, #tpu.memory_space<vmem>>
    %dma_start3A_1225 = arith.constant 96000 : i32
    %dma_start3A_1226 = tpu.memref_slice %arg2[%squeeze3A_1214, %dma_start3A_1225] : memref<128x160000xf32, #tpu.memory_space<hbm>> -> memref<1x32000xf32, #tpu.memory_space<hbm>>
    %dma_start3A_1227 = tpu.memref_squeeze %dma_start3A_1226 : memref<1x32000xf32, #tpu.memory_space<hbm>> -> memref<32000xf32, #tpu.memory_space<hbm>>
    tpu.enqueue_dma source(%dma_start3A_1227 : memref<32000xf32, #tpu.memory_space<hbm>>) target(%dma_start3A_1224 : memref<32000xf32, #tpu.memory_space<vmem>>) target_semaphore(%arg7 : memref<!tpu.dma_semaphore, #tpu.memory_space<semaphore_mem>>)
    %add3A_1228 = arith.constant 3 : i32
    %add3A_1229 = arith.addi %mul3A_2, %add3A_1228 : i32
    %get3A_1230 = arith.index_cast %add3A_1229 : i32 to index
    %get3A_1231 = tpu.vector_load %arg5[%get3A_1230] {strides = array<i32>} : memref<144xi32, #tpu.memory_space<vmem>>, vector<16xi32>,
    %get3A_1232 = vector.shape_cast %get3A_1231 : vector<16xi32> to vector<16xi32>
    %slice3A_1233 = vector.extract_strided_slice %get3A_1232 {offsets = [0], sizes = [1], strides = [1]} : vector<16xi32> to vector<1xi32>
    %squeeze3A_1234 = vector.extract %slice3A_1233[0] : i32 from vector<1xi32>
    %dma_wait3A_1235 = arith.constant 1 : i32
    %dma_wait3A_1236 = arith.constant 0 : i32
    %dma_wait3A_1237 = tpu.memref_slice %arg6[%dma_wait3A_1235, %dma_wait3A_1236] : memref<2x32000xf32, #tpu.memory_space<vmem>> -> memref<1x32000xf32, #tpu.memory_space<vmem>>
    %dma_wait3A_1238 = tpu.memref_squeeze %dma_wait3A_1237 : memref<1x32000xf32, #tpu.memory_space<vmem>> -> memref<32000xf32, #tpu.memory_space<vmem>>
    %dma_wait3A_1239 = arith.constant 64000 : i32
    %dma_wait3A_1240 = tpu.memref_slice %arg2[%squeeze3A_1234, %dma_wait3A_1239] : memref<128x160000xf32, #tpu.memory_space<hbm>> -> memref<1x32000xf32, #tpu.memory_space<hbm>>
    %dma_wait3A_1241 = tpu.memref_squeeze %dma_wait3A_1240 : memref<1x32000xf32, #tpu.memory_space<hbm>> -> memref<32000xf32, #tpu.memory_space<hbm>>
    %dma_wait3A_1242 = arith.constant 0 : i32
    %dma_wait3A_1243 = tpu.memref_slice %arg6[%dma_wait3A_1235, %dma_wait3A_1242] : memref<2x32000xf32, #tpu.memory_space<vmem>> -> memref<1x32000xf32, #tpu.memory_space<vmem>>
    %dma_wait3A_1244 = tpu.memref_squeeze %dma_wait3A_1243 : memref<1x32000xf32, #tpu.memory_space<vmem>> -> memref<32000xf32, #tpu.memory_space<vmem>>
    %dma_wait3A_1245 = arith.constant 64000 : i32
    %dma_wait3A_1246 = tpu.memref_slice %arg2[%squeeze3A_1234, %dma_wait3A_1245] : memref<128x160000xf32, #tpu.memory_space<hbm>> -> memref<1x32000xf32, #tpu.memory_space<hbm>>
    %dma_wait3A_1247 = tpu.memref_squeeze %dma_wait3A_1246 : memref<1x32000xf32, #tpu.memory_space<hbm>> -> memref<32000xf32, #tpu.memory_space<hbm>>
    tpu.wait_dma2 semaphore(%arg8 : memref<!tpu.dma_semaphore, #tpu.memory_space<semaphore_mem>>) src(%dma_wait3A_1247 : memref<32000xf32, #tpu.memory_space<hbm>>) dst(%dma_wait3A_1244 : memref<32000xf32, #tpu.memory_space<vmem>>)
    %add3A_1248 = arith.constant 3 : i32
    %add3A_1249 = arith.addi %mul3A_2, %add3A_1248 : i32
    %dma_start3A_1250 = arith.constant 1 : i32
    %dma_start3A_1251 = arith.constant 0 : i32
    %dma_start3A_1252 = tpu.memref_slice %arg6[%dma_start3A_1250, %dma_start3A_1251] : memref<2x32000xf32, #tpu.memory_space<vmem>> -> memref<1x32000xf32, #tpu.memory_space<vmem>>
    %dma_start3A_1253 = tpu.memref_squeeze %dma_start3A_1252 : memref<1x32000xf32, #tpu.memory_space<vmem>> -> memref<32000xf32, #tpu.memory_space<vmem>>
    %dma_start3A_1254 = arith.constant 64000 : i32
    %dma_start3A_1255 = tpu.memref_slice %arg4[%add3A_1249, %dma_start3A_1254] : memref<128x160000xf32, #tpu.memory_space<hbm>> -> memref<1x32000xf32, #tpu.memory_space<hbm>>
    %dma_start3A_1256 = tpu.memref_squeeze %dma_start3A_1255 : memref<1x32000xf32, #tpu.memory_space<hbm>> -> memref<32000xf32, #tpu.memory_space<hbm>>
    %dma_start3A_1257 = arith.constant 64000 : i32
    %dma_start3A_1258 = tpu.memref_slice %arg4[%add3A_1249, %dma_start3A_1257] : memref<128x160000xf32, #tpu.memory_space<hbm>> -> memref<1x32000xf32, #tpu.memory_space<hbm>>
    %dma_start3A_1259 = tpu.memref_squeeze %dma_start3A_1258 : memref<1x32000xf32, #tpu.memory_space<hbm>> -> memref<32000xf32, #tpu.memory_space<hbm>>
    %dma_start3A_1260 = arith.constant 0 : i32
    %dma_start3A_1261 = tpu.memref_slice %arg6[%dma_start3A_1250, %dma_start3A_1260] : memref<2x32000xf32, #tpu.memory_space<vmem>> -> memref<1x32000xf32, #tpu.memory_space<vmem>>
    %dma_start3A_1262 = tpu.memref_squeeze %dma_start3A_1261 : memref<1x32000xf32, #tpu.memory_space<vmem>> -> memref<32000xf32, #tpu.memory_space<vmem>>
    tpu.enqueue_dma source(%dma_start3A_1262 : memref<32000xf32, #tpu.memory_space<vmem>>) target(%dma_start3A_1259 : memref<32000xf32, #tpu.memory_space<hbm>>) target_semaphore(%arg10 : memref<!tpu.dma_semaphore, #tpu.memory_space<semaphore_mem>>)
    %add3A_1263 = arith.constant 3 : i32
    %add3A_1264 = arith.addi %mul3A_2, %add3A_1263 : i32
    %dma_wait3A_1265 = arith.constant 1 : i32
    %dma_wait3A_1266 = arith.constant 0 : i32
    %dma_wait3A_1267 = tpu.memref_slice %arg6[%dma_wait3A_1265, %dma_wait3A_1266] : memref<2x32000xf32, #tpu.memory_space<vmem>> -> memref<1x32000xf32, #tpu.memory_space<vmem>>
    %dma_wait3A_1268 = tpu.memref_squeeze %dma_wait3A_1267 : memref<1x32000xf32, #tpu.memory_space<vmem>> -> memref<32000xf32, #tpu.memory_space<vmem>>
    %dma_wait3A_1269 = arith.constant 64000 : i32
    %dma_wait3A_1270 = tpu.memref_slice %arg4[%add3A_1264, %dma_wait3A_1269] : memref<128x160000xf32, #tpu.memory_space<hbm>> -> memref<1x32000xf32, #tpu.memory_space<hbm>>
    %dma_wait3A_1271 = tpu.memref_squeeze %dma_wait3A_1270 : memref<1x32000xf32, #tpu.memory_space<hbm>> -> memref<32000xf32, #tpu.memory_space<hbm>>
    %dma_wait3A_1272 = arith.constant 64000 : i32
    %dma_wait3A_1273 = tpu.memref_slice %arg4[%add3A_1264, %dma_wait3A_1272] : memref<128x160000xf32, #tpu.memory_space<hbm>> -> memref<1x32000xf32, #tpu.memory_space<hbm>>
    %dma_wait3A_1274 = tpu.memref_squeeze %dma_wait3A_1273 : memref<1x32000xf32, #tpu.memory_space<hbm>> -> memref<32000xf32, #tpu.memory_space<hbm>>
    %dma_wait3A_1275 = arith.constant 0 : i32
    %dma_wait3A_1276 = tpu.memref_slice %arg6[%dma_wait3A_1265, %dma_wait3A_1275] : memref<2x32000xf32, #tpu.memory_space<vmem>> -> memref<1x32000xf32, #tpu.memory_space<vmem>>
    %dma_wait3A_1277 = tpu.memref_squeeze %dma_wait3A_1276 : memref<1x32000xf32, #tpu.memory_space<vmem>> -> memref<32000xf32, #tpu.memory_space<vmem>>
    tpu.wait_dma2 semaphore(%arg10 : memref<!tpu.dma_semaphore, #tpu.memory_space<semaphore_mem>>) src(%dma_wait3A_1277 : memref<32000xf32, #tpu.memory_space<vmem>>) dst(%dma_wait3A_1274 : memref<32000xf32, #tpu.memory_space<hbm>>)
    %add3A_1278 = arith.constant 3 : i32
    %add3A_1279 = arith.addi %mul3A_2, %add3A_1278 : i32
    %get3A_1280 = arith.index_cast %add3A_1279 : i32 to index
    %get3A_1281 = tpu.vector_load %arg5[%get3A_1280] {strides = array<i32>} : memref<144xi32, #tpu.memory_space<vmem>>, vector<16xi32>,
    %get3A_1282 = vector.shape_cast %get3A_1281 : vector<16xi32> to vector<16xi32>
    %slice3A_1283 = vector.extract_strided_slice %get3A_1282 {offsets = [0], sizes = [1], strides = [1]} : vector<16xi32> to vector<1xi32>
    %squeeze3A_1284 = vector.extract %slice3A_1283[0] : i32 from vector<1xi32>
    %dma_start3A_1285 = arith.constant 1 : i32
    %dma_start3A_1286 = arith.constant 0 : i32
    %dma_start3A_1287 = tpu.memref_slice %arg6[%dma_start3A_1285, %dma_start3A_1286] : memref<2x32000xf32, #tpu.memory_space<vmem>> -> memref<1x32000xf32, #tpu.memory_space<vmem>>
    %dma_start3A_1288 = tpu.memref_squeeze %dma_start3A_1287 : memref<1x32000xf32, #tpu.memory_space<vmem>> -> memref<32000xf32, #tpu.memory_space<vmem>>
    %dma_start3A_1289 = arith.constant 128000 : i32
    %dma_start3A_1290 = tpu.memref_slice %arg2[%squeeze3A_1284, %dma_start3A_1289] : memref<128x160000xf32, #tpu.memory_space<hbm>> -> memref<1x32000xf32, #tpu.memory_space<hbm>>
    %dma_start3A_1291 = tpu.memref_squeeze %dma_start3A_1290 : memref<1x32000xf32, #tpu.memory_space<hbm>> -> memref<32000xf32, #tpu.memory_space<hbm>>
    %dma_start3A_1292 = arith.constant 0 : i32
    %dma_start3A_1293 = tpu.memref_slice %arg6[%dma_start3A_1285, %dma_start3A_1292] : memref<2x32000xf32, #tpu.memory_space<vmem>> -> memref<1x32000xf32, #tpu.memory_space<vmem>>
    %dma_start3A_1294 = tpu.memref_squeeze %dma_start3A_1293 : memref<1x32000xf32, #tpu.memory_space<vmem>> -> memref<32000xf32, #tpu.memory_space<vmem>>
    %dma_start3A_1295 = arith.constant 128000 : i32
    %dma_start3A_1296 = tpu.memref_slice %arg2[%squeeze3A_1284, %dma_start3A_1295] : memref<128x160000xf32, #tpu.memory_space<hbm>> -> memref<1x32000xf32, #tpu.memory_space<hbm>>
    %dma_start3A_1297 = tpu.memref_squeeze %dma_start3A_1296 : memref<1x32000xf32, #tpu.memory_space<hbm>> -> memref<32000xf32, #tpu.memory_space<hbm>>
    tpu.enqueue_dma source(%dma_start3A_1297 : memref<32000xf32, #tpu.memory_space<hbm>>) target(%dma_start3A_1294 : memref<32000xf32, #tpu.memory_space<vmem>>) target_semaphore(%arg8 : memref<!tpu.dma_semaphore, #tpu.memory_space<semaphore_mem>>)
    %add3A_1298 = arith.constant 3 : i32
    %add3A_1299 = arith.addi %mul3A_2, %add3A_1298 : i32
    %get3A_1300 = arith.index_cast %add3A_1299 : i32 to index
    %get3A_1301 = tpu.vector_load %arg5[%get3A_1300] {strides = array<i32>} : memref<144xi32, #tpu.memory_space<vmem>>, vector<16xi32>,
    %get3A_1302 = vector.shape_cast %get3A_1301 : vector<16xi32> to vector<16xi32>
    %slice3A_1303 = vector.extract_strided_slice %get3A_1302 {offsets = [0], sizes = [1], strides = [1]} : vector<16xi32> to vector<1xi32>
    %squeeze3A_1304 = vector.extract %slice3A_1303[0] : i32 from vector<1xi32>
    %dma_wait3A_1305 = arith.constant 0 : i32
    %dma_wait3A_1306 = arith.constant 0 : i32
    %dma_wait3A_1307 = tpu.memref_slice %arg6[%dma_wait3A_1305, %dma_wait3A_1306] : memref<2x32000xf32, #tpu.memory_space<vmem>> -> memref<1x32000xf32, #tpu.memory_space<vmem>>
    %dma_wait3A_1308 = tpu.memref_squeeze %dma_wait3A_1307 : memref<1x32000xf32, #tpu.memory_space<vmem>> -> memref<32000xf32, #tpu.memory_space<vmem>>
    %dma_wait3A_1309 = arith.constant 96000 : i32
    %dma_wait3A_1310 = tpu.memref_slice %arg2[%squeeze3A_1304, %dma_wait3A_1309] : memref<128x160000xf32, #tpu.memory_space<hbm>> -> memref<1x32000xf32, #tpu.memory_space<hbm>>
    %dma_wait3A_1311 = tpu.memref_squeeze %dma_wait3A_1310 : memref<1x32000xf32, #tpu.memory_space<hbm>> -> memref<32000xf32, #tpu.memory_space<hbm>>
    %dma_wait3A_1312 = arith.constant 0 : i32
    %dma_wait3A_1313 = tpu.memref_slice %arg6[%dma_wait3A_1305, %dma_wait3A_1312] : memref<2x32000xf32, #tpu.memory_space<vmem>> -> memref<1x32000xf32, #tpu.memory_space<vmem>>
    %dma_wait3A_1314 = tpu.memref_squeeze %dma_wait3A_1313 : memref<1x32000xf32, #tpu.memory_space<vmem>> -> memref<32000xf32, #tpu.memory_space<vmem>>
    %dma_wait3A_1315 = arith.constant 96000 : i32
    %dma_wait3A_1316 = tpu.memref_slice %arg2[%squeeze3A_1304, %dma_wait3A_1315] : memref<128x160000xf32, #tpu.memory_space<hbm>> -> memref<1x32000xf32, #tpu.memory_space<hbm>>
    %dma_wait3A_1317 = tpu.memref_squeeze %dma_wait3A_1316 : memref<1x32000xf32, #tpu.memory_space<hbm>> -> memref<32000xf32, #tpu.memory_space<hbm>>
    tpu.wait_dma2 semaphore(%arg7 : memref<!tpu.dma_semaphore, #tpu.memory_space<semaphore_mem>>) src(%dma_wait3A_1317 : memref<32000xf32, #tpu.memory_space<hbm>>) dst(%dma_wait3A_1314 : memref<32000xf32, #tpu.memory_space<vmem>>)
    %add3A_1318 = arith.constant 3 : i32
    %add3A_1319 = arith.addi %mul3A_2, %add3A_1318 : i32
    %dma_start3A_1320 = arith.constant 0 : i32
    %dma_start3A_1321 = arith.constant 0 : i32
    %dma_start3A_1322 = tpu.memref_slice %arg6[%dma_start3A_1320, %dma_start3A_1321] : memref<2x32000xf32, #tpu.memory_space<vmem>> -> memref<1x32000xf32, #tpu.memory_space<vmem>>
    %dma_start3A_1323 = tpu.memref_squeeze %dma_start3A_1322 : memref<1x32000xf32, #tpu.memory_space<vmem>> -> memref<32000xf32, #tpu.memory_space<vmem>>
    %dma_start3A_1324 = arith.constant 96000 : i32
    %dma_start3A_1325 = tpu.memref_slice %arg4[%add3A_1319, %dma_start3A_1324] : memref<128x160000xf32, #tpu.memory_space<hbm>> -> memref<1x32000xf32, #tpu.memory_space<hbm>>
    %dma_start3A_1326 = tpu.memref_squeeze %dma_start3A_1325 : memref<1x32000xf32, #tpu.memory_space<hbm>> -> memref<32000xf32, #tpu.memory_space<hbm>>
    %dma_start3A_1327 = arith.constant 96000 : i32
    %dma_start3A_1328 = tpu.memref_slice %arg4[%add3A_1319, %dma_start3A_1327] : memref<128x160000xf32, #tpu.memory_space<hbm>> -> memref<1x32000xf32, #tpu.memory_space<hbm>>
    %dma_start3A_1329 = tpu.memref_squeeze %dma_start3A_1328 : memref<1x32000xf32, #tpu.memory_space<hbm>> -> memref<32000xf32, #tpu.memory_space<hbm>>
    %dma_start3A_1330 = arith.constant 0 : i32
    %dma_start3A_1331 = tpu.memref_slice %arg6[%dma_start3A_1320, %dma_start3A_1330] : memref<2x32000xf32, #tpu.memory_space<vmem>> -> memref<1x32000xf32, #tpu.memory_space<vmem>>
    %dma_start3A_1332 = tpu.memref_squeeze %dma_start3A_1331 : memref<1x32000xf32, #tpu.memory_space<vmem>> -> memref<32000xf32, #tpu.memory_space<vmem>>
    tpu.enqueue_dma source(%dma_start3A_1332 : memref<32000xf32, #tpu.memory_space<vmem>>) target(%dma_start3A_1329 : memref<32000xf32, #tpu.memory_space<hbm>>) target_semaphore(%arg9 : memref<!tpu.dma_semaphore, #tpu.memory_space<semaphore_mem>>)
    %add3A_1333 = arith.constant 3 : i32
    %add3A_1334 = arith.addi %mul3A_2, %add3A_1333 : i32
    %get3A_1335 = arith.index_cast %add3A_1334 : i32 to index
    %get3A_1336 = tpu.vector_load %arg5[%get3A_1335] {strides = array<i32>} : memref<144xi32, #tpu.memory_space<vmem>>, vector<16xi32>,
    %get3A_1337 = vector.shape_cast %get3A_1336 : vector<16xi32> to vector<16xi32>
    %slice3A_1338 = vector.extract_strided_slice %get3A_1337 {offsets = [0], sizes = [1], strides = [1]} : vector<16xi32> to vector<1xi32>
    %squeeze3A_1339 = vector.extract %slice3A_1338[0] : i32 from vector<1xi32>
    %dma_wait3A_1340 = arith.constant 1 : i32
    %dma_wait3A_1341 = arith.constant 0 : i32
    %dma_wait3A_1342 = tpu.memref_slice %arg6[%dma_wait3A_1340, %dma_wait3A_1341] : memref<2x32000xf32, #tpu.memory_space<vmem>> -> memref<1x32000xf32, #tpu.memory_space<vmem>>
    %dma_wait3A_1343 = tpu.memref_squeeze %dma_wait3A_1342 : memref<1x32000xf32, #tpu.memory_space<vmem>> -> memref<32000xf32, #tpu.memory_space<vmem>>
    %dma_wait3A_1344 = arith.constant 128000 : i32
    %dma_wait3A_1345 = tpu.memref_slice %arg2[%squeeze3A_1339, %dma_wait3A_1344] : memref<128x160000xf32, #tpu.memory_space<hbm>> -> memref<1x32000xf32, #tpu.memory_space<hbm>>
    %dma_wait3A_1346 = tpu.memref_squeeze %dma_wait3A_1345 : memref<1x32000xf32, #tpu.memory_space<hbm>> -> memref<32000xf32, #tpu.memory_space<hbm>>
    %dma_wait3A_1347 = arith.constant 0 : i32
    %dma_wait3A_1348 = tpu.memref_slice %arg6[%dma_wait3A_1340, %dma_wait3A_1347] : memref<2x32000xf32, #tpu.memory_space<vmem>> -> memref<1x32000xf32, #tpu.memory_space<vmem>>
    %dma_wait3A_1349 = tpu.memref_squeeze %dma_wait3A_1348 : memref<1x32000xf32, #tpu.memory_space<vmem>> -> memref<32000xf32, #tpu.memory_space<vmem>>
    %dma_wait3A_1350 = arith.constant 128000 : i32
    %dma_wait3A_1351 = tpu.memref_slice %arg2[%squeeze3A_1339, %dma_wait3A_1350] : memref<128x160000xf32, #tpu.memory_space<hbm>> -> memref<1x32000xf32, #tpu.memory_space<hbm>>
    %dma_wait3A_1352 = tpu.memref_squeeze %dma_wait3A_1351 : memref<1x32000xf32, #tpu.memory_space<hbm>> -> memref<32000xf32, #tpu.memory_space<hbm>>
    tpu.wait_dma2 semaphore(%arg8 : memref<!tpu.dma_semaphore, #tpu.memory_space<semaphore_mem>>) src(%dma_wait3A_1352 : memref<32000xf32, #tpu.memory_space<hbm>>) dst(%dma_wait3A_1349 : memref<32000xf32, #tpu.memory_space<vmem>>)
    %add3A_1353 = arith.constant 3 : i32
    %add3A_1354 = arith.addi %mul3A_2, %add3A_1353 : i32
    %dma_start3A_1355 = arith.constant 1 : i32
    %dma_start3A_1356 = arith.constant 0 : i32
    %dma_start3A_1357 = tpu.memref_slice %arg6[%dma_start3A_1355, %dma_start3A_1356] : memref<2x32000xf32, #tpu.memory_space<vmem>> -> memref<1x32000xf32, #tpu.memory_space<vmem>>
    %dma_start3A_1358 = tpu.memref_squeeze %dma_start3A_1357 : memref<1x32000xf32, #tpu.memory_space<vmem>> -> memref<32000xf32, #tpu.memory_space<vmem>>
    %dma_start3A_1359 = arith.constant 128000 : i32
    %dma_start3A_1360 = tpu.memref_slice %arg4[%add3A_1354, %dma_start3A_1359] : memref<128x160000xf32, #tpu.memory_space<hbm>> -> memref<1x32000xf32, #tpu.memory_space<hbm>>
    %dma_start3A_1361 = tpu.memref_squeeze %dma_start3A_1360 : memref<1x32000xf32, #tpu.memory_space<hbm>> -> memref<32000xf32, #tpu.memory_space<hbm>>
    %dma_start3A_1362 = arith.constant 128000 : i32
    %dma_start3A_1363 = tpu.memref_slice %arg4[%add3A_1354, %dma_start3A_1362] : memref<128x160000xf32, #tpu.memory_space<hbm>> -> memref<1x32000xf32, #tpu.memory_space<hbm>>
    %dma_start3A_1364 = tpu.memref_squeeze %dma_start3A_1363 : memref<1x32000xf32, #tpu.memory_space<hbm>> -> memref<32000xf32, #tpu.memory_space<hbm>>
    %dma_start3A_1365 = arith.constant 0 : i32
    %dma_start3A_1366 = tpu.memref_slice %arg6[%dma_start3A_1355, %dma_start3A_1365] : memref<2x32000xf32, #tpu.memory_space<vmem>> -> memref<1x32000xf32, #tpu.memory_space<vmem>>
    %dma_start3A_1367 = tpu.memref_squeeze %dma_start3A_1366 : memref<1x32000xf32, #tpu.memory_space<vmem>> -> memref<32000xf32, #tpu.memory_space<vmem>>
    tpu.enqueue_dma source(%dma_start3A_1367 : memref<32000xf32, #tpu.memory_space<vmem>>) target(%dma_start3A_1364 : memref<32000xf32, #tpu.memory_space<hbm>>) target_semaphore(%arg10 : memref<!tpu.dma_semaphore, #tpu.memory_space<semaphore_mem>>)
    %add3A_1368 = arith.constant 3 : i32
    %add3A_1369 = arith.addi %mul3A_2, %add3A_1368 : i32
    %dma_wait3A_1370 = arith.constant 0 : i32
    %dma_wait3A_1371 = arith.constant 0 : i32
    %dma_wait3A_1372 = tpu.memref_slice %arg6[%dma_wait3A_1370, %dma_wait3A_1371] : memref<2x32000xf32, #tpu.memory_space<vmem>> -> memref<1x32000xf32, #tpu.memory_space<vmem>>
    %dma_wait3A_1373 = tpu.memref_squeeze %dma_wait3A_1372 : memref<1x32000xf32, #tpu.memory_space<vmem>> -> memref<32000xf32, #tpu.memory_space<vmem>>
    %dma_wait3A_1374 = arith.constant 96000 : i32
    %dma_wait3A_1375 = tpu.memref_slice %arg4[%add3A_1369, %dma_wait3A_1374] : memref<128x160000xf32, #tpu.memory_space<hbm>> -> memref<1x32000xf32, #tpu.memory_space<hbm>>
    %dma_wait3A_1376 = tpu.memref_squeeze %dma_wait3A_1375 : memref<1x32000xf32, #tpu.memory_space<hbm>> -> memref<32000xf32, #tpu.memory_space<hbm>>
    %dma_wait3A_1377 = arith.constant 96000 : i32
    %dma_wait3A_1378 = tpu.memref_slice %arg4[%add3A_1369, %dma_wait3A_1377] : memref<128x160000xf32, #tpu.memory_space<hbm>> -> memref<1x32000xf32, #tpu.memory_space<hbm>>
    %dma_wait3A_1379 = tpu.memref_squeeze %dma_wait3A_1378 : memref<1x32000xf32, #tpu.memory_space<hbm>> -> memref<32000xf32, #tpu.memory_space<hbm>>
    %dma_wait3A_1380 = arith.constant 0 : i32
    %dma_wait3A_1381 = tpu.memref_slice %arg6[%dma_wait3A_1370, %dma_wait3A_1380] : memref<2x32000xf32, #tpu.memory_space<vmem>> -> memref<1x32000xf32, #tpu.memory_space<vmem>>
    %dma_wait3A_1382 = tpu.memref_squeeze %dma_wait3A_1381 : memref<1x32000xf32, #tpu.memory_space<vmem>> -> memref<32000xf32, #tpu.memory_space<vmem>>
    tpu.wait_dma2 semaphore(%arg9 : memref<!tpu.dma_semaphore, #tpu.memory_space<semaphore_mem>>) src(%dma_wait3A_1382 : memref<32000xf32, #tpu.memory_space<vmem>>) dst(%dma_wait3A_1379 : memref<32000xf32, #tpu.memory_space<hbm>>)
    %add3A_1383 = arith.constant 3 : i32
    %add3A_1384 = arith.addi %mul3A_2, %add3A_1383 : i32
    %dma_wait3A_1385 = arith.constant 1 : i32
    %dma_wait3A_1386 = arith.constant 0 : i32
    %dma_wait3A_1387 = tpu.memref_slice %arg6[%dma_wait3A_1385, %dma_wait3A_1386] : memref<2x32000xf32, #tpu.memory_space<vmem>> -> memref<1x32000xf32, #tpu.memory_space<vmem>>
    %dma_wait3A_1388 = tpu.memref_squeeze %dma_wait3A_1387 : memref<1x32000xf32, #tpu.memory_space<vmem>> -> memref<32000xf32, #tpu.memory_space<vmem>>
    %dma_wait3A_1389 = arith.constant 128000 : i32
    %dma_wait3A_1390 = tpu.memref_slice %arg4[%add3A_1384, %dma_wait3A_1389] : memref<128x160000xf32, #tpu.memory_space<hbm>> -> memref<1x32000xf32, #tpu.memory_space<hbm>>
    %dma_wait3A_1391 = tpu.memref_squeeze %dma_wait3A_1390 : memref<1x32000xf32, #tpu.memory_space<hbm>> -> memref<32000xf32, #tpu.memory_space<hbm>>
    %dma_wait3A_1392 = arith.constant 128000 : i32
    %dma_wait3A_1393 = tpu.memref_slice %arg4[%add3A_1384, %dma_wait3A_1392] : memref<128x160000xf32, #tpu.memory_space<hbm>> -> memref<1x32000xf32, #tpu.memory_space<hbm>>
    %dma_wait3A_1394 = tpu.memref_squeeze %dma_wait3A_1393 : memref<1x32000xf32, #tpu.memory_space<hbm>> -> memref<32000xf32, #tpu.memory_space<hbm>>
    %dma_wait3A_1395 = arith.constant 0 : i32
    %dma_wait3A_1396 = tpu.memref_slice %arg6[%dma_wait3A_1385, %dma_wait3A_1395] : memref<2x32000xf32, #tpu.memory_space<vmem>> -> memref<1x32000xf32, #tpu.memory_space<vmem>>
    %dma_wait3A_1397 = tpu.memref_squeeze %dma_wait3A_1396 : memref<1x32000xf32, #tpu.memory_space<vmem>> -> memref<32000xf32, #tpu.memory_space<vmem>>
    tpu.wait_dma2 semaphore(%arg10 : memref<!tpu.dma_semaphore, #tpu.memory_space<semaphore_mem>>) src(%dma_wait3A_1397 : memref<32000xf32, #tpu.memory_space<vmem>>) dst(%dma_wait3A_1394 : memref<32000xf32, #tpu.memory_space<hbm>>)
    return
  }
}

</mosaic_0001>

<sc_bundles>
// kernel: kernel.3.cloned.1.call-start
scs
__scs_entry_jumppad:
0x0: {  	(pc) =	sbr.rel $0x88, $3  }
0x1: {  	(tag) =	ssettag $0x0;
	lr =	simm.s32 $0x1  }
0x2: {  	[smem:$0x3FA0] =	sst lr;
	_ =	strace $0xD0000000  }
0x3: {  	_ = 	snop  }
0x4: {  	_ = 	snop  }
0x5: {  	_ = 	snop  }
0x6: {  	_ = 	snop  }
0x7: {  	_ = 	snop  }
__scs_overlays_trampoline_lowered:
0x8: {  	[smem:$0x3FAF] =	sst s0  }
0x9: {  	[smem:$0x3FB0] =	sst s1  }
0xa: {  	[smem:$0x3FB1] =	sst s2  }
0xb: {  	[smem:$0x3FB2] =	sst s3  }
0xc: {  	[smem:$0x3FB3] =	sst s4  }
0xd: {  	[smem:$0x3FB4] =	sst s5  }
0xe: {  	[smem:$0x3FB5] =	sst s6  }
0xf: {  	[smem:$0x3FB6] =	sst s7  }
0x10: {  	[smem:$0x3FB7] =	sst s8  }
0x11: {  	[smem:$0x3FB8] =	sst s9;
	s0 =	simm.s32 @!p0 $0x0  }
0x12: {  	s1 =	sld [smem:$0x3F9E];
	s0 =	simm.s32 @p0 $0x1  }
0x13: {  	[smem:$0x3FB9] =	sst s0;
	s0 =	simm.s32 @!p1 $0x0  }
0x14: {  	s2 =	sld [smem:$0x3F9D];
	s0 =	simm.s32 @p1 $0x1  }
0x15: {  	[smem:$0x3FBA] =	sst s0;
	s0 =	simm.s32 @!p2 $0x0  }
0x16: {  	s3 =	sld [smem:$0x3FDB];
	s0 =	simm.s32 @p2 $0x1  }
0x17: {  	s4 =	simm.s32 $0x1BF5;
	[smem:$0x3FBC] =	sst s0  }
0x18: {  	s0 =	sld [smem:$0x3F9F];
	_ =	swait.ge [sflag:s4], $0x0  }
0x19: {  	s7 =	sld [smem:$0x3FA0]  }
0x1a: {  	s8 =	sadd.s32 $0xFFFFE003, lr  }
0x1b: {  	s9 =	sadd.s32 $0xFFFFFEF7, lr;
	s5 =	simm.s32 $0xFFFFFFFF;
	p2 =	slt.u32 s8, $0xFFFFF086  }
0x1c: {  	p1 =	slt.u32 s9, $0xF7A;
	s5 =	simm.s32 @!p2 $0x0  }
0x1d: {  	s5 =	simm.s32 @p1 $0x1;
	p0 =	seq.s32 s7, s2  }
0x1e: {  	s7 =	smul.u32 @!p0 $0xF7A, s2;
	p2 =	seq.s32 @!p0 s5, $0x0  }
0x1f: {  	s9 =	smul.u32 $0xF7A, s1;
	s8 =	simm.s32 @!p0 $0x1BF5;
	p2 =	por !p2, p0  }
0x20: {  	[sflag:s8] =	ssyncset.s32 @!p0 $0xFFFFF086;
	s6 =	sadd.s32 @!p0 s3, s7;
	s7 =	simm.s32 @!p0 $0x108  }
0x21: {  	s3 =	sadd.s32 s3, s9;
	s6 =	sadd.s32 @!p0 $0x88, s6;
	s7 =	simm.s32 @p2 $0x1082  }
0x22: {  	[simem:s7], [sflag:s8] =	dma.local @!p0 [hbm:s6], $0xF7A  }
0x23: {  	s9 =	sor.u32 $0xD0000000, s2;
	s6 =	simm.s32 $0x108;
	_ =	swait.ge @!p0 [sflag:s8], $0x0  }
0x24: {  	s3 =	sadd.s32 $0x88, s3;
	s6 =	simm.s32 @!p1 $0x1082;
	[sflag:s4] =	ssyncset.s32 $0xFFFFF086  }
0x25: {  	[simem:s6], [sflag:s4] =	dma.local [hbm:s3], $0xF7A  }
0x26: {  	[smem:$0x3FA0] =	sst s1;
	(tag) =	ssettag s2;
	_ =	strace s9  }
0x27: {  	s1 =	sld [smem:$0x3FB0]  }
0x28: {  	s2 =	sld [smem:$0x3FB1]  }
0x29: {  	s4 =	sld [smem:$0x3FB3]  }
0x2a: {  	p0 =	seq.s32 s5, $0x0;
	s5 =	sld [smem:$0x3FB4]  }
0x2b: {  	s6 =	sld [smem:$0x3FB5]  }
0x2c: {  	s7 =	sld [smem:$0x3FB6]  }
0x2d: {  	s3 =	simm.s32 $0x108;
	s8 =	sld [smem:$0x3FB7]  }
0x2e: {  	s3 =	simm.s32 @!p0 $0x1082;
	s9 =	sld [smem:$0x3FB8]  }
0x2f: {  	lr =	sadd.s32 s0, s3;
	s0 =	sld [smem:$0x3FAF]  }
0x30: {  	s3 =	sld [smem:$0x3FB2]  }
0x31: {  	[smem:$0x3FBB] =	sst s10  }
0x32: {  	s10 =	sld [smem:$0x3FB9];
	_ =	sdelay $0x3  }
0x33: {  	p0 =	seq.s32 s10, $0x1;
	s10 =	sld [smem:$0x3FBB];
	_ =	sdelay $0x3  }
0x34: {  	[smem:$0x3FBB] =	sst s10  }
0x35: {  	s10 =	sld [smem:$0x3FBA];
	_ =	sdelay $0x3  }
0x36: {  	p1 =	seq.s32 s10, $0x1;
	s10 =	sld [smem:$0x3FBB];
	_ =	sdelay $0x3  }
0x37: {  	[smem:$0x3FBB] =	sst s10  }
0x38: {  	s10 =	sld [smem:$0x3FBC]  }
0x39: {  	_ = 	snop;
	(pc) =	sbr.ind lr, $3  }
0x3a: {  	_ = 	snop  }
0x3b: {  	_ = 	snop  }
0x3c: {  	p2 =	seq.s32 s10, $0x1;
	s10 =	sld [smem:$0x3FBB]  }
0x3d: {  	_ =	shalt  }
0x3e: {  	_ =	shalt  }
0x3f: {  	_ =	shalt  }
0x40: {  	_ =	shalt  }
0x41: {  	_ =	shalt  }
0x42: {  	_ =	shalt  }
0x43: {  	_ =	shalt  }
0x44: {  	_ =	shalt  }
0x45: {  	_ =	shalt  }
0x46: {  	_ =	shalt  }
0x47: {  	_ =	shalt  }
0x48: {  	_ =	shalt  }
0x49: {  	_ =	shalt  }
0x4a: {  	_ =	shalt  }
0x4b: {  	_ =	shalt  }
0x4c: {  	_ =	shalt  }
0x4d: {  	_ =	shalt  }
0x4e: {  	_ =	shalt  }
0x4f: {  	_ =	shalt  }
0x50: {  	_ =	shalt  }
0x51: {  	_ =	shalt  }
0x52: {  	_ =	shalt  }
0x53: {  	_ =	shalt  }
0x54: {  	_ =	shalt  }
0x55: {  	_ =	shalt  }
0x56: {  	_ =	shalt  }
0x57: {  	_ =	shalt  }
0x58: {  	_ =	shalt  }
0x59: {  	_ =	shalt  }
0x5a: {  	_ =	shalt  }
0x5b: {  	_ =	shalt  }
0x5c: {  	_ =	shalt  }
0x5d: {  	_ =	shalt  }
0x5e: {  	_ =	shalt  }
0x5f: {  	_ =	shalt  }
0x60: {  	_ =	shalt  }
0x61: {  	_ =	shalt  }
0x62: {  	_ =	shalt  }
0x63: {  	_ =	shalt  }
0x64: {  	_ =	shalt  }
0x65: {  	_ =	shalt  }
0x66: {  	_ =	shalt  }
0x67: {  	_ =	shalt  }
0x68: {  	_ =	shalt  }
0x69: {  	_ =	shalt  }
0x6a: {  	_ =	shalt  }
0x6b: {  	_ =	shalt  }
0x6c: {  	_ =	shalt  }
0x6d: {  	_ =	shalt  }
0x6e: {  	_ =	shalt  }
0x6f: {  	_ =	shalt  }
0x70: {  	_ =	shalt  }
0x71: {  	_ =	shalt  }
0x72: {  	_ =	shalt  }
0x73: {  	_ =	shalt  }
0x74: {  	_ =	shalt  }
0x75: {  	_ =	shalt  }
0x76: {  	_ =	shalt  }
0x77: {  	_ =	shalt  }
0x78: {  	_ =	shalt  }
0x79: {  	_ =	shalt  }
0x7a: {  	_ =	shalt  }
0x7b: {  	_ =	shalt  }
0x7c: {  	_ =	shalt  }
0x7d: {  	_ =	shalt  }
0x7e: {  	_ =	shalt  }
0x7f: {  	_ =	shalt  }
0x80: {  	_ =	shalt  }
0x81: {  	_ =	shalt  }
0x82: {  	_ =	shalt  }
0x83: {  	_ =	shalt  }
0x84: {  	_ =	shalt  }
0x85: {  	_ =	shalt  }
0x86: {  	_ =	shalt  }
0x87: {  	_ =	shalt  }
.Lfunc_end0:
.L_simem_size_0:
called_computation.2_lowered:
.L_overlay_start_0:
0x88: {  	s2 =	sld [smem:$0x3FD9]  }
0x89: {  	s3 =	sld [smem:$0x3FFE];
	_ =	sdelay $0x1  }
0x8a: {  	s1 =	srdreg.scid  }
0x8b: {  	s0 =	sand.u32 $0x1, s1  }
0x8c: {  	s17 =	sshll.u32 s0, $0xA;
	s2 =	sadd.s32 s3, s2  }
0x8d: {  	s2 =	sadd.s32 s2, s17  }
0x8e: {  	[smem:$0x3FC7] =	sst s2  }
0x8f: {  	_ = 	snop  }
0x90: {  	s2 =	sld [smem:$0x3FD0];
	(tm) =	ssettm $0x1  }
0x91: {  	s18 =	sld [smem:$0x3FFB];
	_ =	sdelay $0x3  }
0x92: {  	_ =	strace s18  }
0x93: {  	s3 =	sld [smem:$0x3FFC];
	_ =	sdelay $0x3  }
0x94: {  	_ =	strace s3  }
0x95: {  	s3 =	sld [smem:$0x3FFD];
	_ =	sdelay $0x3  }
0x96: {  	_ =	strace s3  }
0x97: {  	_ =	strace $0x8FFFFFFF  }
0x98: {  	s19 =	sld [smem:$0x3FDB];
	_ =	sdelay $0x1  }
0x99: {  	s4 =	simm.s32 $_scs_section_size  }
0x9a: {  	s5 =	simm.s32 $_size__tile_overlayer_lowered;
	s6 =	simm.s32 $_tile_overlayer_lowered  }
0x9b: {  	s22 =	simm.s32 $0x1BFF;
	s21 =	sshll.u32 s6, $0x1;
	s3 =	sadd.s32 s4, s19  }
0x9c: {  	s7 =	simm.s32 $0x0;
	s20 =	sshll.u32 s5, $0x1;
	s5 =	sadd.s32 s21, s3  }
0x9d: {  	[timem:s7], [sflag:s22] =	dma.local [hbm:s5], s20  }
0x9e: {  	_ =	swait.ge [sflag:s22], s20  }
0x9f: {  	s4 =	ssub.s32 $0x0, s20;
	[sflag:s22] =	ssyncset.done $0x0  }
0xa0: {  	[sflag:s22] =	ssyncadd.s32 s4;
	_ =	sdelay $0x1  }
0xa1: {  	s23 =	simm.s32 $0x1B8B  }
0xa2: {  	_ =	swait.ge [sflag:s23], $0x1  }
0xa3: {  	[sflag:s23] =	ssyncset.done $0x0  }
0xa4: {  	s25 =	simm.s32 $0x1B8E;
	s24 =	sld [smem:$0x3FFE];
	[sflag:s23] =	ssyncadd.s32 $0xFFFFFFFF  }
0xa5: {  	s26 =	simm.s32 $execute0_lowered;
	[smem:$0x3FD2] =	sst s25  }
0xa6: {  	s5 =	sshll.u32 s26, $0x1;
	_ =	strace $0x80000049;
	[dreg:$0x1] =	wrdreg $0xFFFFFFFF  }
0xa7: {  	s28 =	simm.s32 $_size_execute0_lowered;
	s3 =	sadd.s32 s3, s5;
	[dreg:$0x0] =	wrdreg $0x0  }
0xa8: {  	s5 =	sshll.u32 s28, $0x1;
	[dreg:$0x2] =	wrdreg s3  }
0xa9: {  	[dreg:$0x3] =	wrdreg s5  }
0xaa: {  	[dreg:$0x4] =	wrdreg $0xC0  }
0xab: {  	_ =	task [dreg:s7], $0x5FFFF  }
0xac: {  	[dreg:$0x1] =	wrdreg $0xFFFFFFFF  }
0xad: {  	[dreg:$0x0] =	wrdreg $0x60  }
0xae: {  	[dreg:$0x2] =	wrdreg s2  }
0xaf: {  	[dreg:$0x3] =	wrdreg s24  }
0xb0: {  	[dreg:$0x4] =	wrdreg $0x9  }
0xb1: {  	_ =	task.clear_ibuf [dreg:s7], $0x5FFFF;
	_ =	strace $0x90000049  }
0xb2: {  	s29 =	simm.s32 $0x9;
	_ =	strace $0x8000004B  }
0xb3: {  	_ =	swait.ge [sflag:s29], $0x1  }
0xb4: {  	[sflag:s29] =	ssyncadd.s32 $0xFFFFFFFF  }
0xb5: {  	_ =	strace $0x9000004B  }
0xb6: {  	_ =	sfence  }
0xb7: {  	s30 =	sld [smem:$0x0];
	_ =	sdelay $0x2  }
0xb8: {  	s31 =	sshll.u32 s1, $0xD;
	s1 =	sshrl.u32 s1, $0x2  }
0xb9: {  	s3 =	sand.u32 $0x4000, s31;
	s1 =	sadd.s32 s1, s30  }
0xba: {  	s0 =	sor.u32 s3, s0;
	s1 =	sshll.u32 s1, $0x11  }
0xbb: {  	s0 =	sor.u32 s1, s0  }
0xbc: {  	s0 =	sadd.s32 $0x8F2B, s0  }
0xbd: {  	[sflag:s0] =	ssyncadd.remote.s32 $0x1  }
0xbe: {  	_ =	sfence.sel $0xFFFF  }
0xbf: {  	[dreg:$0x0] =	wrdreg $0xFFFFFFFF;
	(pc) =	sbr.abs _section_cstart, $3  }
0xc0: {  	[dreg:$0x1] =	wrdreg $0xFFFFFFFF  }
0xc1: {  	_ =	task.clear_ibuf [dreg:s7], $0x2FFFF;
	_ =	strace $0x9FFFFFFF  }
0xc2: {  	(tm) =	ssettm $0x7FFFFFFF  }
0xc3: {  	_ =	shalt  }
tec
execute0_lowered:
.L_overlay_start_1:
0x0: {  	(tag) =	ssettag $0x1  }
0x1: {  	s0 =	srdreg.scid;
	s1 =	simm.s32 $0x0  }
0x2: {  	s4 =	stileid.u32;
	s31 =	simm.s32 $0x1;
	s2 =	sand.u32 $0x1, s0  }
0x3: {  	[smem:$0x7FF] =	sst s1;
	s25 =	smul.u32 $0x138800, s4;
	s4 =	sshll.u32 s4, $0x3  }
0x4: {  	s0 =	ssub.s32 $0x2, s2;
	s5 =	sshll.u32 s2, $0x2;
	s2 =	sshll.u32 s2, $0x9  }
0x5: {  	s3 =	sshrl.u32 s0, $0x1;
	s12 =	sor.u32 s5, s4;
	s4 =	sor.u32 s2, s25  }
0x6: {  	s29 =	sadd.s32 $0x3E800, s25;
	s7 =	sadd.s32 $0x7D000, s25;
	s9 =	sadd.s32 $0xBB800, s25  }
0x7: {  	s30 =	sadd.s32 $0xFA000, s25;
	s0 =	ssub.s32 s0, s3;
	s6 =	sor.u32 s2, s29  }
0x8: {  	s10 =	sor.u32 $0x1, s12;
	s8 =	sor.u32 s2, s7;
	s11 =	sor.u32 s2, s9  }
0x9: {  	[dreg:$0x3] =	wrdreg s12;
	s14 =	sor.u32 $0x2, s12;
	s26 =	sor.u32 s2, s30  }
0xa: {  	s2 =	sor.u32 $0x180, s2;
	s4 =	sshrl.u32 s4, $0x3;
	[dreg:$0x4] =	wrdreg s10  }
0xb: {  	s10 =	sshll.u32 s10, $0x7;
	[dreg:$0x5] =	wrdreg s14;
	s14 =	sshll.u32 s14, $0x7  }
0xc: {  	s3 =	sor.u32 s25, s2;
	s5 =	sor.u32 s2, s29;
	s24 =	sor.u32 s2, s7  }
0xd: {  	s12 =	sshrl.u32 s11, $0x3;
	s0 =	smax.u32 s0, $0x1;
	s10 =	sand.u32 $0x280, s10  }
0xe: {  	s14 =	sand.u32 $0x300, s14;
	s3 =	sshrl.u32 s3, $0x3;
	s13 =	sor.u32 s25, s10  }
0xf: {  	s15 =	sor.u32 s29, s10;
	s16 =	sor.u32 s7, s10;
	s17 =	sor.u32 s9, s10  }
0x10: {  	s18 =	sor.u32 s30, s10;
	s19 =	sor.u32 s25, s14;
	s20 =	sor.u32 s29, s14  }
0x11: {  	s21 =	sor.u32 s7, s14;
	s22 =	sor.u32 s9, s14;
	s23 =	sor.u32 s30, s14  }
0x12: {  	s25 =	sor.u32 s2, s9;
	s2 =	sor.u32 s2, s30;
	s29 =	rddreg [dreg:$0x1]  }
0x13: {  	s30 =	sshrl.u32 s6, $0x3;
	s9 =	sshrl.u32 s8, $0x3;
	s10 =	sshrl.u32 s26, $0x3  }
0x14: {  	s26 =	sshrl.u32 s5, $0x3;
	s5 =	simm.s32 $0x4;
	s28 =	sadd.s32 $0x200, s29  }
0x15: {  	s14 =	sshrl.u32 s13, $0x3;
	s15 =	sshrl.u32 s15, $0x3;
	s16 =	sshrl.u32 s16, $0x3  }
0x16: {  	s17 =	sshrl.u32 s17, $0x3;
	s18 =	sshrl.u32 s18, $0x3;
	s19 =	sshrl.u32 s19, $0x3  }
0x17: {  	s20 =	sshrl.u32 s20, $0x3;
	s21 =	sshrl.u32 s21, $0x3;
	s22 =	sshrl.u32 s22, $0x3  }
0x18: {  	s23 =	sshrl.u32 s23, $0x3;
	s29 =	sshrl.u32 s24, $0x3;
	s2 =	sshrl.u32 s2, $0x3  }
0x19: {  	s6 =	sadd.s32 s28, s4;
	s7 =	sadd.s32 s28, s30;
	s8 =	sadd.s32 s28, s9  }
0x1a: {  	s9 =	sadd.s32 s28, s12;
	s10 =	sadd.s32 s28, s10;
	s11 =	sadd.s32 s28, s14  }
0x1b: {  	s12 =	sadd.s32 s28, s15;
	s13 =	sadd.s32 s28, s16;
	s14 =	sadd.s32 s28, s17  }
0x1c: {  	s15 =	sadd.s32 s28, s18;
	s16 =	sadd.s32 s28, s19;
	s17 =	sadd.s32 s28, s20  }
0x1d: {  	s18 =	sadd.s32 s28, s21;
	s19 =	sadd.s32 s28, s22;
	s20 =	sadd.s32 s28, s23  }
0x1e: {  	s21 =	sadd.s32 s28, s3;
	s22 =	sadd.s32 s28, s26;
	s24 =	sadd.s32 s28, s29  }
0x1f: {  	s30 =	sshrl.u32 s25, $0x3;
	s25 =	rddreg [dreg:$0x0];
	_ =	strace $0x8000004A  }
0x20: {  	[dreg:$0x6] =	wrdreg s0;
	s23 =	simm.s32 $0x3;
	s0 =	simm.s32 $0x2  }
0x21: {  	s3 =	simm.s32 $0x0;
	s26 =	sadd.s32 s28, s30;
	s28 =	sadd.s32 s28, s2  }
.LBB2_1:
0x22: {  	[dreg:$0x7] =	wrdreg s3  }
0x23: {  	s2 =	rddreg [dreg:$0x1];
	s4 =	simm.s32 $0x5  }
0x24: {  	[tilespmem:s1], [sflag:$0x5] =	stream.linear.gather [hbm4b:s2+s1], $0x100, $0x38;
	[tilespmem:$0xFB00] =	vst v63  }
0x25: {  	_ =	swait.ge [sflag:s4], $0x100  }
0x26: {  	[sflag:s4] =	ssyncset.done $0x0  }
0x27: {  	s3 =	rddreg [dreg:$0x3];
	[sflag:s4] =	ssyncadd.s32 $0xFFFFFF00  }
0x28: {  	v0 =	vld [tilespmem:s3+$0x0];
	_ =	sdelay $0x4  }
0x29: {  	(v2sf) =	vpush v0, $0x0;
	_ =	sdelay $0xe  }
0x2a: {  	s2 =	spop (v2sf)  }
0x2b: {  	s4 =	sshrl.u32 s2, $0x3  }
0x2c: {  	s2 =	sshll.u32 s2, $0x7;
	s3 =	smul.u32 $0x138800, s4  }
0x2d: {  	s2 =	sand.u32 $0x380, s2  }
0x2e: {  	s2 =	sor.u32 s2, s3  }
0x2f: {  	s2 =	sshrl.u32 s2, $0x3  }
0x30: {  	s29 =	simm.s32 $0x200;
	s30 =	sadd.s32 s25, s2  }
0x31: {  	s4 =	simm.s32 $0x80;
	s3 =	simm.s32 $0x100;
	s2 =	sadd.s32 $0x0, s30  }
.LBB2_2:
0x32: {  	[tilespmem:s3], [sflag:$0x1] =	stream.linear.gather [hbm4b:s2+s1], $0x80, $0x38;
	[tilespmem:$0xFB00] =	vst v63  }
0x33: {  	s2 =	smov.u32 s4;
	s3 =	smov.u32 s29;
	p0 =	sne.s32 s4, $0x7C80  }
.Ltmp0:
0x34: {  	s4 =	sadd.s32 $0x80, s4;
	(pc) =	sbr.rel @p0 .LBB2_2-.Ltmp0, $2  }
0x35: {  	_ =	sdelay $0x2  }
0x36: {  	s29 =	sadd.s32 $0x100, s29;
	s2 =	sadd.s32 s2, s30  }
0x37: {  	[tilespmem:s3], [sflag:$0x1] =	stream.linear.gather [hbm4b:s2+s1], $0x80, $0x38;
	[tilespmem:$0xFB00] =	vst v63  }
0x38: {  	s3 =	rddreg [dreg:$0x3]  }
0x39: {  	v0 =	vld [tilespmem:s3+$0x0];
	_ =	sdelay $0x4  }
0x3a: {  	(v2sf) =	vpush v0, $0x0;
	_ =	sdelay $0xe  }
0x3b: {  	s2 =	spop (v2sf)  }
0x3c: {  	s4 =	sshrl.u32 s2, $0x3  }
0x3d: {  	s2 =	sshll.u32 s2, $0x7;
	s3 =	smul.u32 $0x138800, s4  }
0x3e: {  	s2 =	sand.u32 $0x380, s2  }
0x3f: {  	s2 =	sor.u32 s2, s3  }
0x40: {  	s2 =	sadd.s32 $0x3E800, s2  }
0x41: {  	s2 =	sshrl.u32 s2, $0x3  }
0x42: {  	s29 =	simm.s32 $0x280;
	s30 =	sadd.s32 s25, s2  }
0x43: {  	s4 =	simm.s32 $0x80;
	s3 =	simm.s32 $0x180;
	s2 =	sadd.s32 $0x0, s30  }
.LBB2_4:
0x44: {  	[tilespmem:s3], [sflag:$0x2] =	stream.linear.gather [hbm4b:s2+s1], $0x80, $0x38;
	[tilespmem:$0xFB00] =	vst v63  }
0x45: {  	s2 =	smov.u32 s4;
	s3 =	smov.u32 s29;
	p0 =	sne.s32 s4, $0x7C80  }
.Ltmp1:
0x46: {  	s4 =	sadd.s32 $0x80, s4;
	(pc) =	sbr.rel @p0 .LBB2_4-.Ltmp1, $2  }
0x47: {  	_ =	sdelay $0x2  }
0x48: {  	s29 =	sadd.s32 $0x100, s29;
	s2 =	sadd.s32 s2, s30  }
0x49: {  	[tilespmem:s3], [sflag:$0x2] =	stream.linear.gather [hbm4b:s2+s1], $0x80, $0x38;
	[tilespmem:$0xFB00] =	vst v63  }
0x4a: {  	_ =	swait.ge [sflag:s31], $0x7D00  }
0x4b: {  	s3 =	simm.s32 $0x100;
	s4 =	simm.s32 $0x80;
	[sflag:s31] =	ssyncset.done $0x0  }
0x4c: {  	s2 =	sadd.s32 $0x0, s6;
	s29 =	simm.s32 $0x200;
	[sflag:s31] =	ssyncadd.s32 $0xFFFF8300  }
.LBB2_6:
0x4d: {  	[hbm4b:s2+s1] =	stream.linear.scatter [tilespmem:s3], [sflag:$0x3], $0x80, $0x38;
	[tilespmem:$0xFB00] =	vst v63  }
0x4e: {  	s2 =	smov.u32 s4;
	s3 =	smov.u32 s29;
	p0 =	sne.s32 s4, $0x7C80  }
.Ltmp2:
0x4f: {  	s4 =	sadd.s32 $0x80, s4;
	(pc) =	sbr.rel @p0 .LBB2_6-.Ltmp2, $2  }
0x50: {  	_ =	sdelay $0x2  }
0x51: {  	s29 =	sadd.s32 $0x100, s29;
	s2 =	sadd.s32 s2, s6  }
0x52: {  	[hbm4b:s2+s1] =	stream.linear.scatter [tilespmem:s3], [sflag:$0x3], $0x80, $0x38;
	[tilespmem:$0xFB00] =	vst v63  }
0x53: {  	_ =	swait.ge [sflag:s23], $0x7D00  }
0x54: {  	[sflag:s23] =	ssyncset.done $0x0  }
0x55: {  	s3 =	rddreg [dreg:$0x3];
	[sflag:s23] =	ssyncadd.s32 $0xFFFF8300  }
0x56: {  	v0 =	vld [tilespmem:s3+$0x0];
	_ =	sdelay $0x4  }
0x57: {  	(v2sf) =	vpush v0, $0x0;
	_ =	sdelay $0xe  }
0x58: {  	s2 =	spop (v2sf)  }
0x59: {  	s4 =	sshrl.u32 s2, $0x3  }
0x5a: {  	s2 =	sshll.u32 s2, $0x7;
	s3 =	smul.u32 $0x138800, s4  }
0x5b: {  	s2 =	sand.u32 $0x380, s2  }
0x5c: {  	s2 =	sor.u32 s2, s3  }
0x5d: {  	s2 =	sadd.s32 $0x7D000, s2  }
0x5e: {  	s2 =	sshrl.u32 s2, $0x3  }
0x5f: {  	s29 =	simm.s32 $0x200;
	s30 =	sadd.s32 s25, s2  }
0x60: {  	s4 =	simm.s32 $0x80;
	s3 =	simm.s32 $0x100;
	s2 =	sadd.s32 $0x0, s30  }
.LBB2_8:
0x61: {  	[tilespmem:s3], [sflag:$0x1] =	stream.linear.gather [hbm4b:s2+s1], $0x80, $0x38;
	[tilespmem:$0xFB00] =	vst v63  }
0x62: {  	s2 =	smov.u32 s4;
	s3 =	smov.u32 s29;
	p0 =	sne.s32 s4, $0x7C80  }
.Ltmp3:
0x63: {  	s4 =	sadd.s32 $0x80, s4;
	(pc) =	sbr.rel @p0 .LBB2_8-.Ltmp3, $2  }
0x64: {  	_ =	sdelay $0x2  }
0x65: {  	s29 =	sadd.s32 $0x100, s29;
	s2 =	sadd.s32 s2, s30  }
0x66: {  	[tilespmem:s3], [sflag:$0x1] =	stream.linear.gather [hbm4b:s2+s1], $0x80, $0x38;
	[tilespmem:$0xFB00] =	vst v63  }
0x67: {  	_ =	swait.ge [sflag:s0], $0x7D00  }
0x68: {  	s3 =	simm.s32 $0x180;
	s4 =	simm.s32 $0x80;
	[sflag:s0] =	ssyncset.done $0x0  }
0x69: {  	s2 =	sadd.s32 $0x0, s7;
	s29 =	simm.s32 $0x280;
	[sflag:s0] =	ssyncadd.s32 $0xFFFF8300  }
.LBB2_10:
0x6a: {  	[hbm4b:s2+s1] =	stream.linear.scatter [tilespmem:s3], [sflag:$0x4], $0x80, $0x38;
	[tilespmem:$0xFB00] =	vst v63  }
0x6b: {  	s2 =	smov.u32 s4;
	s3 =	smov.u32 s29;
	p0 =	sne.s32 s4, $0x7C80  }
.Ltmp4:
0x6c: {  	s4 =	sadd.s32 $0x80, s4;
	(pc) =	sbr.rel @p0 .LBB2_10-.Ltmp4, $2  }
0x6d: {  	_ =	sdelay $0x2  }
0x6e: {  	s29 =	sadd.s32 $0x100, s29;
	s2 =	sadd.s32 s2, s7  }
0x6f: {  	[hbm4b:s2+s1] =	stream.linear.scatter [tilespmem:s3], [sflag:$0x4], $0x80, $0x38;
	[tilespmem:$0xFB00] =	vst v63  }
0x70: {  	_ =	swait.ge [sflag:s5], $0x7D00  }
0x71: {  	[sflag:s5] =	ssyncset.done $0x0  }
0x72: {  	s3 =	rddreg [dreg:$0x3];
	[sflag:s5] =	ssyncadd.s32 $0xFFFF8300  }
0x73: {  	v0 =	vld [tilespmem:s3+$0x0];
	_ =	sdelay $0x4  }
0x74: {  	(v2sf) =	vpush v0, $0x0;
	_ =	sdelay $0xe  }
0x75: {  	s2 =	spop (v2sf)  }
0x76: {  	s4 =	sshrl.u32 s2, $0x3  }
0x77: {  	s2 =	sshll.u32 s2, $0x7;
	s3 =	smul.u32 $0x138800, s4  }
0x78: {  	s2 =	sand.u32 $0x380, s2  }
0x79: {  	s2 =	sor.u32 s2, s3  }
0x7a: {  	s2 =	sadd.s32 $0xBB800, s2  }
0x7b: {  	s2 =	sshrl.u32 s2, $0x3  }
0x7c: {  	s29 =	simm.s32 $0x280;
	s30 =	sadd.s32 s25, s2  }
0x7d: {  	s4 =	simm.s32 $0x80;
	s3 =	simm.s32 $0x180;
	s2 =	sadd.s32 $0x0, s30  }
.LBB2_12:
0x7e: {  	[tilespmem:s3], [sflag:$0x2] =	stream.linear.gather [hbm4b:s2+s1], $0x80, $0x38;
	[tilespmem:$0xFB00] =	vst v63  }
0x7f: {  	s2 =	smov.u32 s4;
	s3 =	smov.u32 s29;
	p0 =	sne.s32 s4, $0x7C80  }
.Ltmp5:
0x80: {  	s4 =	sadd.s32 $0x80, s4;
	(pc) =	sbr.rel @p0 .LBB2_12-.Ltmp5, $2  }
0x81: {  	_ =	sdelay $0x2  }
0x82: {  	s29 =	sadd.s32 $0x100, s29;
	s2 =	sadd.s32 s2, s30  }
0x83: {  	[tilespmem:s3], [sflag:$0x2] =	stream.linear.gather [hbm4b:s2+s1], $0x80, $0x38;
	[tilespmem:$0xFB00] =	vst v63  }
0x84: {  	_ =	swait.ge [sflag:s31], $0x7D00  }
0x85: {  	s3 =	simm.s32 $0x100;
	s4 =	simm.s32 $0x80;
	[sflag:s31] =	ssyncset.done $0x0  }
0x86: {  	s2 =	sadd.s32 $0x0, s8;
	s29 =	simm.s32 $0x200;
	[sflag:s31] =	ssyncadd.s32 $0xFFFF8300  }
.LBB2_14:
0x87: {  	[hbm4b:s2+s1] =	stream.linear.scatter [tilespmem:s3], [sflag:$0x3], $0x80, $0x38;
	[tilespmem:$0xFB00] =	vst v63  }
0x88: {  	s2 =	smov.u32 s4;
	s3 =	smov.u32 s29;
	p0 =	sne.s32 s4, $0x7C80  }
.Ltmp6:
0x89: {  	s4 =	sadd.s32 $0x80, s4;
	(pc) =	sbr.rel @p0 .LBB2_14-.Ltmp6, $2  }
0x8a: {  	_ =	sdelay $0x2  }
0x8b: {  	s29 =	sadd.s32 $0x100, s29;
	s2 =	sadd.s32 s2, s8  }
0x8c: {  	[hbm4b:s2+s1] =	stream.linear.scatter [tilespmem:s3], [sflag:$0x3], $0x80, $0x38;
	[tilespmem:$0xFB00] =	vst v63  }
0x8d: {  	_ =	swait.ge [sflag:s23], $0x7D00  }
0x8e: {  	[sflag:s23] =	ssyncset.done $0x0  }
0x8f: {  	s3 =	rddreg [dreg:$0x3];
	[sflag:s23] =	ssyncadd.s32 $0xFFFF8300  }
0x90: {  	v0 =	vld [tilespmem:s3+$0x0];
	_ =	sdelay $0x4  }
0x91: {  	(v2sf) =	vpush v0, $0x0;
	_ =	sdelay $0xe  }
0x92: {  	s2 =	spop (v2sf)  }
0x93: {  	s4 =	sshrl.u32 s2, $0x3  }
0x94: {  	s2 =	sshll.u32 s2, $0x7;
	s3 =	smul.u32 $0x138800, s4  }
0x95: {  	s2 =	sand.u32 $0x380, s2  }
0x96: {  	s2 =	sor.u32 s2, s3  }
0x97: {  	s2 =	sadd.s32 $0xFA000, s2  }
0x98: {  	s2 =	sshrl.u32 s2, $0x3  }
0x99: {  	s29 =	simm.s32 $0x200;
	s30 =	sadd.s32 s25, s2  }
0x9a: {  	s4 =	simm.s32 $0x80;
	s3 =	simm.s32 $0x100;
	s2 =	sadd.s32 $0x0, s30  }
.LBB2_16:
0x9b: {  	[tilespmem:s3], [sflag:$0x1] =	stream.linear.gather [hbm4b:s2+s1], $0x80, $0x38;
	[tilespmem:$0xFB00] =	vst v63  }
0x9c: {  	s2 =	smov.u32 s4;
	s3 =	smov.u32 s29;
	p0 =	sne.s32 s4, $0x7C80  }
.Ltmp7:
0x9d: {  	s4 =	sadd.s32 $0x80, s4;
	(pc) =	sbr.rel @p0 .LBB2_16-.Ltmp7, $2  }
0x9e: {  	_ =	sdelay $0x2  }
0x9f: {  	s29 =	sadd.s32 $0x100, s29;
	s2 =	sadd.s32 s2, s30  }
0xa0: {  	[tilespmem:s3], [sflag:$0x1] =	stream.linear.gather [hbm4b:s2+s1], $0x80, $0x38;
	[tilespmem:$0xFB00] =	vst v63  }
0xa1: {  	_ =	swait.ge [sflag:s0], $0x7D00  }
0xa2: {  	s3 =	simm.s32 $0x180;
	s4 =	simm.s32 $0x80;
	[sflag:s0] =	ssyncset.done $0x0  }
0xa3: {  	s2 =	sadd.s32 $0x0, s9;
	s29 =	simm.s32 $0x280;
	[sflag:s0] =	ssyncadd.s32 $0xFFFF8300  }
.LBB2_18:
0xa4: {  	[hbm4b:s2+s1] =	stream.linear.scatter [tilespmem:s3], [sflag:$0x4], $0x80, $0x38;
	[tilespmem:$0xFB00] =	vst v63  }
0xa5: {  	s2 =	smov.u32 s4;
	s3 =	smov.u32 s29;
	p0 =	sne.s32 s4, $0x7C80  }
.Ltmp8:
0xa6: {  	s4 =	sadd.s32 $0x80, s4;
	(pc) =	sbr.rel @p0 .LBB2_18-.Ltmp8, $2  }
0xa7: {  	_ =	sdelay $0x2  }
0xa8: {  	s29 =	sadd.s32 $0x100, s29;
	s2 =	sadd.s32 s2, s9  }
0xa9: {  	[hbm4b:s2+s1] =	stream.linear.scatter [tilespmem:s3], [sflag:$0x4], $0x80, $0x38;
	[tilespmem:$0xFB00] =	vst v63  }
0xaa: {  	_ =	swait.ge [sflag:s5], $0x7D00  }
0xab: {  	[sflag:s5] =	ssyncset.done $0x0  }
0xac: {  	s3 =	rddreg [dreg:$0x4];
	[sflag:s5] =	ssyncadd.s32 $0xFFFF8300  }
0xad: {  	v0 =	vld [tilespmem:s3+$0x0];
	_ =	sdelay $0x4  }
0xae: {  	(v2sf) =	vpush v0, $0x0;
	_ =	sdelay $0xe  }
0xaf: {  	s2 =	spop (v2sf)  }
0xb0: {  	s4 =	sshrl.u32 s2, $0x3  }
0xb1: {  	s2 =	sshll.u32 s2, $0x7;
	s3 =	smul.u32 $0x138800, s4  }
0xb2: {  	s2 =	sand.u32 $0x380, s2  }
0xb3: {  	s2 =	sor.u32 s2, s3  }
0xb4: {  	s2 =	sshrl.u32 s2, $0x3  }
0xb5: {  	s29 =	simm.s32 $0x280;
	s30 =	sadd.s32 s25, s2  }
0xb6: {  	s4 =	simm.s32 $0x80;
	s3 =	simm.s32 $0x180;
	s2 =	sadd.s32 $0x0, s30  }
.LBB2_20:
0xb7: {  	[tilespmem:s3], [sflag:$0x2] =	stream.linear.gather [hbm4b:s2+s1], $0x80, $0x38;
	[tilespmem:$0xFB00] =	vst v63  }
0xb8: {  	s2 =	smov.u32 s4;
	s3 =	smov.u32 s29;
	p0 =	sne.s32 s4, $0x7C80  }
.Ltmp9:
0xb9: {  	s4 =	sadd.s32 $0x80, s4;
	(pc) =	sbr.rel @p0 .LBB2_20-.Ltmp9, $2  }
0xba: {  	_ =	sdelay $0x2  }
0xbb: {  	s29 =	sadd.s32 $0x100, s29;
	s2 =	sadd.s32 s2, s30  }
0xbc: {  	[tilespmem:s3], [sflag:$0x2] =	stream.linear.gather [hbm4b:s2+s1], $0x80, $0x38;
	[tilespmem:$0xFB00] =	vst v63  }
0xbd: {  	_ =	swait.ge [sflag:s31], $0x7D00  }
0xbe: {  	s3 =	simm.s32 $0x100;
	s4 =	simm.s32 $0x80;
	[sflag:s31] =	ssyncset.done $0x0  }
0xbf: {  	s2 =	sadd.s32 $0x0, s10;
	s29 =	simm.s32 $0x200;
	[sflag:s31] =	ssyncadd.s32 $0xFFFF8300  }
.LBB2_22:
0xc0: {  	[hbm4b:s2+s1] =	stream.linear.scatter [tilespmem:s3], [sflag:$0x3], $0x80, $0x38;
	[tilespmem:$0xFB00] =	vst v63  }
0xc1: {  	s2 =	smov.u32 s4;
	s3 =	smov.u32 s29;
	p0 =	sne.s32 s4, $0x7C80  }
.Ltmp10:
0xc2: {  	s4 =	sadd.s32 $0x80, s4;
	(pc) =	sbr.rel @p0 .LBB2_22-.Ltmp10, $2  }
0xc3: {  	_ =	sdelay $0x2  }
0xc4: {  	s29 =	sadd.s32 $0x100, s29;
	s2 =	sadd.s32 s2, s10  }
0xc5: {  	[hbm4b:s2+s1] =	stream.linear.scatter [tilespmem:s3], [sflag:$0x3], $0x80, $0x38;
	[tilespmem:$0xFB00] =	vst v63  }
0xc6: {  	_ =	swait.ge [sflag:s23], $0x7D00  }
0xc7: {  	[sflag:s23] =	ssyncset.done $0x0  }
0xc8: {  	s3 =	rddreg [dreg:$0x4];
	[sflag:s23] =	ssyncadd.s32 $0xFFFF8300  }
0xc9: {  	v0 =	vld [tilespmem:s3+$0x0];
	_ =	sdelay $0x4  }
0xca: {  	(v2sf) =	vpush v0, $0x0;
	_ =	sdelay $0xe  }
0xcb: {  	s2 =	spop (v2sf)  }
0xcc: {  	s4 =	sshrl.u32 s2, $0x3  }
0xcd: {  	s2 =	sshll.u32 s2, $0x7;
	s3 =	smul.u32 $0x138800, s4  }
0xce: {  	s2 =	sand.u32 $0x380, s2  }
0xcf: {  	s2 =	sor.u32 s2, s3  }
0xd0: {  	s2 =	sadd.s32 $0x3E800, s2  }
0xd1: {  	s2 =	sshrl.u32 s2, $0x3  }
0xd2: {  	s29 =	simm.s32 $0x200;
	s30 =	sadd.s32 s25, s2  }
0xd3: {  	s4 =	simm.s32 $0x80;
	s3 =	simm.s32 $0x100;
	s2 =	sadd.s32 $0x0, s30  }
.LBB2_24:
0xd4: {  	[tilespmem:s3], [sflag:$0x1] =	stream.linear.gather [hbm4b:s2+s1], $0x80, $0x38;
	[tilespmem:$0xFB00] =	vst v63  }
0xd5: {  	s2 =	smov.u32 s4;
	s3 =	smov.u32 s29;
	p0 =	sne.s32 s4, $0x7C80  }
.Ltmp11:
0xd6: {  	s4 =	sadd.s32 $0x80, s4;
	(pc) =	sbr.rel @p0 .LBB2_24-.Ltmp11, $2  }
0xd7: {  	_ =	sdelay $0x2  }
0xd8: {  	s29 =	sadd.s32 $0x100, s29;
	s2 =	sadd.s32 s2, s30  }
0xd9: {  	[tilespmem:s3], [sflag:$0x1] =	stream.linear.gather [hbm4b:s2+s1], $0x80, $0x38;
	[tilespmem:$0xFB00] =	vst v63  }
0xda: {  	_ =	swait.ge [sflag:s0], $0x7D00  }
0xdb: {  	s3 =	simm.s32 $0x180;
	s4 =	simm.s32 $0x80;
	[sflag:s0] =	ssyncset.done $0x0  }
0xdc: {  	s2 =	sadd.s32 $0x0, s11;
	s29 =	simm.s32 $0x280;
	[sflag:s0] =	ssyncadd.s32 $0xFFFF8300  }
.LBB2_26:
0xdd: {  	[hbm4b:s2+s1] =	stream.linear.scatter [tilespmem:s3], [sflag:$0x4], $0x80, $0x38;
	[tilespmem:$0xFB00] =	vst v63  }
0xde: {  	s2 =	smov.u32 s4;
	s3 =	smov.u32 s29;
	p0 =	sne.s32 s4, $0x7C80  }
.Ltmp12:
0xdf: {  	s4 =	sadd.s32 $0x80, s4;
	(pc) =	sbr.rel @p0 .LBB2_26-.Ltmp12, $2  }
0xe0: {  	_ =	sdelay $0x2  }
0xe1: {  	s29 =	sadd.s32 $0x100, s29;
	s2 =	sadd.s32 s2, s11  }
0xe2: {  	[hbm4b:s2+s1] =	stream.linear.scatter [tilespmem:s3], [sflag:$0x4], $0x80, $0x38;
	[tilespmem:$0xFB00] =	vst v63  }
0xe3: {  	_ =	swait.ge [sflag:s5], $0x7D00  }
0xe4: {  	[sflag:s5] =	ssyncset.done $0x0  }
0xe5: {  	s3 =	rddreg [dreg:$0x4];
	[sflag:s5] =	ssyncadd.s32 $0xFFFF8300  }
0xe6: {  	v0 =	vld [tilespmem:s3+$0x0];
	_ =	sdelay $0x4  }
0xe7: {  	(v2sf) =	vpush v0, $0x0;
	_ =	sdelay $0xe  }
0xe8: {  	s2 =	spop (v2sf)  }
0xe9: {  	s4 =	sshrl.u32 s2, $0x3  }
0xea: {  	s2 =	sshll.u32 s2, $0x7;
	s3 =	smul.u32 $0x138800, s4  }
0xeb: {  	s2 =	sand.u32 $0x380, s2  }
0xec: {  	s2 =	sor.u32 s2, s3  }
0xed: {  	s2 =	sadd.s32 $0x7D000, s2  }
0xee: {  	s2 =	sshrl.u32 s2, $0x3  }
0xef: {  	s29 =	simm.s32 $0x280;
	s30 =	sadd.s32 s25, s2  }
0xf0: {  	s4 =	simm.s32 $0x80;
	s3 =	simm.s32 $0x180;
	s2 =	sadd.s32 $0x0, s30  }
.LBB2_28:
0xf1: {  	[tilespmem:s3], [sflag:$0x2] =	stream.linear.gather [hbm4b:s2+s1], $0x80, $0x38;
	[tilespmem:$0xFB00] =	vst v63  }
0xf2: {  	s2 =	smov.u32 s4;
	s3 =	smov.u32 s29;
	p0 =	sne.s32 s4, $0x7C80  }
.Ltmp13:
0xf3: {  	s4 =	sadd.s32 $0x80, s4;
	(pc) =	sbr.rel @p0 .LBB2_28-.Ltmp13, $2  }
0xf4: {  	_ =	sdelay $0x2  }
0xf5: {  	s29 =	sadd.s32 $0x100, s29;
	s2 =	sadd.s32 s2, s30  }
0xf6: {  	[tilespmem:s3], [sflag:$0x2] =	stream.linear.gather [hbm4b:s2+s1], $0x80, $0x38;
	[tilespmem:$0xFB00] =	vst v63  }
0xf7: {  	_ =	swait.ge [sflag:s31], $0x7D00  }
0xf8: {  	s3 =	simm.s32 $0x100;
	s4 =	simm.s32 $0x80;
	[sflag:s31] =	ssyncset.done $0x0  }
0xf9: {  	s2 =	sadd.s32 $0x0, s12;
	s29 =	simm.s32 $0x200;
	[sflag:s31] =	ssyncadd.s32 $0xFFFF8300  }
.LBB2_30:
0xfa: {  	[hbm4b:s2+s1] =	stream.linear.scatter [tilespmem:s3], [sflag:$0x3], $0x80, $0x38;
	[tilespmem:$0xFB00] =	vst v63  }
0xfb: {  	s2 =	smov.u32 s4;
	s3 =	smov.u32 s29;
	p0 =	sne.s32 s4, $0x7C80  }
.Ltmp14:
0xfc: {  	s4 =	sadd.s32 $0x80, s4;
	(pc) =	sbr.rel @p0 .LBB2_30-.Ltmp14, $2  }
0xfd: {  	_ =	sdelay $0x2  }
0xfe: {  	s29 =	sadd.s32 $0x100, s29;
	s2 =	sadd.s32 s2, s12  }
0xff: {  	[hbm4b:s2+s1] =	stream.linear.scatter [tilespmem:s3], [sflag:$0x3], $0x80, $0x38;
	[tilespmem:$0xFB00] =	vst v63  }
0x100: {  	_ =	swait.ge [sflag:s23], $0x7D00  }
0x101: {  	[sflag:s23] =	ssyncset.done $0x0  }
0x102: {  	s3 =	rddreg [dreg:$0x4];
	[sflag:s23] =	ssyncadd.s32 $0xFFFF8300  }
0x103: {  	v0 =	vld [tilespmem:s3+$0x0];
	_ =	sdelay $0x4  }
0x104: {  	(v2sf) =	vpush v0, $0x0;
	_ =	sdelay $0xe  }
0x105: {  	s2 =	spop (v2sf)  }
0x106: {  	s4 =	sshrl.u32 s2, $0x3  }
0x107: {  	s2 =	sshll.u32 s2, $0x7;
	s3 =	smul.u32 $0x138800, s4  }
0x108: {  	s2 =	sand.u32 $0x380, s2  }
0x109: {  	s2 =	sor.u32 s2, s3  }
0x10a: {  	s2 =	sadd.s32 $0xBB800, s2  }
0x10b: {  	s2 =	sshrl.u32 s2, $0x3  }
0x10c: {  	s29 =	simm.s32 $0x200;
	s30 =	sadd.s32 s25, s2  }
0x10d: {  	s4 =	simm.s32 $0x80;
	s3 =	simm.s32 $0x100;
	s2 =	sadd.s32 $0x0, s30  }
.LBB2_32:
0x10e: {  	[tilespmem:s3], [sflag:$0x1] =	stream.linear.gather [hbm4b:s2+s1], $0x80, $0x38;
	[tilespmem:$0xFB00] =	vst v63  }
0x10f: {  	s2 =	smov.u32 s4;
	s3 =	smov.u32 s29;
	p0 =	sne.s32 s4, $0x7C80  }
.Ltmp15:
0x110: {  	s4 =	sadd.s32 $0x80, s4;
	(pc) =	sbr.rel @p0 .LBB2_32-.Ltmp15, $2  }
0x111: {  	_ =	sdelay $0x2  }
0x112: {  	s29 =	sadd.s32 $0x100, s29;
	s2 =	sadd.s32 s2, s30  }
0x113: {  	[tilespmem:s3], [sflag:$0x1] =	stream.linear.gather [hbm4b:s2+s1], $0x80, $0x38;
	[tilespmem:$0xFB00] =	vst v63  }
0x114: {  	_ =	swait.ge [sflag:s0], $0x7D00  }
0x115: {  	s3 =	simm.s32 $0x180;
	s4 =	simm.s32 $0x80;
	[sflag:s0] =	ssyncset.done $0x0  }
0x116: {  	s2 =	sadd.s32 $0x0, s13;
	s29 =	simm.s32 $0x280;
	[sflag:s0] =	ssyncadd.s32 $0xFFFF8300  }
.LBB2_34:
0x117: {  	[hbm4b:s2+s1] =	stream.linear.scatter [tilespmem:s3], [sflag:$0x4], $0x80, $0x38;
	[tilespmem:$0xFB00] =	vst v63  }
0x118: {  	s2 =	smov.u32 s4;
	s3 =	smov.u32 s29;
	p0 =	sne.s32 s4, $0x7C80  }
.Ltmp16:
0x119: {  	s4 =	sadd.s32 $0x80, s4;
	(pc) =	sbr.rel @p0 .LBB2_34-.Ltmp16, $2  }
0x11a: {  	_ =	sdelay $0x2  }
0x11b: {  	s29 =	sadd.s32 $0x100, s29;
	s2 =	sadd.s32 s2, s13  }
0x11c: {  	[hbm4b:s2+s1] =	stream.linear.scatter [tilespmem:s3], [sflag:$0x4], $0x80, $0x38;
	[tilespmem:$0xFB00] =	vst v63  }
0x11d: {  	_ =	swait.ge [sflag:s5], $0x7D00  }
0x11e: {  	[sflag:s5] =	ssyncset.done $0x0  }
0x11f: {  	s3 =	rddreg [dreg:$0x4];
	[sflag:s5] =	ssyncadd.s32 $0xFFFF8300  }
0x120: {  	v0 =	vld [tilespmem:s3+$0x0];
	_ =	sdelay $0x4  }
0x121: {  	(v2sf) =	vpush v0, $0x0;
	_ =	sdelay $0xe  }
0x122: {  	s2 =	spop (v2sf)  }
0x123: {  	s4 =	sshrl.u32 s2, $0x3  }
0x124: {  	s2 =	sshll.u32 s2, $0x7;
	s3 =	smul.u32 $0x138800, s4  }
0x125: {  	s2 =	sand.u32 $0x380, s2  }
0x126: {  	s2 =	sor.u32 s2, s3  }
0x127: {  	s2 =	sadd.s32 $0xFA000, s2  }
0x128: {  	s2 =	sshrl.u32 s2, $0x3  }
0x129: {  	s29 =	simm.s32 $0x280;
	s30 =	sadd.s32 s25, s2  }
0x12a: {  	s4 =	simm.s32 $0x80;
	s3 =	simm.s32 $0x180;
	s2 =	sadd.s32 $0x0, s30  }
.LBB2_36:
0x12b: {  	[tilespmem:s3], [sflag:$0x2] =	stream.linear.gather [hbm4b:s2+s1], $0x80, $0x38;
	[tilespmem:$0xFB00] =	vst v63  }
0x12c: {  	s2 =	smov.u32 s4;
	s3 =	smov.u32 s29;
	p0 =	sne.s32 s4, $0x7C80  }
.Ltmp17:
0x12d: {  	s4 =	sadd.s32 $0x80, s4;
	(pc) =	sbr.rel @p0 .LBB2_36-.Ltmp17, $2  }
0x12e: {  	_ =	sdelay $0x2  }
0x12f: {  	s29 =	sadd.s32 $0x100, s29;
	s2 =	sadd.s32 s2, s30  }
0x130: {  	[tilespmem:s3], [sflag:$0x2] =	stream.linear.gather [hbm4b:s2+s1], $0x80, $0x38;
	[tilespmem:$0xFB00] =	vst v63  }
0x131: {  	_ =	swait.ge [sflag:s31], $0x7D00  }
0x132: {  	s3 =	simm.s32 $0x100;
	s4 =	simm.s32 $0x80;
	[sflag:s31] =	ssyncset.done $0x0  }
0x133: {  	s2 =	sadd.s32 $0x0, s14;
	s29 =	simm.s32 $0x200;
	[sflag:s31] =	ssyncadd.s32 $0xFFFF8300  }
.LBB2_38:
0x134: {  	[hbm4b:s2+s1] =	stream.linear.scatter [tilespmem:s3], [sflag:$0x3], $0x80, $0x38;
	[tilespmem:$0xFB00] =	vst v63  }
0x135: {  	s2 =	smov.u32 s4;
	s3 =	smov.u32 s29;
	p0 =	sne.s32 s4, $0x7C80  }
.Ltmp18:
0x136: {  	s4 =	sadd.s32 $0x80, s4;
	(pc) =	sbr.rel @p0 .LBB2_38-.Ltmp18, $2  }
0x137: {  	_ =	sdelay $0x2  }
0x138: {  	s29 =	sadd.s32 $0x100, s29;
	s2 =	sadd.s32 s2, s14  }
0x139: {  	[hbm4b:s2+s1] =	stream.linear.scatter [tilespmem:s3], [sflag:$0x3], $0x80, $0x38;
	[tilespmem:$0xFB00] =	vst v63  }
0x13a: {  	_ =	swait.ge [sflag:s23], $0x7D00  }
0x13b: {  	[sflag:s23] =	ssyncset.done $0x0  }
0x13c: {  	s3 =	rddreg [dreg:$0x5];
	[sflag:s23] =	ssyncadd.s32 $0xFFFF8300  }
0x13d: {  	v0 =	vld [tilespmem:s3+$0x0];
	_ =	sdelay $0x4  }
0x13e: {  	(v2sf) =	vpush v0, $0x0;
	_ =	sdelay $0xe  }
0x13f: {  	s2 =	spop (v2sf)  }
0x140: {  	s4 =	sshrl.u32 s2, $0x3  }
0x141: {  	s2 =	sshll.u32 s2, $0x7;
	s3 =	smul.u32 $0x138800, s4  }
0x142: {  	s2 =	sand.u32 $0x380, s2  }
0x143: {  	s2 =	sor.u32 s2, s3  }
0x144: {  	s2 =	sshrl.u32 s2, $0x3  }
0x145: {  	s29 =	simm.s32 $0x200;
	s30 =	sadd.s32 s25, s2  }
0x146: {  	s4 =	simm.s32 $0x80;
	s3 =	simm.s32 $0x100;
	s2 =	sadd.s32 $0x0, s30  }
.LBB2_40:
0x147: {  	[tilespmem:s3], [sflag:$0x1] =	stream.linear.gather [hbm4b:s2+s1], $0x80, $0x38;
	[tilespmem:$0xFB00] =	vst v63  }
0x148: {  	s2 =	smov.u32 s4;
	s3 =	smov.u32 s29;
	p0 =	sne.s32 s4, $0x7C80  }
.Ltmp19:
0x149: {  	s4 =	sadd.s32 $0x80, s4;
	(pc) =	sbr.rel @p0 .LBB2_40-.Ltmp19, $2  }
0x14a: {  	_ =	sdelay $0x2  }
0x14b: {  	s29 =	sadd.s32 $0x100, s29;
	s2 =	sadd.s32 s2, s30  }
0x14c: {  	[tilespmem:s3], [sflag:$0x1] =	stream.linear.gather [hbm4b:s2+s1], $0x80, $0x38;
	[tilespmem:$0xFB00] =	vst v63  }
0x14d: {  	_ =	swait.ge [sflag:s0], $0x7D00  }
0x14e: {  	s3 =	simm.s32 $0x180;
	s4 =	simm.s32 $0x80;
	[sflag:s0] =	ssyncset.done $0x0  }
0x14f: {  	s2 =	sadd.s32 $0x0, s15;
	s29 =	simm.s32 $0x280;
	[sflag:s0] =	ssyncadd.s32 $0xFFFF8300  }
.LBB2_42:
0x150: {  	[hbm4b:s2+s1] =	stream.linear.scatter [tilespmem:s3], [sflag:$0x4], $0x80, $0x38;
	[tilespmem:$0xFB00] =	vst v63  }
0x151: {  	s2 =	smov.u32 s4;
	s3 =	smov.u32 s29;
	p0 =	sne.s32 s4, $0x7C80  }
.Ltmp20:
0x152: {  	s4 =	sadd.s32 $0x80, s4;
	(pc) =	sbr.rel @p0 .LBB2_42-.Ltmp20, $2  }
0x153: {  	_ =	sdelay $0x2  }
0x154: {  	s29 =	sadd.s32 $0x100, s29;
	s2 =	sadd.s32 s2, s15  }
0x155: {  	[hbm4b:s2+s1] =	stream.linear.scatter [tilespmem:s3], [sflag:$0x4], $0x80, $0x38;
	[tilespmem:$0xFB00] =	vst v63  }
0x156: {  	_ =	swait.ge [sflag:s5], $0x7D00  }
0x157: {  	[sflag:s5] =	ssyncset.done $0x0  }
0x158: {  	s3 =	rddreg [dreg:$0x5];
	[sflag:s5] =	ssyncadd.s32 $0xFFFF8300  }
0x159: {  	v0 =	vld [tilespmem:s3+$0x0];
	_ =	sdelay $0x4  }
0x15a: {  	(v2sf) =	vpush v0, $0x0;
	_ =	sdelay $0xe  }
0x15b: {  	s2 =	spop (v2sf)  }
0x15c: {  	s4 =	sshrl.u32 s2, $0x3  }
0x15d: {  	s2 =	sshll.u32 s2, $0x7;
	s3 =	smul.u32 $0x138800, s4  }
0x15e: {  	s2 =	sand.u32 $0x380, s2  }
0x15f: {  	s2 =	sor.u32 s2, s3  }
0x160: {  	s2 =	sadd.s32 $0x3E800, s2  }
0x161: {  	s2 =	sshrl.u32 s2, $0x3  }
0x162: {  	s29 =	simm.s32 $0x280;
	s30 =	sadd.s32 s25, s2  }
0x163: {  	s4 =	simm.s32 $0x80;
	s3 =	simm.s32 $0x180;
	s2 =	sadd.s32 $0x0, s30  }
.LBB2_44:
0x164: {  	[tilespmem:s3], [sflag:$0x2] =	stream.linear.gather [hbm4b:s2+s1], $0x80, $0x38;
	[tilespmem:$0xFB00] =	vst v63  }
0x165: {  	s2 =	smov.u32 s4;
	s3 =	smov.u32 s29;
	p0 =	sne.s32 s4, $0x7C80  }
.Ltmp21:
0x166: {  	s4 =	sadd.s32 $0x80, s4;
	(pc) =	sbr.rel @p0 .LBB2_44-.Ltmp21, $2  }
0x167: {  	_ =	sdelay $0x2  }
0x168: {  	s29 =	sadd.s32 $0x100, s29;
	s2 =	sadd.s32 s2, s30  }
0x169: {  	[tilespmem:s3], [sflag:$0x2] =	stream.linear.gather [hbm4b:s2+s1], $0x80, $0x38;
	[tilespmem:$0xFB00] =	vst v63  }
0x16a: {  	_ =	swait.ge [sflag:s31], $0x7D00  }
0x16b: {  	s3 =	simm.s32 $0x100;
	s4 =	simm.s32 $0x80;
	[sflag:s31] =	ssyncset.done $0x0  }
0x16c: {  	s2 =	sadd.s32 $0x0, s16;
	s29 =	simm.s32 $0x200;
	[sflag:s31] =	ssyncadd.s32 $0xFFFF8300  }
.LBB2_46:
0x16d: {  	[hbm4b:s2+s1] =	stream.linear.scatter [tilespmem:s3], [sflag:$0x3], $0x80, $0x38;
	[tilespmem:$0xFB00] =	vst v63  }
0x16e: {  	s2 =	smov.u32 s4;
	s3 =	smov.u32 s29;
	p0 =	sne.s32 s4, $0x7C80  }
.Ltmp22:
0x16f: {  	s4 =	sadd.s32 $0x80, s4;
	(pc) =	sbr.rel @p0 .LBB2_46-.Ltmp22, $2  }
0x170: {  	_ =	sdelay $0x2  }
0x171: {  	s29 =	sadd.s32 $0x100, s29;
	s2 =	sadd.s32 s2, s16  }
0x172: {  	[hbm4b:s2+s1] =	stream.linear.scatter [tilespmem:s3], [sflag:$0x3], $0x80, $0x38;
	[tilespmem:$0xFB00] =	vst v63  }
0x173: {  	_ =	swait.ge [sflag:s23], $0x7D00  }
0x174: {  	[sflag:s23] =	ssyncset.done $0x0  }
0x175: {  	s3 =	rddreg [dreg:$0x5];
	[sflag:s23] =	ssyncadd.s32 $0xFFFF8300  }
0x176: {  	v0 =	vld [tilespmem:s3+$0x0];
	_ =	sdelay $0x4  }
0x177: {  	(v2sf) =	vpush v0, $0x0;
	_ =	sdelay $0xe  }
0x178: {  	s2 =	spop (v2sf)  }
0x179: {  	s4 =	sshrl.u32 s2, $0x3  }
0x17a: {  	s2 =	sshll.u32 s2, $0x7;
	s3 =	smul.u32 $0x138800, s4  }
0x17b: {  	s2 =	sand.u32 $0x380, s2  }
0x17c: {  	s2 =	sor.u32 s2, s3  }
0x17d: {  	s2 =	sadd.s32 $0x7D000, s2  }
0x17e: {  	s2 =	sshrl.u32 s2, $0x3  }
0x17f: {  	s29 =	simm.s32 $0x200;
	s30 =	sadd.s32 s25, s2  }
0x180: {  	s4 =	simm.s32 $0x80;
	s3 =	simm.s32 $0x100;
	s2 =	sadd.s32 $0x0, s30  }
.LBB2_48:
0x181: {  	[tilespmem:s3], [sflag:$0x1] =	stream.linear.gather [hbm4b:s2+s1], $0x80, $0x38;
	[tilespmem:$0xFB00] =	vst v63  }
0x182: {  	s2 =	smov.u32 s4;
	s3 =	smov.u32 s29;
	p0 =	sne.s32 s4, $0x7C80  }
.Ltmp23:
0x183: {  	s4 =	sadd.s32 $0x80, s4;
	(pc) =	sbr.rel @p0 .LBB2_48-.Ltmp23, $2  }
0x184: {  	_ =	sdelay $0x2  }
0x185: {  	s29 =	sadd.s32 $0x100, s29;
	s2 =	sadd.s32 s2, s30  }
0x186: {  	[tilespmem:s3], [sflag:$0x1] =	stream.linear.gather [hbm4b:s2+s1], $0x80, $0x38;
	[tilespmem:$0xFB00] =	vst v63  }
0x187: {  	_ =	swait.ge [sflag:s0], $0x7D00  }
0x188: {  	s3 =	simm.s32 $0x180;
	s4 =	simm.s32 $0x80;
	[sflag:s0] =	ssyncset.done $0x0  }
0x189: {  	s2 =	sadd.s32 $0x0, s17;
	s29 =	simm.s32 $0x280;
	[sflag:s0] =	ssyncadd.s32 $0xFFFF8300  }
.LBB2_50:
0x18a: {  	[hbm4b:s2+s1] =	stream.linear.scatter [tilespmem:s3], [sflag:$0x4], $0x80, $0x38;
	[tilespmem:$0xFB00] =	vst v63  }
0x18b: {  	s2 =	smov.u32 s4;
	s3 =	smov.u32 s29;
	p0 =	sne.s32 s4, $0x7C80  }
.Ltmp24:
0x18c: {  	s4 =	sadd.s32 $0x80, s4;
	(pc) =	sbr.rel @p0 .LBB2_50-.Ltmp24, $2  }
0x18d: {  	_ =	sdelay $0x2  }
0x18e: {  	s29 =	sadd.s32 $0x100, s29;
	s2 =	sadd.s32 s2, s17  }
0x18f: {  	[hbm4b:s2+s1] =	stream.linear.scatter [tilespmem:s3], [sflag:$0x4], $0x80, $0x38;
	[tilespmem:$0xFB00] =	vst v63  }
0x190: {  	_ =	swait.ge [sflag:s5], $0x7D00  }
0x191: {  	[sflag:s5] =	ssyncset.done $0x0  }
0x192: {  	s3 =	rddreg [dreg:$0x5];
	[sflag:s5] =	ssyncadd.s32 $0xFFFF8300  }
0x193: {  	v0 =	vld [tilespmem:s3+$0x0];
	_ =	sdelay $0x4  }
0x194: {  	(v2sf) =	vpush v0, $0x0;
	_ =	sdelay $0xe  }
0x195: {  	s2 =	spop (v2sf)  }
0x196: {  	s4 =	sshrl.u32 s2, $0x3  }
0x197: {  	s2 =	sshll.u32 s2, $0x7;
	s3 =	smul.u32 $0x138800, s4  }
0x198: {  	s2 =	sand.u32 $0x380, s2  }
0x199: {  	s2 =	sor.u32 s2, s3  }
0x19a: {  	s2 =	sadd.s32 $0xBB800, s2  }
0x19b: {  	s2 =	sshrl.u32 s2, $0x3  }
0x19c: {  	s29 =	simm.s32 $0x280;
	s30 =	sadd.s32 s25, s2  }
0x19d: {  	s4 =	simm.s32 $0x80;
	s3 =	simm.s32 $0x180;
	s2 =	sadd.s32 $0x0, s30  }
.LBB2_52:
0x19e: {  	[tilespmem:s3], [sflag:$0x2] =	stream.linear.gather [hbm4b:s2+s1], $0x80, $0x38;
	[tilespmem:$0xFB00] =	vst v63  }
0x19f: {  	s2 =	smov.u32 s4;
	s3 =	smov.u32 s29;
	p0 =	sne.s32 s4, $0x7C80  }
.Ltmp25:
0x1a0: {  	s4 =	sadd.s32 $0x80, s4;
	(pc) =	sbr.rel @p0 .LBB2_52-.Ltmp25, $2  }
0x1a1: {  	_ =	sdelay $0x2  }
0x1a2: {  	s29 =	sadd.s32 $0x100, s29;
	s2 =	sadd.s32 s2, s30  }
0x1a3: {  	[tilespmem:s3], [sflag:$0x2] =	stream.linear.gather [hbm4b:s2+s1], $0x80, $0x38;
	[tilespmem:$0xFB00] =	vst v63  }
0x1a4: {  	_ =	swait.ge [sflag:s31], $0x7D00  }
0x1a5: {  	s3 =	simm.s32 $0x100;
	s4 =	simm.s32 $0x80;
	[sflag:s31] =	ssyncset.done $0x0  }
0x1a6: {  	s2 =	sadd.s32 $0x0, s18;
	s29 =	simm.s32 $0x200;
	[sflag:s31] =	ssyncadd.s32 $0xFFFF8300  }
.LBB2_54:
0x1a7: {  	[hbm4b:s2+s1] =	stream.linear.scatter [tilespmem:s3], [sflag:$0x3], $0x80, $0x38;
	[tilespmem:$0xFB00] =	vst v63  }
0x1a8: {  	s2 =	smov.u32 s4;
	s3 =	smov.u32 s29;
	p0 =	sne.s32 s4, $0x7C80  }
.Ltmp26:
0x1a9: {  	s4 =	sadd.s32 $0x80, s4;
	(pc) =	sbr.rel @p0 .LBB2_54-.Ltmp26, $2  }
0x1aa: {  	_ =	sdelay $0x2  }
0x1ab: {  	s29 =	sadd.s32 $0x100, s29;
	s2 =	sadd.s32 s2, s18  }
0x1ac: {  	[hbm4b:s2+s1] =	stream.linear.scatter [tilespmem:s3], [sflag:$0x3], $0x80, $0x38;
	[tilespmem:$0xFB00] =	vst v63  }
0x1ad: {  	_ =	swait.ge [sflag:s23], $0x7D00  }
0x1ae: {  	[sflag:s23] =	ssyncset.done $0x0  }
0x1af: {  	s3 =	rddreg [dreg:$0x5];
	[sflag:s23] =	ssyncadd.s32 $0xFFFF8300  }
0x1b0: {  	v0 =	vld [tilespmem:s3+$0x0];
	_ =	sdelay $0x4  }
0x1b1: {  	(v2sf) =	vpush v0, $0x0;
	_ =	sdelay $0xe  }
0x1b2: {  	s2 =	spop (v2sf)  }
0x1b3: {  	s4 =	sshrl.u32 s2, $0x3  }
0x1b4: {  	s2 =	sshll.u32 s2, $0x7;
	s3 =	smul.u32 $0x138800, s4  }
0x1b5: {  	s2 =	sand.u32 $0x380, s2  }
0x1b6: {  	s2 =	sor.u32 s2, s3  }
0x1b7: {  	s2 =	sadd.s32 $0xFA000, s2  }
0x1b8: {  	s2 =	sshrl.u32 s2, $0x3  }
0x1b9: {  	s29 =	simm.s32 $0x200;
	s30 =	sadd.s32 s25, s2  }
0x1ba: {  	s4 =	simm.s32 $0x80;
	s3 =	simm.s32 $0x100;
	s2 =	sadd.s32 $0x0, s30  }
.LBB2_56:
0x1bb: {  	[tilespmem:s3], [sflag:$0x1] =	stream.linear.gather [hbm4b:s2+s1], $0x80, $0x38;
	[tilespmem:$0xFB00] =	vst v63  }
0x1bc: {  	s2 =	smov.u32 s4;
	s3 =	smov.u32 s29;
	p0 =	sne.s32 s4, $0x7C80  }
.Ltmp27:
0x1bd: {  	s4 =	sadd.s32 $0x80, s4;
	(pc) =	sbr.rel @p0 .LBB2_56-.Ltmp27, $2  }
0x1be: {  	_ =	sdelay $0x2  }
0x1bf: {  	s29 =	sadd.s32 $0x100, s29;
	s2 =	sadd.s32 s2, s30  }
0x1c0: {  	[tilespmem:s3], [sflag:$0x1] =	stream.linear.gather [hbm4b:s2+s1], $0x80, $0x38;
	[tilespmem:$0xFB00] =	vst v63  }
0x1c1: {  	_ =	swait.ge [sflag:s0], $0x7D00  }
0x1c2: {  	s3 =	simm.s32 $0x180;
	s4 =	simm.s32 $0x80;
	[sflag:s0] =	ssyncset.done $0x0  }
0x1c3: {  	s2 =	sadd.s32 $0x0, s19;
	s29 =	simm.s32 $0x280;
	[sflag:s0] =	ssyncadd.s32 $0xFFFF8300  }
.LBB2_58:
0x1c4: {  	[hbm4b:s2+s1] =	stream.linear.scatter [tilespmem:s3], [sflag:$0x4], $0x80, $0x38;
	[tilespmem:$0xFB00] =	vst v63  }
0x1c5: {  	s2 =	smov.u32 s4;
	s3 =	smov.u32 s29;
	p0 =	sne.s32 s4, $0x7C80  }
.Ltmp28:
0x1c6: {  	s4 =	sadd.s32 $0x80, s4;
	(pc) =	sbr.rel @p0 .LBB2_58-.Ltmp28, $2  }
0x1c7: {  	_ =	sdelay $0x2  }
0x1c8: {  	s29 =	sadd.s32 $0x100, s29;
	s2 =	sadd.s32 s2, s19  }
0x1c9: {  	[hbm4b:s2+s1] =	stream.linear.scatter [tilespmem:s3], [sflag:$0x4], $0x80, $0x38;
	[tilespmem:$0xFB00] =	vst v63  }
0x1ca: {  	_ =	swait.ge [sflag:s5], $0x7D00  }
0x1cb: {  	[sflag:s5] =	ssyncset.done $0x0  }
0x1cc: {  	s3 =	rddreg [dreg:$0x3];
	[sflag:s5] =	ssyncadd.s32 $0xFFFF8300  }
0x1cd: {  	v0 =	vld [tilespmem:s3+$0x3];
	_ =	sdelay $0x4  }
0x1ce: {  	(v2sf) =	vpush v0, $0x0;
	_ =	sdelay $0xe  }
0x1cf: {  	s2 =	spop (v2sf)  }
0x1d0: {  	s4 =	sshrl.u32 s2, $0x3  }
0x1d1: {  	s2 =	sshll.u32 s2, $0x7;
	s3 =	smul.u32 $0x138800, s4  }
0x1d2: {  	s2 =	sand.u32 $0x380, s2  }
0x1d3: {  	s2 =	sor.u32 s2, s3  }
0x1d4: {  	s2 =	sshrl.u32 s2, $0x3  }
0x1d5: {  	s29 =	simm.s32 $0x280;
	s30 =	sadd.s32 s25, s2  }
0x1d6: {  	s4 =	simm.s32 $0x80;
	s3 =	simm.s32 $0x180;
	s2 =	sadd.s32 $0x0, s30  }
.LBB2_60:
0x1d7: {  	[tilespmem:s3], [sflag:$0x2] =	stream.linear.gather [hbm4b:s2+s1], $0x80, $0x38;
	[tilespmem:$0xFB00] =	vst v63  }
0x1d8: {  	s2 =	smov.u32 s4;
	s3 =	smov.u32 s29;
	p0 =	sne.s32 s4, $0x7C80  }
.Ltmp29:
0x1d9: {  	s4 =	sadd.s32 $0x80, s4;
	(pc) =	sbr.rel @p0 .LBB2_60-.Ltmp29, $2  }
0x1da: {  	_ =	sdelay $0x2  }
0x1db: {  	s29 =	sadd.s32 $0x100, s29;
	s2 =	sadd.s32 s2, s30  }
0x1dc: {  	[tilespmem:s3], [sflag:$0x2] =	stream.linear.gather [hbm4b:s2+s1], $0x80, $0x38;
	[tilespmem:$0xFB00] =	vst v63  }
0x1dd: {  	_ =	swait.ge [sflag:s31], $0x7D00  }
0x1de: {  	s3 =	simm.s32 $0x100;
	s4 =	simm.s32 $0x80;
	[sflag:s31] =	ssyncset.done $0x0  }
0x1df: {  	s2 =	sadd.s32 $0x0, s20;
	s29 =	simm.s32 $0x200;
	[sflag:s31] =	ssyncadd.s32 $0xFFFF8300  }
.LBB2_62:
0x1e0: {  	[hbm4b:s2+s1] =	stream.linear.scatter [tilespmem:s3], [sflag:$0x3], $0x80, $0x38;
	[tilespmem:$0xFB00] =	vst v63  }
0x1e1: {  	s2 =	smov.u32 s4;
	s3 =	smov.u32 s29;
	p0 =	sne.s32 s4, $0x7C80  }
.Ltmp30:
0x1e2: {  	s4 =	sadd.s32 $0x80, s4;
	(pc) =	sbr.rel @p0 .LBB2_62-.Ltmp30, $2  }
0x1e3: {  	_ =	sdelay $0x2  }
0x1e4: {  	s29 =	sadd.s32 $0x100, s29;
	s2 =	sadd.s32 s2, s20  }
0x1e5: {  	[hbm4b:s2+s1] =	stream.linear.scatter [tilespmem:s3], [sflag:$0x3], $0x80, $0x38;
	[tilespmem:$0xFB00] =	vst v63  }
0x1e6: {  	_ =	swait.ge [sflag:s23], $0x7D00  }
0x1e7: {  	[sflag:s23] =	ssyncset.done $0x0  }
0x1e8: {  	s3 =	rddreg [dreg:$0x3];
	[sflag:s23] =	ssyncadd.s32 $0xFFFF8300  }
0x1e9: {  	v0 =	vld [tilespmem:s3+$0x3];
	_ =	sdelay $0x4  }
0x1ea: {  	(v2sf) =	vpush v0, $0x0;
	_ =	sdelay $0xe  }
0x1eb: {  	s2 =	spop (v2sf)  }
0x1ec: {  	s4 =	sshrl.u32 s2, $0x3  }
0x1ed: {  	s2 =	sshll.u32 s2, $0x7;
	s3 =	smul.u32 $0x138800, s4  }
0x1ee: {  	s2 =	sand.u32 $0x380, s2  }
0x1ef: {  	s2 =	sor.u32 s2, s3  }
0x1f0: {  	s2 =	sadd.s32 $0x3E800, s2  }
0x1f1: {  	s2 =	sshrl.u32 s2, $0x3  }
0x1f2: {  	s29 =	simm.s32 $0x200;
	s30 =	sadd.s32 s25, s2  }
0x1f3: {  	s4 =	simm.s32 $0x80;
	s3 =	simm.s32 $0x100;
	s2 =	sadd.s32 $0x0, s30  }
.LBB2_64:
0x1f4: {  	[tilespmem:s3], [sflag:$0x1] =	stream.linear.gather [hbm4b:s2+s1], $0x80, $0x38;
	[tilespmem:$0xFB00] =	vst v63  }
0x1f5: {  	s2 =	smov.u32 s4;
	s3 =	smov.u32 s29;
	p0 =	sne.s32 s4, $0x7C80  }
.Ltmp31:
0x1f6: {  	s4 =	sadd.s32 $0x80, s4;
	(pc) =	sbr.rel @p0 .LBB2_64-.Ltmp31, $2  }
0x1f7: {  	_ =	sdelay $0x2  }
0x1f8: {  	s29 =	sadd.s32 $0x100, s29;
	s2 =	sadd.s32 s2, s30  }
0x1f9: {  	[tilespmem:s3], [sflag:$0x1] =	stream.linear.gather [hbm4b:s2+s1], $0x80, $0x38;
	[tilespmem:$0xFB00] =	vst v63  }
0x1fa: {  	_ =	swait.ge [sflag:s0], $0x7D00  }
0x1fb: {  	s3 =	simm.s32 $0x180;
	s4 =	simm.s32 $0x80;
	[sflag:s0] =	ssyncset.done $0x0  }
0x1fc: {  	s2 =	sadd.s32 $0x0, s21;
	s29 =	simm.s32 $0x280;
	[sflag:s0] =	ssyncadd.s32 $0xFFFF8300  }
.LBB2_66:
0x1fd: {  	[hbm4b:s2+s1] =	stream.linear.scatter [tilespmem:s3], [sflag:$0x4], $0x80, $0x38;
	[tilespmem:$0xFB00] =	vst v63  }
0x1fe: {  	s2 =	smov.u32 s4;
	s3 =	smov.u32 s29;
	p0 =	sne.s32 s4, $0x7C80  }
.Ltmp32:
0x1ff: {  	s4 =	sadd.s32 $0x80, s4;
	(pc) =	sbr.rel @p0 .LBB2_66-.Ltmp32, $2  }
0x200: {  	_ =	sdelay $0x2  }
0x201: {  	s29 =	sadd.s32 $0x100, s29;
	s2 =	sadd.s32 s2, s21  }
0x202: {  	[hbm4b:s2+s1] =	stream.linear.scatter [tilespmem:s3], [sflag:$0x4], $0x80, $0x38;
	[tilespmem:$0xFB00] =	vst v63  }
0x203: {  	_ =	swait.ge [sflag:s5], $0x7D00  }
0x204: {  	[sflag:s5] =	ssyncset.done $0x0  }
0x205: {  	s3 =	rddreg [dreg:$0x3];
	[sflag:s5] =	ssyncadd.s32 $0xFFFF8300  }
0x206: {  	v0 =	vld [tilespmem:s3+$0x3];
	_ =	sdelay $0x4  }
0x207: {  	(v2sf) =	vpush v0, $0x0;
	_ =	sdelay $0xe  }
0x208: {  	s2 =	spop (v2sf)  }
0x209: {  	s4 =	sshrl.u32 s2, $0x3  }
0x20a: {  	s2 =	sshll.u32 s2, $0x7;
	s3 =	smul.u32 $0x138800, s4  }
0x20b: {  	s2 =	sand.u32 $0x380, s2  }
0x20c: {  	s2 =	sor.u32 s2, s3  }
0x20d: {  	s2 =	sadd.s32 $0x7D000, s2  }
0x20e: {  	s2 =	sshrl.u32 s2, $0x3  }
0x20f: {  	s29 =	simm.s32 $0x280;
	s30 =	sadd.s32 s25, s2  }
0x210: {  	s4 =	simm.s32 $0x80;
	s3 =	simm.s32 $0x180;
	s2 =	sadd.s32 $0x0, s30  }
.LBB2_68:
0x211: {  	[tilespmem:s3], [sflag:$0x2] =	stream.linear.gather [hbm4b:s2+s1], $0x80, $0x38;
	[tilespmem:$0xFB00] =	vst v63  }
0x212: {  	s2 =	smov.u32 s4;
	s3 =	smov.u32 s29;
	p0 =	sne.s32 s4, $0x7C80  }
.Ltmp33:
0x213: {  	s4 =	sadd.s32 $0x80, s4;
	(pc) =	sbr.rel @p0 .LBB2_68-.Ltmp33, $2  }
0x214: {  	_ =	sdelay $0x2  }
0x215: {  	s29 =	sadd.s32 $0x100, s29;
	s2 =	sadd.s32 s2, s30  }
0x216: {  	[tilespmem:s3], [sflag:$0x2] =	stream.linear.gather [hbm4b:s2+s1], $0x80, $0x38;
	[tilespmem:$0xFB00] =	vst v63  }
0x217: {  	_ =	swait.ge [sflag:s31], $0x7D00  }
0x218: {  	s3 =	simm.s32 $0x100;
	s4 =	simm.s32 $0x80;
	[sflag:s31] =	ssyncset.done $0x0  }
0x219: {  	s2 =	sadd.s32 $0x0, s22;
	s29 =	simm.s32 $0x200;
	[sflag:s31] =	ssyncadd.s32 $0xFFFF8300  }
.LBB2_70:
0x21a: {  	[hbm4b:s2+s1] =	stream.linear.scatter [tilespmem:s3], [sflag:$0x3], $0x80, $0x38;
	[tilespmem:$0xFB00] =	vst v63  }
0x21b: {  	s2 =	smov.u32 s4;
	s3 =	smov.u32 s29;
	p0 =	sne.s32 s4, $0x7C80  }
.Ltmp34:
0x21c: {  	s4 =	sadd.s32 $0x80, s4;
	(pc) =	sbr.rel @p0 .LBB2_70-.Ltmp34, $2  }
0x21d: {  	_ =	sdelay $0x2  }
0x21e: {  	s29 =	sadd.s32 $0x100, s29;
	s2 =	sadd.s32 s2, s22  }
0x21f: {  	[hbm4b:s2+s1] =	stream.linear.scatter [tilespmem:s3], [sflag:$0x3], $0x80, $0x38;
	[tilespmem:$0xFB00] =	vst v63  }
0x220: {  	_ =	swait.ge [sflag:s23], $0x7D00  }
0x221: {  	[sflag:s23] =	ssyncset.done $0x0  }
0x222: {  	s3 =	rddreg [dreg:$0x3];
	[sflag:s23] =	ssyncadd.s32 $0xFFFF8300  }
0x223: {  	v0 =	vld [tilespmem:s3+$0x3];
	_ =	sdelay $0x4  }
0x224: {  	(v2sf) =	vpush v0, $0x0;
	_ =	sdelay $0xe  }
0x225: {  	s2 =	spop (v2sf)  }
0x226: {  	s4 =	sshrl.u32 s2, $0x3  }
0x227: {  	s2 =	sshll.u32 s2, $0x7;
	s3 =	smul.u32 $0x138800, s4  }
0x228: {  	s2 =	sand.u32 $0x380, s2  }
0x229: {  	s2 =	sor.u32 s2, s3  }
0x22a: {  	s2 =	sadd.s32 $0xBB800, s2  }
0x22b: {  	s2 =	sshrl.u32 s2, $0x3  }
0x22c: {  	s29 =	simm.s32 $0x200;
	s30 =	sadd.s32 s25, s2  }
0x22d: {  	s4 =	simm.s32 $0x80;
	s3 =	simm.s32 $0x100;
	s2 =	sadd.s32 $0x0, s30  }
.LBB2_72:
0x22e: {  	[tilespmem:s3], [sflag:$0x1] =	stream.linear.gather [hbm4b:s2+s1], $0x80, $0x38;
	[tilespmem:$0xFB00] =	vst v63  }
0x22f: {  	s2 =	smov.u32 s4;
	s3 =	smov.u32 s29;
	p0 =	sne.s32 s4, $0x7C80  }
.Ltmp35:
0x230: {  	s4 =	sadd.s32 $0x80, s4;
	(pc) =	sbr.rel @p0 .LBB2_72-.Ltmp35, $2  }
0x231: {  	_ =	sdelay $0x2  }
0x232: {  	s29 =	sadd.s32 $0x100, s29;
	s2 =	sadd.s32 s2, s30  }
0x233: {  	[tilespmem:s3], [sflag:$0x1] =	stream.linear.gather [hbm4b:s2+s1], $0x80, $0x38;
	[tilespmem:$0xFB00] =	vst v63  }
0x234: {  	_ =	swait.ge [sflag:s0], $0x7D00  }
0x235: {  	s3 =	simm.s32 $0x180;
	s4 =	simm.s32 $0x80;
	[sflag:s0] =	ssyncset.done $0x0  }
0x236: {  	s2 =	sadd.s32 $0x0, s24;
	s29 =	simm.s32 $0x280;
	[sflag:s0] =	ssyncadd.s32 $0xFFFF8300  }
.LBB2_74:
0x237: {  	[hbm4b:s2+s1] =	stream.linear.scatter [tilespmem:s3], [sflag:$0x4], $0x80, $0x38;
	[tilespmem:$0xFB00] =	vst v63  }
0x238: {  	s2 =	smov.u32 s4;
	s3 =	smov.u32 s29;
	p0 =	sne.s32 s4, $0x7C80  }
.Ltmp36:
0x239: {  	s4 =	sadd.s32 $0x80, s4;
	(pc) =	sbr.rel @p0 .LBB2_74-.Ltmp36, $2  }
0x23a: {  	_ =	sdelay $0x2  }
0x23b: {  	s29 =	sadd.s32 $0x100, s29;
	s2 =	sadd.s32 s2, s24  }
0x23c: {  	[hbm4b:s2+s1] =	stream.linear.scatter [tilespmem:s3], [sflag:$0x4], $0x80, $0x38;
	[tilespmem:$0xFB00] =	vst v63  }
0x23d: {  	_ =	swait.ge [sflag:s5], $0x7D00  }
0x23e: {  	[sflag:s5] =	ssyncset.done $0x0  }
0x23f: {  	s3 =	rddreg [dreg:$0x3];
	[sflag:s5] =	ssyncadd.s32 $0xFFFF8300  }
0x240: {  	v0 =	vld [tilespmem:s3+$0x3];
	_ =	sdelay $0x4  }
0x241: {  	(v2sf) =	vpush v0, $0x0;
	_ =	sdelay $0xe  }
0x242: {  	s2 =	spop (v2sf)  }
0x243: {  	s4 =	sshrl.u32 s2, $0x3  }
0x244: {  	s2 =	sshll.u32 s2, $0x7;
	s3 =	smul.u32 $0x138800, s4  }
0x245: {  	s2 =	sand.u32 $0x380, s2  }
0x246: {  	s2 =	sor.u32 s2, s3  }
0x247: {  	s2 =	sadd.s32 $0xFA000, s2  }
0x248: {  	s2 =	sshrl.u32 s2, $0x3  }
0x249: {  	s29 =	simm.s32 $0x280;
	s30 =	sadd.s32 s25, s2  }
0x24a: {  	s4 =	simm.s32 $0x80;
	s3 =	simm.s32 $0x180;
	s2 =	sadd.s32 $0x0, s30  }
.LBB2_76:
0x24b: {  	[tilespmem:s3], [sflag:$0x2] =	stream.linear.gather [hbm4b:s2+s1], $0x80, $0x38;
	[tilespmem:$0xFB00] =	vst v63  }
0x24c: {  	s2 =	smov.u32 s4;
	s3 =	smov.u32 s29;
	p0 =	sne.s32 s4, $0x7C80  }
.Ltmp37:
0x24d: {  	s4 =	sadd.s32 $0x80, s4;
	(pc) =	sbr.rel @p0 .LBB2_76-.Ltmp37, $2  }
0x24e: {  	_ =	sdelay $0x2  }
0x24f: {  	s29 =	sadd.s32 $0x100, s29;
	s2 =	sadd.s32 s2, s30  }
0x250: {  	[tilespmem:s3], [sflag:$0x2] =	stream.linear.gather [hbm4b:s2+s1], $0x80, $0x38;
	[tilespmem:$0xFB00] =	vst v63  }
0x251: {  	_ =	swait.ge [sflag:s31], $0x7D00  }
0x252: {  	s3 =	simm.s32 $0x100;
	s4 =	simm.s32 $0x80;
	[sflag:s31] =	ssyncset.done $0x0  }
0x253: {  	s2 =	sadd.s32 $0x0, s26;
	s29 =	simm.s32 $0x200;
	[sflag:s31] =	ssyncadd.s32 $0xFFFF8300  }
.LBB2_78:
0x254: {  	[hbm4b:s2+s1] =	stream.linear.scatter [tilespmem:s3], [sflag:$0x3], $0x80, $0x38;
	[tilespmem:$0xFB00] =	vst v63  }
0x255: {  	s2 =	smov.u32 s4;
	s3 =	smov.u32 s29;
	p0 =	sne.s32 s4, $0x7C80  }
.Ltmp38:
0x256: {  	s4 =	sadd.s32 $0x80, s4;
	(pc) =	sbr.rel @p0 .LBB2_78-.Ltmp38, $2  }
0x257: {  	_ =	sdelay $0x2  }
0x258: {  	s29 =	sadd.s32 $0x100, s29;
	s2 =	sadd.s32 s2, s26  }
0x259: {  	[hbm4b:s2+s1] =	stream.linear.scatter [tilespmem:s3], [sflag:$0x3], $0x80, $0x38;
	[tilespmem:$0xFB00] =	vst v63  }
0x25a: {  	_ =	swait.ge [sflag:s0], $0x7D00  }
0x25b: {  	s3 =	simm.s32 $0x180;
	s4 =	simm.s32 $0x80;
	[sflag:s0] =	ssyncset.done $0x0  }
0x25c: {  	s2 =	sadd.s32 $0x0, s28;
	s29 =	simm.s32 $0x280;
	[sflag:s0] =	ssyncadd.s32 $0xFFFF8300  }
.LBB2_80:
0x25d: {  	[hbm4b:s2+s1] =	stream.linear.scatter [tilespmem:s3], [sflag:$0x4], $0x80, $0x38;
	[tilespmem:$0xFB00] =	vst v63  }
0x25e: {  	s2 =	smov.u32 s4;
	s3 =	smov.u32 s29;
	p0 =	sne.s32 s4, $0x7C80  }
.Ltmp39:
0x25f: {  	s4 =	sadd.s32 $0x80, s4;
	(pc) =	sbr.rel @p0 .LBB2_80-.Ltmp39, $2  }
0x260: {  	_ =	sdelay $0x2  }
0x261: {  	s29 =	sadd.s32 $0x100, s29;
	s2 =	sadd.s32 s2, s28  }
0x262: {  	[hbm4b:s2+s1] =	stream.linear.scatter [tilespmem:s3], [sflag:$0x4], $0x80, $0x38;
	[tilespmem:$0xFB00] =	vst v63  }
0x263: {  	_ =	swait.ge [sflag:s23], $0x7D00  }
0x264: {  	[sflag:s23] =	ssyncset.done $0x0  }
0x265: {  	[sflag:s23] =	ssyncadd.s32 $0xFFFF8300  }
0x266: {  	_ =	swait.ge [sflag:s5], $0x7D00  }
0x267: {  	s29 =	rddreg [dreg:$0x7]  }
0x268: {  	s30 =	rddreg [dreg:$0x6];
	s3 =	sadd.s32 $0x1, s29  }
0x269: {  	p0 =	sne.s32 s3, s30  }
.Ltmp40:
0x26a: {  	_ = 	snop;
	(pc) =	sbr.rel @p0 .LBB2_1-.Ltmp40, $3  }
0x26b: {  	_ =	sdelay $0x1  }
0x26c: {  	[sflag:s5] =	ssyncset.done $0x0  }
0x26d: {  	[sflag:s5] =	ssyncadd.s32 $0xFFFF8300  }
0x26e: {  	_ =	sfence.sel $0x180000  }
0x26f: {  	[bflag:$0x0] =	sbarrier.arrive $0xFFFF  }
0x270: {  	_ =	strace $0x9000004A  }
0x271: {  	s0 =	stileid.u32;
	[bflag:$0x2] =	sbarrier.arrive $0xFFFF  }
0x272: {  	p0 =	sne.s32 s0, $0x0;
	s0 =	rddreg [dreg:$0x2]  }
0x273: {  	s0 =	sadd.s32 @!p0 $0x100000, s0  }
0x274: {  	[sflag:s0] =	ssyncadd.tile.s32 @!p0 $0x1;
	_ =	shalt  }
.Lfunc_end2:
_tile_overlayer_lowered:
.L_overlay_start_2:
0x275: {  	(tag) =	ssettag $0x2  }
0x276: {  	s0 =	rddreg [dreg:$0x0];
	s2 =	stileid.u32  }
0x277: {  	s1 =	rddreg [dreg:$0x1];
	p0 =	sne.s32 s2, $0x0  }
0x278: {  	s3 =	rddreg [dreg:$0x2];
	[bflag:$0x3] =	sbarrier.arrive $0xFFFF;
	s2 =	simm.s32 @!p0 $0x1C05  }
0x279: {  	[timem:s3], [sflag:s2] =	dma.local @!p0 [hbm:s0], s1  }
0x27a: {  	s0 =	simm.s32 @!p0 $0x5  }
0x27b: {  	_ =	swait.ge @!p0 [sflag:s0], s1  }
0x27c: {  	s1 =	ssub.s32 @!p0 $0x0, s1;
	[sflag:s0] =	ssyncset.done @!p0 $0x0  }
0x27d: {  	[sflag:s0] =	ssyncadd.s32 @!p0 s1  }
0x27e: {  	[bflag:$0x3] =	sbarrier.arrive $0xFFFF  }
0x27f: {  	_ =	shalt  }

// kernel: sparse-core-data-format-call.1.cloned.1.call-start
scs
called_computation.1_lowered:
.L_overlay_start_0:
0x0: {  	s2 =	sld [smem:$0x3FD9]  }
0x1: {  	s3 =	sld [smem:$0x3FFE];
	_ =	sdelay $0x1  }
0x2: {  	s1 =	srdreg.scid  }
0x3: {  	s0 =	sand.u32 $0x1, s1  }
0x4: {  	s19 =	sshll.u32 s0, $0xA;
	s2 =	sadd.s32 s3, s2  }
0x5: {  	s2 =	sadd.s32 s2, s19  }
0x6: {  	[smem:$0x3FC7] =	sst s2  }
0x7: {  	_ = 	snop  }
0x8: {  	s2 =	sld [smem:$0x3FC9]  }
0x9: {  	s20 =	sld [smem:$0x3FD0];
	(tm) =	ssettm $0x1  }
0xa: {  	s4 =	sld [smem:$0x3FFB];
	_ =	sdelay $0x3  }
0xb: {  	_ =	strace s4  }
0xc: {  	s4 =	sld [smem:$0x3FFC];
	_ =	sdelay $0x3  }
0xd: {  	_ =	strace s4  }
0xe: {  	s4 =	sld [smem:$0x3FFD];
	_ =	sdelay $0x3  }
0xf: {  	_ =	strace s4  }
0x10: {  	_ =	strace $0x8FFFFFFF  }
0x11: {  	s21 =	sld [smem:$0x3FDB];
	_ =	sdelay $0x1  }
0x12: {  	s5 =	simm.s32 $_scs_section_size  }
0x13: {  	s6 =	simm.s32 $_size__tile_overlayer_lowered;
	s7 =	simm.s32 $_tile_overlayer_lowered  }
0x14: {  	s24 =	simm.s32 $0x1BFF;
	s23 =	sshll.u32 s7, $0x1;
	s4 =	sadd.s32 s5, s21  }
0x15: {  	s8 =	simm.s32 $0x0;
	s22 =	sshll.u32 s6, $0x1;
	s6 =	sadd.s32 s23, s4  }
0x16: {  	[timem:s8], [sflag:s24] =	dma.local [hbm:s6], s22  }
0x17: {  	_ =	swait.ge [sflag:s24], s22  }
0x18: {  	s5 =	ssub.s32 $0x0, s22;
	[sflag:s24] =	ssyncset.done $0x0  }
0x19: {  	[sflag:s24] =	ssyncadd.s32 s5;
	_ =	sdelay $0x1  }
0x1a: {  	s25 =	simm.s32 $0x1B8B  }
0x1b: {  	_ =	swait.ge [sflag:s25], $0x1  }
0x1c: {  	[sflag:s25] =	ssyncset.done $0x0  }
0x1d: {  	s26 =	simm.s32 $0x1B8E;
	[sflag:s25] =	ssyncadd.s32 $0xFFFFFFFF  }
0x1e: {  	s27 =	simm.s32 $execute0_lowered;
	[smem:$0x3FD2] =	sst s26  }
0x1f: {  	s5 =	sshll.u32 s27, $0x1;
	_ =	strace $0x80000046;
	[dreg:$0x1] =	wrdreg $0xFFFFFFFF  }
0x20: {  	s28 =	simm.s32 $_size_execute0_lowered;
	s4 =	sadd.s32 s4, s5;
	[dreg:$0x0] =	wrdreg $0x0  }
0x21: {  	s5 =	sshll.u32 s28, $0x1;
	[dreg:$0x2] =	wrdreg s4  }
0x22: {  	[dreg:$0x3] =	wrdreg s5  }
0x23: {  	[dreg:$0x4] =	wrdreg $0xC0  }
0x24: {  	_ =	task [dreg:s8], $0x5FFFF  }
0x25: {  	[dreg:$0x1] =	wrdreg $0xFFFFFFFF  }
0x26: {  	[dreg:$0x0] =	wrdreg $0x60  }
0x27: {  	[dreg:$0x2] =	wrdreg s2  }
0x28: {  	[dreg:$0x3] =	wrdreg s20  }
0x29: {  	[dreg:$0x4] =	wrdreg $0x9  }
0x2a: {  	_ =	task.clear_ibuf [dreg:s8], $0x5FFFF;
	_ =	strace $0x90000046  }
0x2b: {  	s29 =	simm.s32 $0x9;
	_ =	strace $0x80000048  }
0x2c: {  	_ =	swait.ge [sflag:s29], $0x1  }
0x2d: {  	[sflag:s29] =	ssyncadd.s32 $0xFFFFFFFF  }
0x2e: {  	_ =	strace $0x90000048  }
0x2f: {  	_ =	sfence  }
0x30: {  	s30 =	sld [smem:$0x0];
	_ =	sdelay $0x2  }
0x31: {  	s31 =	sshll.u32 s1, $0xD;
	s1 =	sshrl.u32 s1, $0x2  }
0x32: {  	s3 =	sand.u32 $0x4000, s31;
	s1 =	sadd.s32 s1, s30  }
0x33: {  	s0 =	sor.u32 s3, s0;
	s1 =	sshll.u32 s1, $0x11  }
0x34: {  	s0 =	sor.u32 s1, s0  }
0x35: {  	s0 =	sadd.s32 $0x8F2B, s0  }
0x36: {  	[sflag:s0] =	ssyncadd.remote.s32 $0x1  }
0x37: {  	_ =	sfence.sel $0xFFFF  }
0x38: {  	[dreg:$0x0] =	wrdreg $0xFFFFFFFF;
	(pc) =	sbr.abs _section_cstart, $3  }
0x39: {  	[dreg:$0x1] =	wrdreg $0xFFFFFFFF  }
0x3a: {  	_ =	task.clear_ibuf [dreg:s8], $0x2FFFF;
	_ =	strace $0x9FFFFFFF  }
0x3b: {  	(tm) =	ssettm $0x7FFFFFFF  }
tec
execute0_lowered:
.L_overlay_start_1:
0x0: {  	(tag) =	ssettag $0x1  }
0x1: {  	s0 =	stileid.u32;
	s1 =	srdreg.scid  }
0x2: {  	s5 =	rddreg [dreg:$0x1];
	s31 =	simm.s32 $0x2;
	s16 =	simm.s32 $0x0  }
0x3: {  	s10 =	simm.s32 $0x0;
	s2 =	sshll.u32 s0, $0x7;
	s1 =	sshll.u32 s1, $0xB  }
0x4: {  	s17 =	simm.s32 $0x0;
	s15 =	simm.s32 $0x0;
	s1 =	sor.u32 s2, s1  }
0x5: {  	s12 =	simm.s32 $0x0;
	s3 =	sand.u32 $0x1, s0;
	s1 =	sand.u32 $0xF00, s1  }
0x6: {  	s14 =	simm.s32 $0x0;
	s6 =	ssub.s32 $0x2, s3;
	s4 =	ssub.s32 $0x27100, s1  }
0x7: {  	s2 =	rddreg [dreg:$0x0];
	s8 =	sshrl.u32 s6, $0x1;
	s7 =	sand.u32 $0xF00, s4  }
0x8: {  	s6 =	sand.u32 $0x1, s6;
	p0 =	sne.s32 s7, $0x0;
	s7 =	simm.s32 $0x1  }
.Ltmp0:
0x9: {  	s9 =	sshrl.u32 s4, $0xC;
	s7 =	simm.s32 @!p0 $0x0;
	(pc) =	sbr.rel .LBB1_1-.Ltmp0, $4  }
0xa: {  	s8 =	sadd.s32 s6, s8;
	s6 =	simm.s32 $0x1;
	s7 =	sadd.s32 s7, s9  }
0xb: {  	s4 =	rddreg [dreg:$0x2];
	_ =	strace $0x80000047;
	s7 =	smul.u32 s8, s7  }
0xc: {  	s13 =	smov.u32 s3;
	s11 =	smov.u32 s1;
	[sflag:s6] =	ssyncpa.u1 $0x0  }
0xd: {  	[sflag:s31] =	ssyncpa.u1 $0x0;
	s9 =	simm.s32 $0x138800;
	s8 =	sadd.s32 $0x1, s7  }
.LBB1_4:
0xe: {  	_ =	sdelay $0x3  }
0xf: {  	[tilespmem:v0+s20+$0x420 ss:$0x1] =	vst.idx.msk $0xffff, v4  }
0x10: {  	[tilespmem:v0+s20+$0x430 ss:$0x1] =	vst.idx.msk $0xffff, v7  }
0x11: {  	[tilespmem:v0+s20+$0x440 ss:$0x1] =	vst.idx.msk $0xffff, v3;
	v57 =	vld [tilespmem:s19+$0x10]  }
0x12: {  	s21 =	sadd.s32 $0x80, s21;
	[tilespmem:s22+$0x0] =	vst v5;
	v58 =	vld [tilespmem:s19+$0x20]  }
0x13: {  	s23 =	sand.u32 $0x3800, s24;
	[tilespmem:v0+s20+$0x450 ss:$0x1] =	vst.idx.msk $0xffff, v2;
	v59 =	vld [tilespmem:s19+$0x30];
	s30 =	sand.u32 $0x380, s21  }
0x14: {  	[tilespmem:v0+s20+$0x460 ss:$0x1] =	vst.idx.msk $0xffff, v1;
	v60 =	vld [tilespmem:s19+$0x40];
	s23 =	sor.u32 s30, s23  }
0x15: {  	v62 =	vld [tilespmem:s19+$0x50];
	[tilespmem:v0+s23+$0x470 ss:$0x1] =	vst.idx.msk $0xffff, v6  }
0x16: {  	s24 =	sshrl.u32 s17, $0x3;
	s25 =	sshll.u32 s16, $0x3;
	v63 =	vld [tilespmem:s19+$0x60];
	s31 =	sand.u32 $0x3B00, s23;
	[tilespmem:v0+s23+$0x410 ss:$0x1] =	vst.idx.msk $0xffff, v57  }
0x17: {  	v49 =	vld [tilespmem:s19+$0xFFFFFF90];
	s21 =	sand.u32 $0x80, s21;
	s20 =	smul.u32 $0x138800, s24;
	s22 =	sadd.s32 s31, s18;
	[tilespmem:v0+s23+$0x420 ss:$0x1] =	vst.idx.msk $0xffff, v58  }
0x18: {  	v50 =	vld [tilespmem:s19+$0xFFFFFFA0];
	s26 =	sshll.u32 s17, $0x7;
	s21 =	sadd.s32 s21, s22;
	s22 =	sand.u32 $0xFFFFFC00, s25;
	[tilespmem:v0+s23+$0x430 ss:$0x1] =	vst.idx.msk $0xffff, v59  }
0x19: {  	v51 =	vld [tilespmem:s19+$0xFFFFFFB0];
	s17 =	sand.u32 $0x380, s26;
	[tilespmem:v0+s23+$0x440 ss:$0x1] =	vst.idx.msk $0xffff, v60;
	s20 =	sadd.s32 s20, s22  }
0x1a: {  	v52 =	vld [tilespmem:s19+$0xFFFFFFC0];
	s27 =	sand.u32 $0x7F, s16;
	[tilespmem:v0+s23+$0x450 ss:$0x1] =	vst.idx.msk $0xffff, v62;
	s17 =	sor.u32 s17, s20  }
0x1b: {  	v53 =	vld [tilespmem:s19+$0xFFFFFFD0];
	[tilespmem:v0+s23+$0x460 ss:$0x1] =	vst.idx.msk $0xffff, v63;
	s16 =	sor.u32 s27, s17  }
0x1c: {  	v54 =	vld [tilespmem:s19+$0xFFFFFFE0];
	[tilespmem:s21+$0x10] =	vst v49;
	s28 =	smulhi.u32 $0xD1B71759, s16  }
0x1d: {  	v55 =	vld [tilespmem:s19+$0xFFFFFFF0];
	[tilespmem:s21+$0x20] =	vst v50;
	s17 =	smulhi.u32 $0xD1B71759, s17  }
0x1e: {  	v56 =	vld [tilespmem:s19+$0x0];
	[tilespmem:s21+$0x30] =	vst v51;
	s20 =	sshrl.u32 s28, $0x11  }
0x1f: {  	v61 =	vld [tilespmem:s19+$0xFFFFFF80];
	[tilespmem:s21+$0x40] =	vst v52;
	s17 =	sshrl.u32 s17, $0x11;
	s29 =	smul.u32 $0x27100, s20  }
0x20: {  	s15 =	smul.u32 $0x138800, s15;
	[tilespmem:s21+$0x50] =	vst v53;
	s17 =	sand.u32 $0x3F, s17  }
0x21: {  	[tilespmem:s21+$0x60] =	vst v54;
	s17 =	smul.u32 $0x4E20, s17;
	s16 =	ssub.s32 s16, s29  }
0x22: {  	s15 =	sadd.s32 s5, s15;
	[tilespmem:s21+$0x70] =	vst v55;
	s19 =	sand.u32 $0x7, s16  }
0x23: {  	[tilespmem:s21+$0x400] =	vst v56;
	s15 =	sadd.s32 s17, s15;
	s16 =	sshrl.u32 s16, $0x3;
	s30 =	sshll.u32 s19, $0x12  }
0x24: {  	[tilespmem:s21+$0x0] =	vst v61;
	s15 =	sadd.s32 s16, s15;
	s31 =	sor.u32 $0x800, s30  }
0x25: {  	[hbm4b:s15+s31] =	stream.strided.scatter [tilespmem:s18], [sflag:$0x2], $0x4000, s9, s31, $0x38;
	[tilespmem:$0x10000] =	vst v63  }
.LBB1_5:
0x26: {  	s18 =	sadd.s32 $0x1000, s11  }
0x27: {  	s15 =	sadd.s32 $0x40, s12;
	s19 =	smov.u32 s12;
	p1 =	sgt.s32 s18, $0x270FF  }
0x28: {  	s19 =	smov.u32 @p1 s15  }
0x29: {  	s21 =	smov.u32 s13;
	s15 =	sadd.s32 $0x2, s13;
	p2 =	sgt.s32 s19, $0x3F  }
0x2a: {  	s21 =	smov.u32 @p2 s15  }
0x2b: {  	s18 =	smov.u32 @p1 s1;
	p1 =	sgt.s32 s21, $0x1  }
0x2c: {  	p0 =	slt.u32 s14, $0x2;
	s21 =	smov.u32 @p1 s3;
	p1 =	sne.s32 s14, s8  }
.Ltmp1:
0x2d: {  	s20 =	simm.s32 @!p0 $0x2;
	(pc) =	sbr.rel @!p1 .LBB1_6-.Ltmp1, $4  }
0x2e: {  	s16 =	smov.u32 s11;
	s17 =	smov.u32 s12;
	_ =	swait.ge @!p0 [sflag:s20], $0x4000  }
0x2f: {  	s10 =	sadd.s32 $0x4000, s10;
	[sflag:s20] =	ssyncset.done @!p0 $0x0;
	s11 =	smov.u32 s18  }
0x30: {  	s19 =	simm.s32 @p2 $0x0;
	s15 =	smov.u32 s13;
	[sflag:s20] =	ssyncadd.s32 @!p0 $0xFFFFC000  }
0x31: {  	s12 =	smov.u32 s19;
	s14 =	sadd.s32 $0x1, s14;
	s13 =	smov.u32 s21  }
.LBB1_1:
0x32: {  	p0 =	sge.u32 s14, s7  }
0x33: {  	s18 =	smulhi.u32 @!p0 $0xD1B71759, s11;
	_ =	sdelay $0x1  }
0x34: {  	s18 =	sshrl.u32 @!p0 s18, $0x11  }
0x35: {  	s18 =	smul.u32 @!p0 $0x27100, s18  }
0x36: {  	s31 =	sadd.s32 $0xFFFFFFFF, s14;
	s19 =	sxor.u32 @!p0 $0xFFFFFFFF, s14;
	s20 =	smul.u32 @!p0 $0x138800, s13  }
0x37: {  	s21 =	smul.u32 @!p0 $0x4E20, s12;
	s19 =	sshll.u32 @!p0 s19, $0xE;
	s18 =	ssub.s32 @!p0 s11, s18  }
0x38: {  	s19 =	sand.u32 @!p0 $0x4000, s19;
	s20 =	sadd.s32 @!p0 s2, s20;
	s22 =	sand.u32 @!p0 $0x7, s18  }
0x39: {  	s20 =	sadd.s32 @!p0 s21, s20;
	s18 =	sshrl.u32 @!p0 s18, $0x3;
	s21 =	sshll.u32 @!p0 s22, $0x12  }
0x3a: {  	s18 =	sadd.s32 @!p0 s18, s20;
	s20 =	sor.u32 @!p0 $0x100, s21;
	s21 =	simm.s32 @!p0 $0x27100  }
0x3b: {  	[tilespmem:s19], [sflag:$0x1] =	stream.strided.gather @!p0 [hbm4b:s18+s20], $0x4000, s21, s20, $0x38;
	[tilespmem:$0x10000] =	vst v63  }
0x3c: {  	p0 =	sge.u32 s31, s7  }
.Ltmp2:
0x3d: {  	_ = 	snop;
	(pc) =	sbr.rel @p0 .LBB1_5-.Ltmp2, $1  }
0x3e: {  	_ =	sdelay $0x3  }
0x3f: {  	_ =	swait.ge [sflag:s6], $0x4000  }
0x40: {  	s18 =	sand.u32 $0x4000, s10;
	[sflag:s6] =	ssyncset.done $0x0  }
0x41: {  	s31 =	sshll.u32 s14, $0xE;
	s19 =	sor.u32 $0x80, s18;
	[sflag:s6] =	ssyncadd.s32 $0xFFFFC000  }
0x42: {  	s18 =	sand.u32 $0x4000, s31;
	v1 =	vld [tilespmem:s19+$0x70]  }
0x43: {  	s18 =	sor.u32 $0x8000, s18;
	v2 =	vld [tilespmem:s19+$0xFFFFFF90]  }
0x44: {  	s21 =	simm.s32 $0x0;
	v0 =	vmov s18;
	v3 =	vld [tilespmem:s19+$0xFFFFFFA0]  }
0x45: {  	s20 =	sand.u32 $0x3800, s21;
	s22 =	sand.u32 $0x380, s21;
	v4 =	vld [tilespmem:s19+$0xFFFFFFB0]  }
0x46: {  	s20 =	sor.u32 s22, s20;
	v5 =	vld [tilespmem:s19+$0xFFFFFFC0]  }
0x47: {  	s22 =	sand.u32 $0x3B00, s20;
	v6 =	vld [tilespmem:s19+$0xFFFFFFD0]  }
0x48: {  	s23 =	sand.u32 $0x80, s21;
	v8 =	vld [tilespmem:s19+$0xFFFFFFE0];
	s22 =	sadd.s32 s22, s18  }
0x49: {  	v9 =	vld [tilespmem:s19+$0x0];
	s22 =	sadd.s32 s23, s22;
	[tilespmem:v0+s20+$0x470 ss:$0x1] =	vst.idx.msk $0xffff, v1  }
0x4a: {  	v10 =	vld [tilespmem:s19+$0x10];
	[tilespmem:s22+$0x10] =	vst v2  }
0x4b: {  	v7 =	vld [tilespmem:s19+$0x30];
	[tilespmem:s22+$0x20] =	vst v3  }
0x4c: {  	v1 =	vld [tilespmem:s19+$0xFFFFFFF0];
	[tilespmem:s22+$0x30] =	vst v4  }
0x4d: {  	v4 =	vld [tilespmem:s19+$0x20];
	[tilespmem:s22+$0x40] =	vst v5  }
0x4e: {  	[tilespmem:s22+$0x50] =	vst v6;
	v3 =	vld [tilespmem:s19+$0x40]  }
0x4f: {  	[tilespmem:s22+$0x60] =	vst v8;
	v2 =	vld [tilespmem:s19+$0x50]  }
0x50: {  	v5 =	vld [tilespmem:s19+$0xFFFFFF80];
	[tilespmem:s22+$0x400] =	vst v9  }
0x51: {  	[tilespmem:s22+$0x70] =	vst v1;
	v1 =	vld [tilespmem:s19+$0x60];
	s19 =	sadd.s32 $0x100, s19  }
0x52: {  	s24 =	simm.s32 $0x100;
	s23 =	simm.s32 $0x200;
	[tilespmem:v0+s20+$0x410 ss:$0x1] =	vst.idx.msk $0xffff, v10;
	v6 =	vld [tilespmem:s19+$0x70]  }
.LBB1_3:
0x53: {  	p0 =	sne.s32 s23, $0x3F00;
	v8 =	vld [tilespmem:s19+$0xFFFFFF90];
	[tilespmem:v0+s20+$0x420 ss:$0x1] =	vst.idx.msk $0xffff, v4  }
0x54: {  	s21 =	sadd.s32 $0x80, s21;
	v4 =	vld [tilespmem:s19+$0xFFFFFFA0];
	[tilespmem:v0+s20+$0x430 ss:$0x1] =	vst.idx.msk $0xffff, v7  }
0x55: {  	s24 =	sand.u32 $0x3800, s24;
	s25 =	sand.u32 $0x380, s21;
	s26 =	sand.u32 $0x80, s21;
	v7 =	vld [tilespmem:s19+$0xFFFFFFB0];
	[tilespmem:v0+s20+$0x440 ss:$0x1] =	vst.idx.msk $0xffff, v3  }
0x56: {  	s25 =	sor.u32 s25, s24;
	s24 =	smov.u32 s23;
	v3 =	vld [tilespmem:s19+$0xFFFFFFC0];
	[tilespmem:s22+$0x0] =	vst v5  }
0x57: {  	s22 =	sand.u32 $0x3B00, s25;
	v5 =	vld [tilespmem:s19+$0xFFFFFFD0];
	[tilespmem:v0+s25+$0x470 ss:$0x1] =	vst.idx.msk $0xffff, v6  }
0x58: {  	s22 =	sadd.s32 s22, s18;
	v6 =	vld [tilespmem:s19+$0xFFFFFFE0];
	[tilespmem:v0+s20+$0x450 ss:$0x1] =	vst.idx.msk $0xffff, v2  }
0x59: {  	s22 =	sadd.s32 s26, s22;
	v9 =	vld [tilespmem:s19+$0xFFFFFFF0];
	[tilespmem:v0+s20+$0x460 ss:$0x1] =	vst.idx.msk $0xffff, v1;
	s20 =	smov.u32 s25  }
0x5a: {  	[tilespmem:s22+$0x10] =	vst v8;
	v8 =	vld [tilespmem:s19+$0x0]  }
0x5b: {  	[tilespmem:s22+$0x20] =	vst v4;
	v10 =	vld [tilespmem:s19+$0x10]  }
0x5c: {  	[tilespmem:s22+$0x30] =	vst v7;
	v4 =	vld [tilespmem:s19+$0x20]  }
0x5d: {  	[tilespmem:s22+$0x40] =	vst v3;
	v7 =	vld [tilespmem:s19+$0x30]  }
.Ltmp3:
0x5e: {  	[tilespmem:s22+$0x50] =	vst v5;
	v3 =	vld [tilespmem:s19+$0x40];
	(pc) =	sbr.rel @p0 .LBB1_3-.Ltmp3, $4  }
0x5f: {  	[tilespmem:s22+$0x60] =	vst v6;
	v2 =	vld [tilespmem:s19+$0x50]  }
0x60: {  	[tilespmem:s22+$0x70] =	vst v9;
	v1 =	vld [tilespmem:s19+$0x60]  }
0x61: {  	v5 =	vld [tilespmem:s19+$0xFFFFFF80];
	[tilespmem:s22+$0x400] =	vst v8;
	s19 =	sadd.s32 $0x100, s19  }
0x62: {  	s23 =	sadd.s32 $0x100, s23;
	v6 =	vld [tilespmem:s19+$0x70];
	[tilespmem:v0+s20+$0x410 ss:$0x1] =	vst.idx.msk $0xffff, v10  }
.Ltmp4:
0x63: {  	_ = 	snop;
	(pc) =	sbr.rel .LBB1_4-.Ltmp4, $1  }
0x64: {  	_ =	sdelay $0x3  }
.LBB1_6:
0x65: {  	_ =	sfence.sel $0x180000  }
0x66: {  	s1 =	simm.s32 $0x1;
	[bflag:$0x0] =	sbarrier.arrive $0xFFFF  }
0x67: {  	s31 =	simm.s32 $0x2;
	[sflag:s1] =	ssyncpa.u1 $0x1  }
0x68: {  	[sflag:s31] =	ssyncpa.u1 $0x1  }
0x69: {  	p0 =	sne.s32 s0, $0x0;
	_ =	strace $0x90000047  }
0x6a: {  	s0 =	sadd.s32 @!p0 $0x100000, s4;
	[bflag:$0x2] =	sbarrier.arrive $0xFFFF  }
0x6b: {  	[sflag:s0] =	ssyncadd.tile.s32 @!p0 $0x1;
	_ =	shalt  }
.Lfunc_end1:
_tile_overlayer_lowered:
.L_overlay_start_2:
0x6c: {  	(tag) =	ssettag $0x2  }
0x6d: {  	s0 =	rddreg [dreg:$0x0];
	s2 =	stileid.u32  }
0x6e: {  	s1 =	rddreg [dreg:$0x1];
	p0 =	sne.s32 s2, $0x0  }
0x6f: {  	s3 =	rddreg [dreg:$0x2];
	[bflag:$0x3] =	sbarrier.arrive $0xFFFF;
	s2 =	simm.s32 @!p0 $0x1C01  }
0x70: {  	[timem:s3], [sflag:s2] =	dma.local @!p0 [hbm:s0], s1  }
0x71: {  	s0 =	simm.s32 @!p0 $0x1  }
0x72: {  	_ =	swait.ge @!p0 [sflag:s0], s1  }
0x73: {  	s1 =	ssub.s32 @!p0 $0x0, s1;
	[sflag:s0] =	ssyncset.done @!p0 $0x0  }
0x74: {  	[sflag:s0] =	ssyncadd.s32 @!p0 s1  }
0x75: {  	[bflag:$0x3] =	sbarrier.arrive $0xFFFF  }
0x76: {  	_ =	shalt  }

// kernel: sparse-core-data-format-call.cloned.1.call-start
scs
called_computation_lowered:
.L_overlay_start_0:
0x0: {  	s2 =	sld [smem:$0x3FD9]  }
0x1: {  	s3 =	sld [smem:$0x3FFE];
	_ =	sdelay $0x1  }
0x2: {  	s1 =	srdreg.scid  }
0x3: {  	s0 =	sand.u32 $0x1, s1  }
0x4: {  	s18 =	sshll.u32 s0, $0xA;
	s2 =	sadd.s32 s3, s2  }
0x5: {  	s2 =	sadd.s32 s2, s18  }
0x6: {  	[smem:$0x3FC7] =	sst s2  }
0x7: {  	_ = 	snop  }
0x8: {  	s2 =	sld [smem:$0x3FD0];
	(tm) =	ssettm $0x1  }
0x9: {  	s19 =	sld [smem:$0x3FFB];
	_ =	sdelay $0x3  }
0xa: {  	_ =	strace s19  }
0xb: {  	s3 =	sld [smem:$0x3FFC];
	_ =	sdelay $0x3  }
0xc: {  	_ =	strace s3  }
0xd: {  	s3 =	sld [smem:$0x3FFD];
	_ =	sdelay $0x3  }
0xe: {  	_ =	strace s3  }
0xf: {  	_ =	strace $0x8FFFFFFF  }
0x10: {  	s20 =	sld [smem:$0x3FDB];
	_ =	sdelay $0x1  }
0x11: {  	s4 =	simm.s32 $_scs_section_size  }
0x12: {  	s5 =	simm.s32 $_size__tile_overlayer_lowered;
	s6 =	simm.s32 $_tile_overlayer_lowered  }
0x13: {  	s23 =	simm.s32 $0x1BFF;
	s22 =	sshll.u32 s6, $0x1;
	s3 =	sadd.s32 s4, s20  }
0x14: {  	s7 =	simm.s32 $0x0;
	s21 =	sshll.u32 s5, $0x1;
	s5 =	sadd.s32 s22, s3  }
0x15: {  	[timem:s7], [sflag:s23] =	dma.local [hbm:s5], s21  }
0x16: {  	_ =	swait.ge [sflag:s23], s21  }
0x17: {  	s4 =	ssub.s32 $0x0, s21;
	[sflag:s23] =	ssyncset.done $0x0  }
0x18: {  	[sflag:s23] =	ssyncadd.s32 s4;
	_ =	sdelay $0x1  }
0x19: {  	s24 =	simm.s32 $0x1B8B  }
0x1a: {  	_ =	swait.ge [sflag:s24], $0x1  }
0x1b: {  	[sflag:s24] =	ssyncset.done $0x0  }
0x1c: {  	s26 =	simm.s32 $0x1B8E;
	s25 =	sld [smem:$0x3FFE];
	[sflag:s24] =	ssyncadd.s32 $0xFFFFFFFF  }
0x1d: {  	s27 =	simm.s32 $execute0_lowered;
	[smem:$0x3FD2] =	sst s26  }
0x1e: {  	s5 =	sshll.u32 s27, $0x1;
	_ =	strace $0x8000004C;
	[dreg:$0x1] =	wrdreg $0xFFFFFFFF  }
0x1f: {  	s28 =	simm.s32 $_size_execute0_lowered;
	s3 =	sadd.s32 s3, s5;
	[dreg:$0x0] =	wrdreg $0x0  }
0x20: {  	s5 =	sshll.u32 s28, $0x1;
	[dreg:$0x2] =	wrdreg s3  }
0x21: {  	[dreg:$0x3] =	wrdreg s5  }
0x22: {  	[dreg:$0x4] =	wrdreg $0xC0  }
0x23: {  	_ =	task [dreg:s7], $0x5FFFF  }
0x24: {  	[dreg:$0x1] =	wrdreg $0xFFFFFFFF  }
0x25: {  	[dreg:$0x0] =	wrdreg $0x60  }
0x26: {  	[dreg:$0x2] =	wrdreg s25  }
0x27: {  	[dreg:$0x3] =	wrdreg s2  }
0x28: {  	[dreg:$0x4] =	wrdreg $0x9  }
0x29: {  	_ =	task.clear_ibuf [dreg:s7], $0x5FFFF;
	_ =	strace $0x9000004C  }
0x2a: {  	s29 =	simm.s32 $0x9;
	_ =	strace $0x8000004E  }
0x2b: {  	_ =	swait.ge [sflag:s29], $0x1  }
0x2c: {  	[sflag:s29] =	ssyncadd.s32 $0xFFFFFFFF  }
0x2d: {  	_ =	strace $0x9000004E  }
0x2e: {  	_ =	sfence  }
0x2f: {  	s30 =	sld [smem:$0x0];
	_ =	sdelay $0x2  }
0x30: {  	s31 =	sshll.u32 s1, $0xD;
	s1 =	sshrl.u32 s1, $0x2  }
0x31: {  	s3 =	sand.u32 $0x4000, s31;
	s1 =	sadd.s32 s1, s30  }
0x32: {  	s0 =	sor.u32 s3, s0;
	s1 =	sshll.u32 s1, $0x11  }
0x33: {  	s0 =	sor.u32 s1, s0  }
0x34: {  	s0 =	sadd.s32 $0x8F2B, s0  }
0x35: {  	[sflag:s0] =	ssyncadd.remote.s32 $0x1  }
0x36: {  	_ =	sfence.sel $0xFFFF  }
0x37: {  	[dreg:$0x0] =	wrdreg $0xFFFFFFFF;
	(pc) =	sbr.abs _section_cstart, $3  }
0x38: {  	[dreg:$0x1] =	wrdreg $0xFFFFFFFF  }
0x39: {  	_ =	task.clear_ibuf [dreg:s7], $0x2FFFF;
	_ =	strace $0x9FFFFFFF  }
0x3a: {  	(tm) =	ssettm $0x7FFFFFFF  }
0x3b: {  	_ =	shalt  }
tec
execute0_lowered:
.L_overlay_start_1:
0x0: {  	(tag) =	ssettag $0x1  }
0x1: {  	s0 =	stileid.u32  }
0x2: {  	s1 =	srdreg.scid;
	s7 =	rddreg [dreg:$0x0]  }
0x3: {  	s4 =	rddreg [dreg:$0x1];
	s31 =	simm.s32 $0x2;
	s15 =	simm.s32 $0x0  }
0x4: {  	s10 =	simm.s32 $0x0;
	s2 =	sshll.u32 s0, $0x7;
	s1 =	sshll.u32 s1, $0xB  }
0x5: {  	s16 =	simm.s32 $0x0;
	s17 =	simm.s32 $0x0;
	s1 =	sor.u32 s2, s1  }
0x6: {  	s12 =	simm.s32 $0x0;
	s2 =	sand.u32 $0x1, s0;
	s1 =	sand.u32 $0xF00, s1  }
0x7: {  	s14 =	simm.s32 $0x0;
	s5 =	ssub.s32 $0x2, s2;
	s3 =	ssub.s32 $0x27100, s1  }
0x8: {  	s7 =	sadd.s32 $0x200, s7;
	s8 =	sshrl.u32 s5, $0x1;
	s6 =	sand.u32 $0xF00, s3  }
0x9: {  	s5 =	sand.u32 $0x1, s5;
	p0 =	sne.s32 s6, $0x0;
	s6 =	simm.s32 $0x1  }
.Ltmp0:
0xa: {  	s9 =	sshrl.u32 s3, $0xC;
	s6 =	simm.s32 @!p0 $0x0;
	(pc) =	sbr.rel .LBB1_1-.Ltmp0, $4  }
0xb: {  	s3 =	rddreg [dreg:$0x2];
	s8 =	sadd.s32 s5, s8;
	s6 =	sadd.s32 s6, s9  }
0xc: {  	_ =	strace $0x8000004D;
	s5 =	simm.s32 $0x1;
	s6 =	smul.u32 s8, s6  }
0xd: {  	s13 =	smov.u32 s2;
	s11 =	smov.u32 s1;
	[sflag:s5] =	ssyncpa.u1 $0x0  }
0xe: {  	[sflag:s31] =	ssyncpa.u1 $0x0;
	s9 =	simm.s32 $0x27100;
	s8 =	sadd.s32 $0x1, s6  }
.LBB1_4:
0xf: {  	_ =	sdelay $0x1  }
0x10: {  	[tilespmem:s20+$0xFFFFFFE0] =	vst v8  }
0x11: {  	[tilespmem:s20+$0xFFFFFFF0] =	vst v7  }
0x12: {  	s23 =	sor.u32 s25, s24;
	[tilespmem:s20+$0x10] =	vst v1;
	v47 =	vld.idx.msk [tilespmem:v0+s21+$0x470 ss:$0x1], $0xffff  }
0x13: {  	[tilespmem:s20+$0x20] =	vst v2;
	v57 =	vld.idx.msk [tilespmem:v0+s23+$0x410 ss:$0x1], $0xffff  }
0x14: {  	[tilespmem:s20+$0x30] =	vst v3;
	v58 =	vld.idx.msk [tilespmem:v0+s23+$0x420 ss:$0x1], $0xffff  }
0x15: {  	[tilespmem:s20+$0x40] =	vst v4;
	v59 =	vld.idx.msk [tilespmem:v0+s23+$0x430 ss:$0x1], $0xffff  }
0x16: {  	[tilespmem:s20+$0x50] =	vst v5;
	v60 =	vld.idx.msk [tilespmem:v0+s23+$0x440 ss:$0x1], $0xffff  }
0x17: {  	[tilespmem:s20+$0x60] =	vst v6;
	s24 =	sand.u32 $0x3B00, s23;
	v61 =	vld.idx.msk [tilespmem:v0+s23+$0x450 ss:$0x1], $0xffff  }
0x18: {  	s22 =	sand.u32 $0x80, s22;
	s27 =	sadd.s32 $0x100, s20;
	v62 =	vld.idx.msk [tilespmem:v0+s23+$0x460 ss:$0x1], $0xffff;
	s19 =	sadd.s32 s24, s19;
	[tilespmem:s20+$0x70] =	vst v47  }
0x19: {  	v63 =	vld.idx.msk [tilespmem:v0+s23+$0x470 ss:$0x1], $0xffff;
	s19 =	sadd.s32 s22, s19;
	[tilespmem:s27+$0x10] =	vst v57  }
0x1a: {  	v48 =	vld [tilespmem:s19+$0x400];
	[tilespmem:s27+$0x20] =	vst v58  }
0x1b: {  	v49 =	vld [tilespmem:s19+$0x0];
	[tilespmem:s27+$0x30] =	vst v59  }
0x1c: {  	v50 =	vld [tilespmem:s19+$0x10];
	[tilespmem:s27+$0x40] =	vst v60  }
0x1d: {  	v51 =	vld [tilespmem:s19+$0x20];
	[tilespmem:s27+$0x50] =	vst v61  }
0x1e: {  	v52 =	vld [tilespmem:s19+$0x30];
	[tilespmem:s27+$0x60] =	vst v62  }
0x1f: {  	v53 =	vld [tilespmem:s19+$0x40];
	[tilespmem:s27+$0x70] =	vst v63  }
0x20: {  	s28 =	smulhi.u32 $0xD1B71759, s15;
	v54 =	vld [tilespmem:s19+$0x50];
	[tilespmem:s27+$0x0] =	vst v48  }
0x21: {  	v55 =	vld [tilespmem:s19+$0x60];
	[tilespmem:s27+$0xFFFFFF80] =	vst v49  }
0x22: {  	v56 =	vld [tilespmem:s19+$0x70];
	s19 =	sshrl.u32 s28, $0x11;
	[tilespmem:s27+$0xFFFFFF90] =	vst v50  }
0x23: {  	s19 =	smul.u32 $0x27100, s19;
	[tilespmem:s27+$0xFFFFFFA0] =	vst v51  }
0x24: {  	s17 =	smul.u32 $0x138800, s17;
	[tilespmem:s27+$0xFFFFFFB0] =	vst v52  }
0x25: {  	s16 =	smul.u32 $0x4E20, s16;
	s29 =	ssub.s32 s15, s19;
	[tilespmem:s27+$0xFFFFFFC0] =	vst v53  }
0x26: {  	s17 =	sadd.s32 s4, s17;
	s19 =	sand.u32 $0x7, s29;
	[tilespmem:s27+$0xFFFFFFD0] =	vst v54  }
0x27: {  	s16 =	sadd.s32 s16, s17;
	s15 =	sshrl.u32 s29, $0x3;
	[tilespmem:s27+$0xFFFFFFE0] =	vst v55;
	s30 =	sshll.u32 s19, $0x12  }
0x28: {  	[tilespmem:s27+$0xFFFFFFF0] =	vst v56;
	s15 =	sadd.s32 s15, s16;
	s31 =	sor.u32 $0x100, s30  }
0x29: {  	[hbm4b:s15+s31] =	stream.strided.scatter [tilespmem:s18], [sflag:$0x2], $0x4000, s9, s31, $0x38;
	[tilespmem:$0x10000] =	vst v63  }
.LBB1_5:
0x2a: {  	s18 =	sadd.s32 $0x1000, s11  }
0x2b: {  	s15 =	sadd.s32 $0x40, s12;
	s19 =	smov.u32 s12;
	p1 =	sgt.s32 s18, $0x270FF  }
0x2c: {  	s19 =	smov.u32 @p1 s15  }
0x2d: {  	s21 =	smov.u32 s13;
	s15 =	sadd.s32 $0x2, s13;
	p2 =	sgt.s32 s19, $0x3F  }
0x2e: {  	s21 =	smov.u32 @p2 s15  }
0x2f: {  	s18 =	smov.u32 @p1 s1;
	p1 =	sgt.s32 s21, $0x1  }
0x30: {  	p0 =	slt.u32 s14, $0x2;
	s21 =	smov.u32 @p1 s2;
	p1 =	sne.s32 s14, s8  }
.Ltmp1:
0x31: {  	s20 =	simm.s32 @!p0 $0x2;
	(pc) =	sbr.rel @!p1 .LBB1_6-.Ltmp1, $4  }
0x32: {  	s16 =	smov.u32 s12;
	s17 =	smov.u32 s13;
	_ =	swait.ge @!p0 [sflag:s20], $0x4000  }
0x33: {  	s10 =	sadd.s32 $0x4000, s10;
	[sflag:s20] =	ssyncset.done @!p0 $0x0;
	s19 =	simm.s32 @p2 $0x0  }
0x34: {  	s15 =	smov.u32 s11;
	[sflag:s20] =	ssyncadd.s32 @!p0 $0xFFFFC000;
	s11 =	smov.u32 s18  }
0x35: {  	s12 =	smov.u32 s19;
	s14 =	sadd.s32 $0x1, s14;
	s13 =	smov.u32 s21  }
.LBB1_1:
0x36: {  	p0 =	sge.u32 s14, s6  }
0x37: {  	s18 =	sshrl.u32 @!p0 s12, $0x3  }
0x38: {  	s19 =	sshll.u32 @!p0 s11, $0x3;
	s18 =	smul.u32 @!p0 $0x138800, s18  }
0x39: {  	s20 =	sshll.u32 @!p0 s12, $0x7;
	s19 =	sand.u32 @!p0 $0xFFFFFC00, s19  }
0x3a: {  	s18 =	sadd.s32 @!p0 s18, s19;
	s19 =	sand.u32 @!p0 $0x380, s20  }
0x3b: {  	s20 =	sand.u32 @!p0 $0x7F, s11;
	s18 =	sor.u32 @!p0 s19, s18  }
0x3c: {  	s19 =	sor.u32 @!p0 s20, s18  }
0x3d: {  	s20 =	smulhi.u32 @!p0 $0xD1B71759, s19  }
0x3e: {  	s18 =	smulhi.u32 @!p0 $0xD1B71759, s18  }
0x3f: {  	s20 =	sshrl.u32 @!p0 s20, $0x11  }
0x40: {  	s31 =	sadd.s32 $0xFFFFFFFF, s14;
	s18 =	sshrl.u32 @!p0 s18, $0x11;
	s20 =	smul.u32 @!p0 $0x27100, s20  }
0x41: {  	s21 =	sxor.u32 @!p0 $0xFFFFFFFF, s14;
	s22 =	smul.u32 @!p0 $0x138800, s13;
	s18 =	sand.u32 @!p0 $0x3F, s18  }
0x42: {  	s21 =	sshll.u32 @!p0 s21, $0xE;
	s18 =	smul.u32 @!p0 $0x4E20, s18;
	s19 =	ssub.s32 @!p0 s19, s20  }
0x43: {  	s20 =	sand.u32 @!p0 $0x4000, s21;
	s21 =	sadd.s32 @!p0 s7, s22;
	s22 =	sand.u32 @!p0 $0x7, s19  }
0x44: {  	s19 =	sshrl.u32 @!p0 s19, $0x3;
	s18 =	sadd.s32 @!p0 s18, s21;
	s21 =	sshll.u32 @!p0 s22, $0x12  }
0x45: {  	s18 =	sadd.s32 @!p0 s19, s18;
	s19 =	sor.u32 @!p0 $0x800, s21;
	s21 =	simm.s32 @!p0 $0x138800  }
0x46: {  	[tilespmem:s20], [sflag:$0x1] =	stream.strided.gather @!p0 [hbm4b:s18+s19], $0x4000, s21, s19, $0x38;
	[tilespmem:$0x10000] =	vst v63  }
0x47: {  	p0 =	sge.u32 s31, s6  }
.Ltmp2:
0x48: {  	_ = 	snop;
	(pc) =	sbr.rel @p0 .LBB1_5-.Ltmp2, $1  }
0x49: {  	_ =	sdelay $0x3  }
0x4a: {  	s30 =	simm.s32 $0x0  }
0x4b: {  	s20 =	sand.u32 $0x3800, s30;
	s21 =	sand.u32 $0x380, s30  }
0x4c: {  	s18 =	sshll.u32 s14, $0xE;
	s21 =	sor.u32 s21, s20  }
0x4d: {  	_ =	swait.ge [sflag:s5], $0x4000;
	s19 =	sand.u32 $0x4000, s18;
	s20 =	sand.u32 $0x3B00, s21  }
0x4e: {  	[sflag:s5] =	ssyncset.done $0x0;
	s18 =	sand.u32 $0x80, s30;
	s20 =	sadd.s32 s20, s19  }
0x4f: {  	[sflag:s5] =	ssyncadd.s32 $0xFFFFC000;
	s18 =	sadd.s32 s18, s20  }
0x50: {  	v4 =	vld [tilespmem:s18+$0x400]  }
0x51: {  	v5 =	vld [tilespmem:s18+$0x0]  }
0x52: {  	v6 =	vld [tilespmem:s18+$0x10]  }
0x53: {  	v0 =	vmov s19;
	v7 =	vld [tilespmem:s18+$0x20]  }
0x54: {  	v9 =	vld [tilespmem:s18+$0x30]  }
0x55: {  	v10 =	vld [tilespmem:s18+$0x40]  }
0x56: {  	s31 =	sand.u32 $0x4000, s10;
	v11 =	vld [tilespmem:s18+$0x50]  }
0x57: {  	s20 =	sor.u32 $0x8080, s31;
	v8 =	vld [tilespmem:s18+$0x60]  }
0x58: {  	v1 =	vld.idx.msk [tilespmem:v0+s21+$0x410 ss:$0x1], $0xffff;
	[tilespmem:s20+$0x0] =	vst v4  }
0x59: {  	v2 =	vld.idx.msk [tilespmem:v0+s21+$0x420 ss:$0x1], $0xffff;
	[tilespmem:s20+$0xFFFFFF80] =	vst v5  }
0x5a: {  	v3 =	vld.idx.msk [tilespmem:v0+s21+$0x430 ss:$0x1], $0xffff;
	[tilespmem:s20+$0xFFFFFF90] =	vst v6  }
0x5b: {  	[tilespmem:s20+$0xFFFFFFA0] =	vst v7;
	v7 =	vld [tilespmem:s18+$0x70]  }
0x5c: {  	s23 =	simm.s32 $0x100;
	[tilespmem:s20+$0xFFFFFFB0] =	vst v9;
	v4 =	vld.idx.msk [tilespmem:v0+s21+$0x440 ss:$0x1], $0xffff  }
0x5d: {  	s22 =	simm.s32 $0x80;
	s24 =	sand.u32 $0x3800, s23;
	[tilespmem:s20+$0xFFFFFFC0] =	vst v10;
	v5 =	vld.idx.msk [tilespmem:v0+s21+$0x450 ss:$0x1], $0xffff  }
0x5e: {  	s25 =	sand.u32 $0x380, s22;
	s23 =	simm.s32 $0x200;
	s18 =	sor.u32 $0x8000, s19;
	[tilespmem:s20+$0xFFFFFFD0] =	vst v11;
	v6 =	vld.idx.msk [tilespmem:v0+s21+$0x460 ss:$0x1], $0xffff  }
.LBB1_3:
0x5f: {  	p0 =	sne.s32 s23, $0x3F00;
	[tilespmem:s20+$0xFFFFFFE0] =	vst v8;
	v8 =	vld.idx.msk [tilespmem:v0+s21+$0x470 ss:$0x1], $0xffff;
	s21 =	sor.u32 s25, s24  }
0x60: {  	s24 =	sand.u32 $0x3B00, s21;
	v9 =	vld.idx.msk [tilespmem:v0+s21+$0x410 ss:$0x1], $0xffff;
	[tilespmem:s20+$0xFFFFFFF0] =	vst v7  }
0x61: {  	s25 =	sand.u32 $0x80, s22;
	s24 =	sadd.s32 s24, s19;
	v7 =	vld.idx.msk [tilespmem:v0+s21+$0x420 ss:$0x1], $0xffff;
	[tilespmem:s20+$0x10] =	vst v1  }
0x62: {  	s24 =	sadd.s32 s25, s24;
	v10 =	vld.idx.msk [tilespmem:v0+s21+$0x430 ss:$0x1], $0xffff;
	[tilespmem:s20+$0x20] =	vst v2  }
0x63: {  	v11 =	vld [tilespmem:s24+$0x400];
	[tilespmem:s20+$0x30] =	vst v3  }
0x64: {  	v12 =	vld [tilespmem:s24+$0x0];
	[tilespmem:s20+$0x40] =	vst v4  }
0x65: {  	v4 =	vld [tilespmem:s24+$0x10];
	[tilespmem:s20+$0x50] =	vst v5  }
0x66: {  	v1 =	vmov v9;
	v5 =	vld [tilespmem:s24+$0x20];
	[tilespmem:s20+$0x60] =	vst v6  }
0x67: {  	v2 =	vmov v7;
	v6 =	vld [tilespmem:s24+$0x30];
	[tilespmem:s20+$0x70] =	vst v8;
	s20 =	sadd.s32 $0x100, s20  }
0x68: {  	v3 =	vmov v10;
	v9 =	vld [tilespmem:s24+$0x40];
	[tilespmem:s20+$0x0] =	vst v11  }
0x69: {  	[tilespmem:s20+$0xFFFFFF80] =	vst v12;
	v10 =	vld [tilespmem:s24+$0x50]  }
.Ltmp3:
0x6a: {  	[tilespmem:s20+$0xFFFFFF90] =	vst v4;
	v8 =	vld [tilespmem:s24+$0x60];
	(pc) =	sbr.rel @p0 .LBB1_3-.Ltmp3, $4  }
0x6b: {  	[tilespmem:s20+$0xFFFFFFA0] =	vst v5;
	v7 =	vld [tilespmem:s24+$0x70]  }
0x6c: {  	[tilespmem:s20+$0xFFFFFFB0] =	vst v6;
	v4 =	vld.idx.msk [tilespmem:v0+s21+$0x440 ss:$0x1], $0xffff  }
0x6d: {  	s22 =	sadd.s32 $0x80, s22;
	[tilespmem:s20+$0xFFFFFFC0] =	vst v9;
	v5 =	vld.idx.msk [tilespmem:v0+s21+$0x450 ss:$0x1], $0xffff  }
0x6e: {  	s25 =	sand.u32 $0x380, s22;
	s24 =	sand.u32 $0x3800, s23;
	s23 =	sadd.s32 $0x100, s23;
	[tilespmem:s20+$0xFFFFFFD0] =	vst v10;
	v6 =	vld.idx.msk [tilespmem:v0+s21+$0x460 ss:$0x1], $0xffff  }
.Ltmp4:
0x6f: {  	_ = 	snop;
	(pc) =	sbr.rel .LBB1_4-.Ltmp4, $1  }
0x70: {  	_ =	sdelay $0x3  }
.LBB1_6:
0x71: {  	_ =	sfence.sel $0x180000  }
0x72: {  	s1 =	simm.s32 $0x1;
	[bflag:$0x0] =	sbarrier.arrive $0xFFFF  }
0x73: {  	s31 =	simm.s32 $0x2;
	[sflag:s1] =	ssyncpa.u1 $0x1  }
0x74: {  	[sflag:s31] =	ssyncpa.u1 $0x1  }
0x75: {  	p0 =	sne.s32 s0, $0x0;
	_ =	strace $0x9000004D  }
0x76: {  	s0 =	sadd.s32 @!p0 $0x100000, s3;
	[bflag:$0x2] =	sbarrier.arrive $0xFFFF  }
0x77: {  	[sflag:s0] =	ssyncadd.tile.s32 @!p0 $0x1;
	_ =	shalt  }
.Lfunc_end1:
_tile_overlayer_lowered:
.L_overlay_start_2:
0x78: {  	(tag) =	ssettag $0x2  }
0x79: {  	s0 =	rddreg [dreg:$0x0];
	s2 =	stileid.u32  }
0x7a: {  	s1 =	rddreg [dreg:$0x1];
	p0 =	sne.s32 s2, $0x0  }
0x7b: {  	s3 =	rddreg [dreg:$0x2];
	[bflag:$0x3] =	sbarrier.arrive $0xFFFF;
	s2 =	simm.s32 @!p0 $0x1C01  }
0x7c: {  	[timem:s3], [sflag:s2] =	dma.local @!p0 [hbm:s0], s1  }
0x7d: {  	s0 =	simm.s32 @!p0 $0x1  }
0x7e: {  	_ =	swait.ge @!p0 [sflag:s0], s1  }
0x7f: {  	s1 =	ssub.s32 @!p0 $0x0, s1;
	[sflag:s0] =	ssyncset.done @!p0 $0x0  }
0x80: {  	[sflag:s0] =	ssyncadd.s32 @!p0 s1  }
0x81: {  	[bflag:$0x3] =	sbarrier.arrive $0xFFFF  }
0x82: {  	_ =	shalt  }

</sc_bundles>
